<compile_context>
chip_gen: v7x
topology: tpu7x:2x2x1
jax: 0.10.2.dev20260603
libtpu: 0.0.44.dev20260713+nightly
codegen_flags: <defaults>
</compile_context>

<pallas_src>
import functools

import jax
import jax.numpy as jnp
from jax import lax
from jax.experimental import pallas as pl
from jax.experimental.pallas import tpu as pltpu
from jax.experimental.pallas import tpu_sc as plsc

_N = 10000
_E = 320000
_F = 128
_CH = 128
_TCH = _E // _CH
_NC = 2
_NS = 16
_NW = _NC * _NS
_MAXCH = (_TCH + _NW - 1) // _NW
_RPT = (_N // _NS) // 8 * 8
_RTAIL = _N - _NS * _RPT
_BM = 1000
_ILAG = 8
_SLAG = 4

_mesh = plsc.VectorSubcoreMesh(core_axis_name="c", subcore_axis_name="s")


@functools.partial(
    pl.kernel,
    mesh=_mesh,
    out_type=jax.ShapeDtypeStruct((_NC, _N, _F), jnp.float32),
    scratch_types=[
        pltpu.VMEM((_MAXCH, _CH), jnp.int32),
        pltpu.VMEM((_CH, _F), jnp.float32),
        pltpu.VMEM_SHARED((_N, _F), jnp.float32),
        pltpu.SemaphoreType.DMA,
        pltpu.SemaphoreType.DMA,
    ],
)
def _sc_degree(dst_hbm, ones_hbm, zeros_hbm, out_hbm,
               dst_all, ones_v, acc, isem, ssem):
    cid = lax.axis_index("c")
    sid = lax.axis_index("s")
    wid = sid * _NC + cid
    nch = (_TCH - wid + _NW - 1) // _NW

    def iwait_one(j, carry):
        pltpu.make_async_copy(dst_hbm.at[pl.ds(0, _CH)],
                              dst_all.at[0], isem).wait()
        return carry

    def ifire(j, carry):
        off = (wid + j * _NW) * _CH
        pltpu.async_copy(dst_hbm.at[pl.ds(off, _CH)], dst_all.at[j], isem)

        @pl.when(j >= _ILAG)
        def _():
            iwait_one(j, 0)

        return carry

    lax.fori_loop(0, nch, ifire, 0)

    pltpu.sync_copy(ones_hbm, ones_v)
    pltpu.sync_copy(zeros_hbm.at[pl.ds(sid * _RPT, _RPT)],
                    acc.at[pl.ds(sid * _RPT, _RPT)])

    @pl.when(sid == 0)
    def _():
        pltpu.sync_copy(zeros_hbm.at[pl.ds(_NS * _RPT, _RTAIL)],
                        acc.at[pl.ds(_NS * _RPT, _RTAIL)])

    lax.fori_loop(0, _ILAG, iwait_one, 0)
    plsc.subcore_barrier()

    def swait_one(j, carry):
        pltpu.make_async_copy(ones_v, acc.at[dst_all.at[0]], ssem).wait()
        return carry

    def sfire(j, carry):
        pltpu.async_copy(ones_v, acc.at[dst_all.at[j]], ssem, add=True)

        @pl.when(j >= _SLAG)
        def _():
            swait_one(j, 0)

        return carry

    lax.fori_loop(0, nch, sfire, 0)
    lax.fori_loop(0, _SLAG, swait_one, 0)
    plsc.subcore_barrier()

    pltpu.sync_copy(acc.at[pl.ds(sid * _RPT, _RPT)],
                    out_hbm.at[cid, pl.ds(sid * _RPT, _RPT)])

    @pl.when(sid == 0)
    def _():
        pltpu.sync_copy(acc.at[pl.ds(_NS * _RPT, _RTAIL)],
                        out_hbm.at[cid, pl.ds(_NS * _RPT, _RTAIL)])


@functools.partial(
    pl.kernel,
    mesh=_mesh,
    out_type=jax.ShapeDtypeStruct((_NC, _N, _F), jnp.float32),
    scratch_types=[
        pltpu.VMEM((_CH,), jnp.int32),
        pltpu.VMEM((_CH,), jnp.int32),
        pltpu.VMEM((_CH,), jnp.int32),
        pltpu.VMEM((_CH,), jnp.int32),
        pltpu.VMEM((_CH,), jnp.int32),
        pltpu.VMEM((_CH,), jnp.int32),
        pltpu.VMEM((_CH, _F), jnp.float32),
        pltpu.VMEM((_CH, _F), jnp.float32),
        pltpu.VMEM((_CH, _F), jnp.float32),
        pltpu.VMEM_SHARED((_N, _F), jnp.float32),
        pltpu.SemaphoreType.DMA,
        pltpu.SemaphoreType.DMA,
        pltpu.SemaphoreType.DMA,
        pltpu.SemaphoreType.DMA,
        pltpu.SemaphoreType.DMA,
        pltpu.SemaphoreType.DMA,
        pltpu.SemaphoreType.DMA,
        pltpu.SemaphoreType.DMA,
        pltpu.SemaphoreType.DMA,
        pltpu.SemaphoreType.DMA,
        pltpu.SemaphoreType.DMA,
        pltpu.SemaphoreType.DMA,
    ],
)
def _sc_aggregate(p_hbm, src_hbm, dst_hbm, zeros_hbm, out_hbm,
                  sb0, sb1, sb2, db0, db1, db2, rows0, rows1, rows2, acc,
                  isrc0, isrc1, isrc2, idst0, idst1, idst2,
                  gsem0, gsem1, gsem2, ssem0, ssem1, ssem2):
    cid = lax.axis_index("c")
    sid = lax.axis_index("s")
    wid = sid * _NC + cid
    nch = (_TCH - wid + _NW - 1) // _NW
    sb = (sb0, sb1, sb2)
    db = (db0, db1, db2)
    rows = (rows0, rows1, rows2)
    isrc = (isrc0, isrc1, isrc2)
    idst = (idst0, idst1, idst2)
    gsem = (gsem0, gsem1, gsem2)
    ssem = (ssem0, ssem1, ssem2)

    def ioff(j):
        return (wid + j * _NW) * _CH

    def istart_src(j, b):
        pltpu.async_copy(src_hbm.at[pl.ds(ioff(j), _CH)], sb[b], isrc[b])

    def istart_dst(j, b):
        pltpu.async_copy(dst_hbm.at[pl.ds(ioff(j), _CH)], db[b], idst[b])

    def iwait_src(b):
        pltpu.make_async_copy(src_hbm.at[pl.ds(0, _CH)], sb[b],
                              isrc[b]).wait()

    def iwait_dst(b):
        pltpu.make_async_copy(dst_hbm.at[pl.ds(0, _CH)], db[b],
                              idst[b]).wait()

    def gstart(j, b):
        pltpu.async_copy(p_hbm.at[sb[b]], rows[b], gsem[b])

    def gwait(b):
        pltpu.make_async_copy(p_hbm.at[sb[b]], rows[b], gsem[b]).wait()

    def sstart(j, b):
        pltpu.async_copy(rows[b], acc.at[db[b]], ssem[b], add=True)

    def swait(b):
        pltpu.make_async_copy(rows[b], acc.at[db[b]], ssem[b]).wait()

    istart_src(0, 0)
    istart_src(1, 1)
    istart_src(2, 2)
    istart_dst(0, 0)
    istart_dst(1, 1)

    pltpu.sync_copy(zeros_hbm.at[pl.ds(sid * _RPT, _RPT)],
                    acc.at[pl.ds(sid * _RPT, _RPT)])

    @pl.when(sid == 0)
    def _():
        pltpu.sync_copy(zeros_hbm.at[pl.ds(_NS * _RPT, _RTAIL)],
                        acc.at[pl.ds(_NS * _RPT, _RTAIL)])

    plsc.subcore_barrier()

    iwait_src(0)
    gstart(0, 0)
    iwait_src(1)
    gstart(1, 1)

    def body(t, carry):
        j0 = 3 * t

        def unit(u):
            j = j0 + u
            b = u
            b2 = (u + 2) % 3

            @pl.when(j + 2 < nch)
            def _():
                @pl.when(j >= 1)
                def _():
                    swait(b2)

                istart_dst(j + 2, b2)
                iwait_src(b2)
                gstart(j + 2, b2)

            gwait(b)

            @pl.when(j + 3 < nch)
            def _():
                istart_src(j + 3, b)

            iwait_dst(b)
            sstart(j, b)

        unit(0)
        unit(1)
        unit(2)
        return carry

    lax.fori_loop(0, 26, body, 0)

    @pl.when(nch % 3 == 1)
    def _():
        gwait(0)
        iwait_dst(0)
        sstart(_MAXCH - 1, 0)

    swait(0)
    swait(1)
    swait(2)
    plsc.subcore_barrier()
    pltpu.sync_copy(acc.at[pl.ds(sid * _RPT, _RPT)],
                    out_hbm.at[cid, pl.ds(sid * _RPT, _RPT)])

    @pl.when(sid == 0)
    def _():
        pltpu.sync_copy(acc.at[pl.ds(_NS * _RPT, _RTAIL)],
                        out_hbm.at[cid, pl.ds(_NS * _RPT, _RTAIL)])


def _norm_from(d0, d1):
    deg = d0[:, 0:1] + d1[:, 0:1]
    return jnp.where(deg > 0.0, lax.rsqrt(jnp.maximum(deg, 1.0)), 0.0)


def _tc_mm1_body(x_ref, w_ref, d0_ref, d1_ref, o_ref):
    norm = _norm_from(d0_ref[...], d1_ref[...])
    o_ref[...] = jnp.dot(x_ref[...], w_ref[...],
                         preferred_element_type=jnp.float32) * norm


def _tc_mid_body(a0_ref, a1_ref, d0_ref, d1_ref, b_ref, w_ref, o_ref):
    norm = _norm_from(d0_ref[...], d1_ref[...])
    h = jnp.maximum((a0_ref[...] + a1_ref[...]) * norm + b_ref[...], 0.0)
    o_ref[...] = jnp.dot(h, w_ref[...],
                         preferred_element_type=jnp.float32) * norm


def _tc_out_body(a0_ref, a1_ref, d0_ref, d1_ref, b_ref, w_ref, bo_ref, o_ref):
    norm = _norm_from(d0_ref[...], d1_ref[...])
    h = jnp.maximum((a0_ref[...] + a1_ref[...]) * norm + b_ref[...], 0.0)
    o_ref[...] = jnp.dot(h, w_ref[...],
                         preferred_element_type=jnp.float32) + bo_ref[...]


def _row_spec(w):
    return pl.BlockSpec((_BM, w), lambda i: (i, 0))


def _full_spec(shape):
    return pl.BlockSpec(shape, lambda i: (0, 0))


def kernel(x, edge_index, W1, b1, W2, b2, W_out, b_out):
    src = edge_index[0]
    dst = edge_index[1]
    nclass = W_out.shape[1]
    grid = (_N // _BM,)

    ones128 = jnp.ones((_CH, _F), jnp.float32)
    zerosf = jnp.zeros((_N, _F), jnp.float32)

    degp = _sc_degree(dst, ones128, zerosf)
    d0, d1 = degp[0], degp[1]

    p1 = pl.pallas_call(
        _tc_mm1_body,
        grid=grid,
        in_specs=[_row_spec(_F), _full_spec((_F, _F)),
                  _row_spec(_F), _row_spec(_F)],
        out_specs=_row_spec(_F),
        out_shape=jax.ShapeDtypeStruct((_N, _F), jnp.float32),
    )(x, W1, d0, d1)

    a1 = _sc_aggregate(p1, src, dst, zerosf)

    p2 = pl.pallas_call(
        _tc_mid_body,
        grid=grid,
        in_specs=[_row_spec(_F), _row_spec(_F), _row_spec(_F), _row_spec(_F),
                  _full_spec((1, _F)), _full_spec((_F, _F))],
        out_specs=_row_spec(_F),
        out_shape=jax.ShapeDtypeStruct((_N, _F), jnp.float32),
    )(a1[0], a1[1], d0, d1, b1.reshape(1, _F), W2)

    a2 = _sc_aggregate(p2, src, dst, zerosf)

    out = pl.pallas_call(
        _tc_out_body,
        grid=grid,
        in_specs=[_row_spec(_F), _row_spec(_F), _row_spec(_F), _row_spec(_F),
                  _full_spec((1, _F)), _full_spec((_F, nclass)),
                  _full_spec((1, nclass))],
        out_specs=_row_spec(nclass),
        out_shape=jax.ShapeDtypeStruct((_N, nclass), jnp.float32),
    )(a2[0], a2[1], d0, d1, b2.reshape(1, _F), W_out, b_out.reshape(1, nclass))

    return out

# --- scband reference (transcript-rebuilt; emitter-appended) ---
"""Pipeline reference for scband-gcn-50302656971357 (READ-ONLY COPY).

The authoritative reference and input builder live on the scoring server;
editing this copy changes nothing except your own understanding.
"""

import jax, jax.numpy as jnp
import numpy as np

N = 10000
E = 320000
NFEAT = 128
NHID = 128
NCLASS = 40


def setup_inputs(seed: int = 0):
    key = jax.random.key(seed)
    ks = jax.random.split(key, 8)
    x = jax.random.normal(ks[0], (N, NFEAT), dtype=jnp.float32)
    edge_index = jax.random.randint(ks[1], (2, E), 0, N, dtype=jnp.int32)
    s1 = 1.0 / np.sqrt(NFEAT)
    W1 = jax.random.uniform(ks[2], (NFEAT, NHID), jnp.float32, -s1, s1)
    b1 = jnp.zeros((NHID,), jnp.float32)
    s2 = 1.0 / np.sqrt(NHID)
    W2 = jax.random.uniform(ks[3], (NHID, NHID), jnp.float32, -s2, s2)
    b2 = jnp.zeros((NHID,), jnp.float32)
    W_out = jax.random.uniform(ks[4], (NHID, NCLASS), jnp.float32, -s2, s2)
    b_out = jnp.zeros((NCLASS,), jnp.float32)
    return {"x": x, "edge_index": edge_index, "W1": W1, "b1": b1, "W2": W2, "b2": b2, "W_out": W_out, "b_out": b_out}


def _gcn_conv(h, src, dst, norm, W, b):
    # GraphConv with symmetric degree normalization: D^{-1/2} A D^{-1/2} (h W) + b
    h = h @ W
    msg = h[src] * norm[src][:, None]          # gather (SparseCore-friendly)
    agg = jnp.zeros_like(h).at[dst].add(msg)   # scatter-add
    return agg * norm[:, None] + b


def reference(x, edge_index, W1, b1, W2, b2, W_out, b_out):
    src = edge_index[0]
    dst = edge_index[1]
    deg = jnp.zeros((N,), jnp.float32).at[dst].add(1.0)
    norm = jnp.where(deg > 0, jax.lax.rsqrt(jnp.maximum(deg, 1.0)), 0.0)
    h = jax.nn.relu(_gcn_conv(x, src, dst, norm, W1, b1))
    h = jax.nn.relu(_gcn_conv(h, src, dst, norm, W2, b2))
    return h @ W_out + b_out

if __name__ == "__main__":
    import jax
    _d = setup_inputs()
    print(jax.jit(kernel)(*tuple(_d.values())))

</pallas_src>

<mosaic_0001>
#map = affine_map<(d0, d1) -> (0, 0)>
#map1 = affine_map<(d0, d1) -> (0)>
#map2 = affine_map<(d0, d1) -> (0, 0, 0)>
module attributes {stable_mosaic.version = 14 : i64} {
  func.func @_sc_aggregate(%arg0: i32, %arg1: i32, %arg2: memref<10000x128xf32, #tpu.memory_space<hbm>>, %arg3: memref<320000xi32, #tpu.memory_space<hbm>>, %arg4: memref<320000xi32, #tpu.memory_space<hbm>>, %arg5: memref<10000x128xf32, #tpu.memory_space<hbm>>, %arg6: memref<2x10000x128xf32, #tpu.memory_space<hbm>>, %arg7: memref<128xi32, #tpu.memory_space<vmem>>, %arg8: memref<128xi32, #tpu.memory_space<vmem>>, %arg9: memref<128xi32, #tpu.memory_space<vmem>>, %arg10: memref<128xi32, #tpu.memory_space<vmem>>, %arg11: memref<128xi32, #tpu.memory_space<vmem>>, %arg12: memref<128xi32, #tpu.memory_space<vmem>>, %arg13: memref<128x128xf32, #tpu.memory_space<vmem>>, %arg14: memref<128x128xf32, #tpu.memory_space<vmem>>, %arg15: memref<128x128xf32, #tpu.memory_space<vmem>>, %arg16: memref<10000x128xf32, #tpu.memory_space<vmem_shared>>, %arg17: memref<!tpu.dma_semaphore, #tpu.memory_space<semaphore_mem>>, %arg18: memref<!tpu.dma_semaphore, #tpu.memory_space<semaphore_mem>>, %arg19: memref<!tpu.dma_semaphore, #tpu.memory_space<semaphore_mem>>, %arg20: memref<!tpu.dma_semaphore, #tpu.memory_space<semaphore_mem>>, %arg21: memref<!tpu.dma_semaphore, #tpu.memory_space<semaphore_mem>>, %arg22: memref<!tpu.dma_semaphore, #tpu.memory_space<semaphore_mem>>, %arg23: memref<!tpu.dma_semaphore, #tpu.memory_space<semaphore_mem>>, %arg24: memref<!tpu.dma_semaphore, #tpu.memory_space<semaphore_mem>>, %arg25: memref<!tpu.dma_semaphore, #tpu.memory_space<semaphore_mem>>, %arg26: memref<!tpu.dma_semaphore, #tpu.memory_space<semaphore_mem>>, %arg27: memref<!tpu.dma_semaphore, #tpu.memory_space<semaphore_mem>>, %arg28: memref<!tpu.dma_semaphore, #tpu.memory_space<semaphore_mem>>) attributes {dimension_semantics = [#tpu.dimension_semantics<core_parallel>, #tpu.dimension_semantics<subcore_parallel>], iteration_bounds = array<i64: 2, 16>, scalar_prefetch = 0 : i64, scratch_operands = 22 : i64, tpu.core_type = #tpu.core_type<sc_vector_subcore>, window_params = [{transform_indices = #map}, {transform_indices = #map1}, {transform_indices = #map1}, {transform_indices = #map}, {transform_indices = #map2}]} {
    %mul3A = arith.constant 2 : i32
    %mul3A_0 = arith.muli %arg1, %mul3A : i32
    %add3A = arith.addi %mul3A_0, %arg0 : i32
    %sub3A = arith.constant 2500 : i32
    %sub3A_1 = arith.subi %sub3A, %add3A : i32
    %add3A_2 = arith.constant 32 : i32
    %add3A_3 = arith.addi %sub3A_1, %add3A_2 : i32
    %sub3A_4 = arith.constant 1 : i32
    %sub3A_5 = arith.subi %add3A_3, %sub3A_4 : i32
    %jit3A = arith.constant 32 : i32
    %div3A = arith.divsi %sub3A_5, %jit3A : i32
    %sign3A = arith.constant 0 : i32
    %sign3A_6 = arith.cmpi sgt, %sub3A_5, %sign3A : i32
    %sign3A_7 = arith.extui %sign3A_6 : i1 to i32
    %sign3A_8 = arith.constant 0 : i32
    %sign3A_9 = arith.cmpi slt, %sub3A_5, %sign3A_8 : i32
    %sign3A_10 = arith.extui %sign3A_9 : i1 to i32
    %sign3A_11 = arith.subi %sign3A_7, %sign3A_10 : i32
    %sign3A_12 = arith.constant 0 : i32
    %sign3A_13 = arith.cmpi sgt, %jit3A, %sign3A_12 : i32
    %sign3A_14 = arith.extui %sign3A_13 : i1 to i32
    %sign3A_15 = arith.constant 0 : i32
    %sign3A_16 = arith.cmpi slt, %jit3A, %sign3A_15 : i32
    %sign3A_17 = arith.extui %sign3A_16 : i1 to i32
    %sign3A_18 = arith.subi %sign3A_14, %sign3A_17 : i32
    %ne3A = arith.cmpi ne, %sign3A_11, %sign3A_18 : i32
    %rem3A = arith.remsi %sub3A_5, %jit3A : i32
    %ne3A_19 = arith.constant 0 : i32
    %ne3A_20 = arith.cmpi ne, %rem3A, %ne3A_19 : i32
    %and3A = arith.andi %ne3A, %ne3A_20 : i1
    %sub3A_21 = arith.constant 1 : i32
    %sub3A_22 = arith.subi %div3A, %sub3A_21 : i32
    %select_n3A = arith.select %and3A, %sub3A_22, %div3A : i32
    %add3A_23 = arith.constant 0 : i32
    %add3A_24 = arith.addi %add3A, %add3A_23 : i32
    %mul3A_25 = arith.constant 128 : i32
    %mul3A_26 = arith.muli %add3A_24, %mul3A_25 : i32
    %dma_start3A = tpu.memref_slice %arg3[%mul3A_26] : memref<320000xi32, #tpu.memory_space<hbm>> -> memref<128xi32, #tpu.memory_space<hbm>>
    %dma_start3A_27 = tpu.memref_slice %arg3[%mul3A_26] : memref<320000xi32, #tpu.memory_space<hbm>> -> memref<128xi32, #tpu.memory_space<hbm>>
    tpu.enqueue_dma source(%dma_start3A_27 : memref<128xi32, #tpu.memory_space<hbm>>) target(%arg7 : memref<128xi32, #tpu.memory_space<vmem>>) target_semaphore(%arg17 : memref<!tpu.dma_semaphore, #tpu.memory_space<semaphore_mem>>)
    %add3A_28 = arith.constant 32 : i32
    %add3A_29 = arith.addi %add3A, %add3A_28 : i32
    %mul3A_30 = arith.constant 128 : i32
    %mul3A_31 = arith.muli %add3A_29, %mul3A_30 : i32
    %dma_start3A_32 = tpu.memref_slice %arg3[%mul3A_31] : memref<320000xi32, #tpu.memory_space<hbm>> -> memref<128xi32, #tpu.memory_space<hbm>>
    %dma_start3A_33 = tpu.memref_slice %arg3[%mul3A_31] : memref<320000xi32, #tpu.memory_space<hbm>> -> memref<128xi32, #tpu.memory_space<hbm>>
    tpu.enqueue_dma source(%dma_start3A_33 : memref<128xi32, #tpu.memory_space<hbm>>) target(%arg8 : memref<128xi32, #tpu.memory_space<vmem>>) target_semaphore(%arg18 : memref<!tpu.dma_semaphore, #tpu.memory_space<semaphore_mem>>)
    %add3A_34 = arith.constant 64 : i32
    %add3A_35 = arith.addi %add3A, %add3A_34 : i32
    %mul3A_36 = arith.constant 128 : i32
    %mul3A_37 = arith.muli %add3A_35, %mul3A_36 : i32
    %dma_start3A_38 = tpu.memref_slice %arg3[%mul3A_37] : memref<320000xi32, #tpu.memory_space<hbm>> -> memref<128xi32, #tpu.memory_space<hbm>>
    %dma_start3A_39 = tpu.memref_slice %arg3[%mul3A_37] : memref<320000xi32, #tpu.memory_space<hbm>> -> memref<128xi32, #tpu.memory_space<hbm>>
    tpu.enqueue_dma source(%dma_start3A_39 : memref<128xi32, #tpu.memory_space<hbm>>) target(%arg9 : memref<128xi32, #tpu.memory_space<vmem>>) target_semaphore(%arg19 : memref<!tpu.dma_semaphore, #tpu.memory_space<semaphore_mem>>)
    %add3A_40 = arith.constant 0 : i32
    %add3A_41 = arith.addi %add3A, %add3A_40 : i32
    %mul3A_42 = arith.constant 128 : i32
    %mul3A_43 = arith.muli %add3A_41, %mul3A_42 : i32
    %dma_start3A_44 = tpu.memref_slice %arg4[%mul3A_43] : memref<320000xi32, #tpu.memory_space<hbm>> -> memref<128xi32, #tpu.memory_space<hbm>>
    %dma_start3A_45 = tpu.memref_slice %arg4[%mul3A_43] : memref<320000xi32, #tpu.memory_space<hbm>> -> memref<128xi32, #tpu.memory_space<hbm>>
    tpu.enqueue_dma source(%dma_start3A_45 : memref<128xi32, #tpu.memory_space<hbm>>) target(%arg10 : memref<128xi32, #tpu.memory_space<vmem>>) target_semaphore(%arg20 : memref<!tpu.dma_semaphore, #tpu.memory_space<semaphore_mem>>)
    %add3A_46 = arith.constant 32 : i32
    %add3A_47 = arith.addi %add3A, %add3A_46 : i32
    %mul3A_48 = arith.constant 128 : i32
    %mul3A_49 = arith.muli %add3A_47, %mul3A_48 : i32
    %dma_start3A_50 = tpu.memref_slice %arg4[%mul3A_49] : memref<320000xi32, #tpu.memory_space<hbm>> -> memref<128xi32, #tpu.memory_space<hbm>>
    %dma_start3A_51 = tpu.memref_slice %arg4[%mul3A_49] : memref<320000xi32, #tpu.memory_space<hbm>> -> memref<128xi32, #tpu.memory_space<hbm>>
    tpu.enqueue_dma source(%dma_start3A_51 : memref<128xi32, #tpu.memory_space<hbm>>) target(%arg11 : memref<128xi32, #tpu.memory_space<vmem>>) target_semaphore(%arg21 : memref<!tpu.dma_semaphore, #tpu.memory_space<semaphore_mem>>)
    %mul3A_52 = arith.constant 624 : i32
    %mul3A_53 = arith.muli %arg1, %mul3A_52 : i32
    %mul3A_54 = arith.constant 624 : i32
    %mul3A_55 = arith.muli %arg1, %mul3A_54 : i32
    "tpu.region"() ({
      %run_scoped3A = tpu.sem_alloc : memref<!tpu.dma_semaphore, #tpu.memory_space<semaphore_mem>>
      %dma_start3A_115 = arith.constant 0 : i32
      %dma_start3A_116 = tpu.memref_slice %arg16[%mul3A_55, %dma_start3A_115] : memref<10000x128xf32, #tpu.memory_space<vmem_shared>> -> memref<624x128xf32, #tpu.memory_space<vmem_shared>>
      %dma_start3A_117 = arith.constant 0 : i32
      %dma_start3A_118 = tpu.memref_slice %arg5[%mul3A_53, %dma_start3A_117] : memref<10000x128xf32, #tpu.memory_space<hbm>> -> memref<624x128xf32, #tpu.memory_space<hbm>>
      tpu.enqueue_dma source(%dma_start3A_118 : memref<624x128xf32, #tpu.memory_space<hbm>>) target(%dma_start3A_116 : memref<624x128xf32, #tpu.memory_space<vmem_shared>>) target_semaphore(%run_scoped3A : memref<!tpu.dma_semaphore, #tpu.memory_space<semaphore_mem>>)
      %dma_wait3A_119 = arith.constant 0 : i32
      %dma_wait3A_120 = tpu.memref_slice %arg16[%mul3A_55, %dma_wait3A_119] : memref<10000x128xf32, #tpu.memory_space<vmem_shared>> -> memref<624x128xf32, #tpu.memory_space<vmem_shared>>
      %dma_wait3A_121 = arith.constant 0 : i32
      %dma_wait3A_122 = tpu.memref_slice %arg5[%mul3A_53, %dma_wait3A_121] : memref<10000x128xf32, #tpu.memory_space<hbm>> -> memref<624x128xf32, #tpu.memory_space<hbm>>
      tpu.wait_dma2 semaphore(%run_scoped3A : memref<!tpu.dma_semaphore, #tpu.memory_space<semaphore_mem>>) src(%dma_wait3A_122 : memref<624x128xf32, #tpu.memory_space<hbm>>) dst(%dma_wait3A_120 : memref<624x128xf32, #tpu.memory_space<vmem_shared>>)
      tpu.yield
    }) : () -> ()
    %eq3A = arith.constant 0 : i32
    %eq3A_56 = arith.cmpi eq, %arg1, %eq3A : i32
    %convert_element_type3A = arith.extui %eq3A_56 : i1 to i32
    %cond3A = arith.constant 0 : i32
    %cond3A_57 = arith.cmpi ne, %convert_element_type3A, %cond3A : i32
    scf.if %cond3A_57 {
      "tpu.region"() ({
        %run_scoped3A = tpu.sem_alloc : memref<!tpu.dma_semaphore, #tpu.memory_space<semaphore_mem>>
        %dma_start3A_115 = arith.constant 9984 : i32
        %dma_start3A_116 = arith.constant 0 : i32
        %dma_start3A_117 = tpu.memref_slice %arg16[%dma_start3A_115, %dma_start3A_116] : memref<10000x128xf32, #tpu.memory_space<vmem_shared>> -> memref<16x128xf32, #tpu.memory_space<vmem_shared>>
        %dma_start3A_118 = arith.constant 9984 : i32
        %dma_start3A_119 = arith.constant 0 : i32
        %dma_start3A_120 = tpu.memref_slice %arg5[%dma_start3A_118, %dma_start3A_119] : memref<10000x128xf32, #tpu.memory_space<hbm>> -> memref<16x128xf32, #tpu.memory_space<hbm>>
        tpu.enqueue_dma source(%dma_start3A_120 : memref<16x128xf32, #tpu.memory_space<hbm>>) target(%dma_start3A_117 : memref<16x128xf32, #tpu.memory_space<vmem_shared>>) target_semaphore(%run_scoped3A : memref<!tpu.dma_semaphore, #tpu.memory_space<semaphore_mem>>)
        %dma_wait3A_121 = arith.constant 9984 : i32
        %dma_wait3A_122 = arith.constant 0 : i32
        %dma_wait3A_123 = tpu.memref_slice %arg16[%dma_wait3A_121, %dma_wait3A_122] : memref<10000x128xf32, #tpu.memory_space<vmem_shared>> -> memref<16x128xf32, #tpu.memory_space<vmem_shared>>
        %dma_wait3A_124 = arith.constant 9984 : i32
        %dma_wait3A_125 = arith.constant 0 : i32
        %dma_wait3A_126 = tpu.memref_slice %arg5[%dma_wait3A_124, %dma_wait3A_125] : memref<10000x128xf32, #tpu.memory_space<hbm>> -> memref<16x128xf32, #tpu.memory_space<hbm>>
        tpu.wait_dma2 semaphore(%run_scoped3A : memref<!tpu.dma_semaphore, #tpu.memory_space<semaphore_mem>>) src(%dma_wait3A_126 : memref<16x128xf32, #tpu.memory_space<hbm>>) dst(%dma_wait3A_123 : memref<16x128xf32, #tpu.memory_space<vmem_shared>>)
        tpu.yield
      }) : () -> ()
    } else {
    }
    %barrier3A = arith.constant 0 : index
    tpu.barrier barrier_id(%barrier3A)
    %dma_wait3A = arith.constant 0 : i32
    %dma_wait3A_58 = tpu.memref_slice %arg3[%dma_wait3A] : memref<320000xi32, #tpu.memory_space<hbm>> -> memref<128xi32, #tpu.memory_space<hbm>>
    %dma_wait3A_59 = arith.constant 0 : i32
    %dma_wait3A_60 = tpu.memref_slice %arg3[%dma_wait3A_59] : memref<320000xi32, #tpu.memory_space<hbm>> -> memref<128xi32, #tpu.memory_space<hbm>>
    tpu.wait_dma2 semaphore(%arg17 : memref<!tpu.dma_semaphore, #tpu.memory_space<semaphore_mem>>) src(%dma_wait3A_60 : memref<128xi32, #tpu.memory_space<hbm>>) dst(%arg7 : memref<128xi32, #tpu.memory_space<vmem>>)
    %dma_start3A_61 = arith.constant 0 : i32
    %dma_start3A_62 = arith.constant 0 : i32
    %dma_start3A_63 = tpu.memref_slice %arg2[%dma_start3A_61, %dma_start3A_62] : memref<10000x128xf32, #tpu.memory_space<hbm>> -> memref<10000x128xf32, #tpu.memory_space<hbm>>
    tpu.enqueue_indirect_dma source(%dma_start3A_63 : memref<10000x128xf32, #tpu.memory_space<hbm>>) target(%arg13 : memref<128x128xf32, #tpu.memory_space<vmem>>) offsets(%arg7 : memref<128xi32, #tpu.memory_space<vmem>>) semaphore(%arg23 : memref<!tpu.dma_semaphore, #tpu.memory_space<semaphore_mem>>)
    %dma_wait3A_64 = arith.constant 0 : i32
    %dma_wait3A_65 = tpu.memref_slice %arg3[%dma_wait3A_64] : memref<320000xi32, #tpu.memory_space<hbm>> -> memref<128xi32, #tpu.memory_space<hbm>>
    %dma_wait3A_66 = arith.constant 0 : i32
    %dma_wait3A_67 = tpu.memref_slice %arg3[%dma_wait3A_66] : memref<320000xi32, #tpu.memory_space<hbm>> -> memref<128xi32, #tpu.memory_space<hbm>>
    tpu.wait_dma2 semaphore(%arg18 : memref<!tpu.dma_semaphore, #tpu.memory_space<semaphore_mem>>) src(%dma_wait3A_67 : memref<128xi32, #tpu.memory_space<hbm>>) dst(%arg8 : memref<128xi32, #tpu.memory_space<vmem>>)
    %dma_start3A_68 = arith.constant 0 : i32
    %dma_start3A_69 = arith.constant 0 : i32
    %dma_start3A_70 = tpu.memref_slice %arg2[%dma_start3A_68, %dma_start3A_69] : memref<10000x128xf32, #tpu.memory_space<hbm>> -> memref<10000x128xf32, #tpu.memory_space<hbm>>
    tpu.enqueue_indirect_dma source(%dma_start3A_70 : memref<10000x128xf32, #tpu.memory_space<hbm>>) target(%arg14 : memref<128x128xf32, #tpu.memory_space<vmem>>) offsets(%arg8 : memref<128xi32, #tpu.memory_space<vmem>>) semaphore(%arg24 : memref<!tpu.dma_semaphore, #tpu.memory_space<semaphore_mem>>)
    %scan3A = arith.constant 0 : i32
    %scan3A_71 = arith.constant 0 : i32
    %scan3A_72 = arith.constant 26 : i32
    %scan3A_73 = arith.addi %scan3A_71, %scan3A_72 : i32
    %scan3A_74 = arith.constant 1 : i32
    scf.for %scan3A_115 = %scan3A_71 to %scan3A_73 step %scan3A_74  : i32 {
      %mul3A_116 = arith.constant 3 : i32
      %mul3A_117 = arith.muli %mul3A_116, %scan3A_115 : i32
      %add3A_118 = arith.constant 0 : i32
      %add3A_119 = arith.addi %mul3A_117, %add3A_118 : i32
      %add3A_120 = arith.constant 2 : i32
      %add3A_121 = arith.addi %add3A_119, %add3A_120 : i32
      %lt3A_122 = arith.cmpi slt, %add3A_121, %select_n3A : i32
      %convert_element_type3A_123 = arith.extui %lt3A_122 : i1 to i32
      %cond3A_124 = arith.constant 0 : i32
      %cond3A_125 = arith.cmpi ne, %convert_element_type3A_123, %cond3A_124 : i32
      scf.if %cond3A_125 {
        %ge3A = arith.constant 1 : i32
        %ge3A_190 = arith.cmpi sge, %add3A_119, %ge3A : i32
        %convert_element_type3A_191 = arith.extui %ge3A_190 : i1 to i32
        %cond3A_192 = arith.constant 0 : i32
        %cond3A_193 = arith.cmpi ne, %convert_element_type3A_191, %cond3A_192 : i32
        scf.if %cond3A_193 {
          %dma_wait3A_212 = arith.constant 0 : i32
          %dma_wait3A_213 = arith.constant 0 : i32
          %dma_wait3A_214 = tpu.memref_slice %arg16[%dma_wait3A_212, %dma_wait3A_213] : memref<10000x128xf32, #tpu.memory_space<vmem_shared>> -> memref<10000x128xf32, #tpu.memory_space<vmem_shared>>
          tpu.wait_indirect_dma semaphore(%arg28 : memref<!tpu.dma_semaphore, #tpu.memory_space<semaphore_mem>>) src(%arg15 : memref<128x128xf32, #tpu.memory_space<vmem>>) dst(%dma_wait3A_214 : memref<10000x128xf32, #tpu.memory_space<vmem_shared>>)
        } else {
        }
        %add3A_194 = arith.constant 2 : i32
        %add3A_195 = arith.addi %add3A_119, %add3A_194 : i32
        %mul3A_196 = arith.constant 32 : i32
        %mul3A_197 = arith.muli %add3A_195, %mul3A_196 : i32
        %add3A_198 = arith.addi %add3A, %mul3A_197 : i32
        %mul3A_199 = arith.constant 128 : i32
        %mul3A_200 = arith.muli %add3A_198, %mul3A_199 : i32
        %dma_start3A_201 = tpu.memref_slice %arg4[%mul3A_200] : memref<320000xi32, #tpu.memory_space<hbm>> -> memref<128xi32, #tpu.memory_space<hbm>>
        %dma_start3A_202 = tpu.memref_slice %arg4[%mul3A_200] : memref<320000xi32, #tpu.memory_space<hbm>> -> memref<128xi32, #tpu.memory_space<hbm>>
        tpu.enqueue_dma source(%dma_start3A_202 : memref<128xi32, #tpu.memory_space<hbm>>) target(%arg12 : memref<128xi32, #tpu.memory_space<vmem>>) target_semaphore(%arg22 : memref<!tpu.dma_semaphore, #tpu.memory_space<semaphore_mem>>)
        %dma_wait3A_203 = arith.constant 0 : i32
        %dma_wait3A_204 = tpu.memref_slice %arg3[%dma_wait3A_203] : memref<320000xi32, #tpu.memory_space<hbm>> -> memref<128xi32, #tpu.memory_space<hbm>>
        %dma_wait3A_205 = arith.constant 0 : i32
        %dma_wait3A_206 = tpu.memref_slice %arg3[%dma_wait3A_205] : memref<320000xi32, #tpu.memory_space<hbm>> -> memref<128xi32, #tpu.memory_space<hbm>>
        tpu.wait_dma2 semaphore(%arg19 : memref<!tpu.dma_semaphore, #tpu.memory_space<semaphore_mem>>) src(%dma_wait3A_206 : memref<128xi32, #tpu.memory_space<hbm>>) dst(%arg9 : memref<128xi32, #tpu.memory_space<vmem>>)
        %add3A_207 = arith.constant 2 : i32
        %add3A_208 = arith.addi %add3A_119, %add3A_207 : i32
        %dma_start3A_209 = arith.constant 0 : i32
        %dma_start3A_210 = arith.constant 0 : i32
        %dma_start3A_211 = tpu.memref_slice %arg2[%dma_start3A_209, %dma_start3A_210] : memref<10000x128xf32, #tpu.memory_space<hbm>> -> memref<10000x128xf32, #tpu.memory_space<hbm>>
        tpu.enqueue_indirect_dma source(%dma_start3A_211 : memref<10000x128xf32, #tpu.memory_space<hbm>>) target(%arg15 : memref<128x128xf32, #tpu.memory_space<vmem>>) offsets(%arg9 : memref<128xi32, #tpu.memory_space<vmem>>) semaphore(%arg25 : memref<!tpu.dma_semaphore, #tpu.memory_space<semaphore_mem>>)
      } else {
      }
      %dma_wait3A_126 = arith.constant 0 : i32
      %dma_wait3A_127 = arith.constant 0 : i32
      %dma_wait3A_128 = tpu.memref_slice %arg2[%dma_wait3A_126, %dma_wait3A_127] : memref<10000x128xf32, #tpu.memory_space<hbm>> -> memref<10000x128xf32, #tpu.memory_space<hbm>>
      tpu.wait_indirect_dma semaphore(%arg23 : memref<!tpu.dma_semaphore, #tpu.memory_space<semaphore_mem>>) src(%dma_wait3A_128 : memref<10000x128xf32, #tpu.memory_space<hbm>>) dst(%arg13 : memref<128x128xf32, #tpu.memory_space<vmem>>)
      %add3A_129 = arith.constant 3 : i32
      %add3A_130 = arith.addi %add3A_119, %add3A_129 : i32
      %lt3A_131 = arith.cmpi slt, %add3A_130, %select_n3A : i32
      %convert_element_type3A_132 = arith.extui %lt3A_131 : i1 to i32
      %cond3A_133 = arith.constant 0 : i32
      %cond3A_134 = arith.cmpi ne, %convert_element_type3A_132, %cond3A_133 : i32
      scf.if %cond3A_134 {
        %add3A_190 = arith.constant 3 : i32
        %add3A_191 = arith.addi %add3A_119, %add3A_190 : i32
        %mul3A_192 = arith.constant 32 : i32
        %mul3A_193 = arith.muli %add3A_191, %mul3A_192 : i32
        %add3A_194 = arith.addi %add3A, %mul3A_193 : i32
        %mul3A_195 = arith.constant 128 : i32
        %mul3A_196 = arith.muli %add3A_194, %mul3A_195 : i32
        %dma_start3A_197 = tpu.memref_slice %arg3[%mul3A_196] : memref<320000xi32, #tpu.memory_space<hbm>> -> memref<128xi32, #tpu.memory_space<hbm>>
        %dma_start3A_198 = tpu.memref_slice %arg3[%mul3A_196] : memref<320000xi32, #tpu.memory_space<hbm>> -> memref<128xi32, #tpu.memory_space<hbm>>
        tpu.enqueue_dma source(%dma_start3A_198 : memref<128xi32, #tpu.memory_space<hbm>>) target(%arg7 : memref<128xi32, #tpu.memory_space<vmem>>) target_semaphore(%arg17 : memref<!tpu.dma_semaphore, #tpu.memory_space<semaphore_mem>>)
      } else {
      }
      %dma_wait3A_135 = arith.constant 0 : i32
      %dma_wait3A_136 = tpu.memref_slice %arg4[%dma_wait3A_135] : memref<320000xi32, #tpu.memory_space<hbm>> -> memref<128xi32, #tpu.memory_space<hbm>>
      %dma_wait3A_137 = arith.constant 0 : i32
      %dma_wait3A_138 = tpu.memref_slice %arg4[%dma_wait3A_137] : memref<320000xi32, #tpu.memory_space<hbm>> -> memref<128xi32, #tpu.memory_space<hbm>>
      tpu.wait_dma2 semaphore(%arg20 : memref<!tpu.dma_semaphore, #tpu.memory_space<semaphore_mem>>) src(%dma_wait3A_138 : memref<128xi32, #tpu.memory_space<hbm>>) dst(%arg10 : memref<128xi32, #tpu.memory_space<vmem>>)
      %dma_start3A_139 = arith.constant 0 : i32
      %dma_start3A_140 = arith.constant 0 : i32
      %dma_start3A_141 = tpu.memref_slice %arg16[%dma_start3A_139, %dma_start3A_140] : memref<10000x128xf32, #tpu.memory_space<vmem_shared>> -> memref<10000x128xf32, #tpu.memory_space<vmem_shared>>
      tpu.enqueue_indirect_dma source(%arg13 : memref<128x128xf32, #tpu.memory_space<vmem>>) target(%dma_start3A_141 : memref<10000x128xf32, #tpu.memory_space<vmem_shared>>) offsets(%arg10 : memref<128xi32, #tpu.memory_space<vmem>>) semaphore(%arg26 : memref<!tpu.dma_semaphore, #tpu.memory_space<semaphore_mem>>) {add = true}
      %add3A_142 = arith.constant 1 : i32
      %add3A_143 = arith.addi %mul3A_117, %add3A_142 : i32
      %add3A_144 = arith.constant 2 : i32
      %add3A_145 = arith.addi %add3A_143, %add3A_144 : i32
      %lt3A_146 = arith.cmpi slt, %add3A_145, %select_n3A : i32
      %convert_element_type3A_147 = arith.extui %lt3A_146 : i1 to i32
      %cond3A_148 = arith.constant 0 : i32
      %cond3A_149 = arith.cmpi ne, %convert_element_type3A_147, %cond3A_148 : i32
      scf.if %cond3A_149 {
        %ge3A = arith.constant 1 : i32
        %ge3A_190 = arith.cmpi sge, %add3A_143, %ge3A : i32
        %convert_element_type3A_191 = arith.extui %ge3A_190 : i1 to i32
        %cond3A_192 = arith.constant 0 : i32
        %cond3A_193 = arith.cmpi ne, %convert_element_type3A_191, %cond3A_192 : i32
        scf.if %cond3A_193 {
          %dma_wait3A_212 = arith.constant 0 : i32
          %dma_wait3A_213 = arith.constant 0 : i32
          %dma_wait3A_214 = tpu.memref_slice %arg16[%dma_wait3A_212, %dma_wait3A_213] : memref<10000x128xf32, #tpu.memory_space<vmem_shared>> -> memref<10000x128xf32, #tpu.memory_space<vmem_shared>>
          tpu.wait_indirect_dma semaphore(%arg26 : memref<!tpu.dma_semaphore, #tpu.memory_space<semaphore_mem>>) src(%arg13 : memref<128x128xf32, #tpu.memory_space<vmem>>) dst(%dma_wait3A_214 : memref<10000x128xf32, #tpu.memory_space<vmem_shared>>)
        } else {
        }
        %add3A_194 = arith.constant 2 : i32
        %add3A_195 = arith.addi %add3A_143, %add3A_194 : i32
        %mul3A_196 = arith.constant 32 : i32
        %mul3A_197 = arith.muli %add3A_195, %mul3A_196 : i32
        %add3A_198 = arith.addi %add3A, %mul3A_197 : i32
        %mul3A_199 = arith.constant 128 : i32
        %mul3A_200 = arith.muli %add3A_198, %mul3A_199 : i32
        %dma_start3A_201 = tpu.memref_slice %arg4[%mul3A_200] : memref<320000xi32, #tpu.memory_space<hbm>> -> memref<128xi32, #tpu.memory_space<hbm>>
        %dma_start3A_202 = tpu.memref_slice %arg4[%mul3A_200] : memref<320000xi32, #tpu.memory_space<hbm>> -> memref<128xi32, #tpu.memory_space<hbm>>
        tpu.enqueue_dma source(%dma_start3A_202 : memref<128xi32, #tpu.memory_space<hbm>>) target(%arg10 : memref<128xi32, #tpu.memory_space<vmem>>) target_semaphore(%arg20 : memref<!tpu.dma_semaphore, #tpu.memory_space<semaphore_mem>>)
        %dma_wait3A_203 = arith.constant 0 : i32
        %dma_wait3A_204 = tpu.memref_slice %arg3[%dma_wait3A_203] : memref<320000xi32, #tpu.memory_space<hbm>> -> memref<128xi32, #tpu.memory_space<hbm>>
        %dma_wait3A_205 = arith.constant 0 : i32
        %dma_wait3A_206 = tpu.memref_slice %arg3[%dma_wait3A_205] : memref<320000xi32, #tpu.memory_space<hbm>> -> memref<128xi32, #tpu.memory_space<hbm>>
        tpu.wait_dma2 semaphore(%arg17 : memref<!tpu.dma_semaphore, #tpu.memory_space<semaphore_mem>>) src(%dma_wait3A_206 : memref<128xi32, #tpu.memory_space<hbm>>) dst(%arg7 : memref<128xi32, #tpu.memory_space<vmem>>)
        %add3A_207 = arith.constant 2 : i32
        %add3A_208 = arith.addi %add3A_143, %add3A_207 : i32
        %dma_start3A_209 = arith.constant 0 : i32
        %dma_start3A_210 = arith.constant 0 : i32
        %dma_start3A_211 = tpu.memref_slice %arg2[%dma_start3A_209, %dma_start3A_210] : memref<10000x128xf32, #tpu.memory_space<hbm>> -> memref<10000x128xf32, #tpu.memory_space<hbm>>
        tpu.enqueue_indirect_dma source(%dma_start3A_211 : memref<10000x128xf32, #tpu.memory_space<hbm>>) target(%arg13 : memref<128x128xf32, #tpu.memory_space<vmem>>) offsets(%arg7 : memref<128xi32, #tpu.memory_space<vmem>>) semaphore(%arg23 : memref<!tpu.dma_semaphore, #tpu.memory_space<semaphore_mem>>)
      } else {
      }
      %dma_wait3A_150 = arith.constant 0 : i32
      %dma_wait3A_151 = arith.constant 0 : i32
      %dma_wait3A_152 = tpu.memref_slice %arg2[%dma_wait3A_150, %dma_wait3A_151] : memref<10000x128xf32, #tpu.memory_space<hbm>> -> memref<10000x128xf32, #tpu.memory_space<hbm>>
      tpu.wait_indirect_dma semaphore(%arg24 : memref<!tpu.dma_semaphore, #tpu.memory_space<semaphore_mem>>) src(%dma_wait3A_152 : memref<10000x128xf32, #tpu.memory_space<hbm>>) dst(%arg14 : memref<128x128xf32, #tpu.memory_space<vmem>>)
      %add3A_153 = arith.constant 3 : i32
      %add3A_154 = arith.addi %add3A_143, %add3A_153 : i32
      %lt3A_155 = arith.cmpi slt, %add3A_154, %select_n3A : i32
      %convert_element_type3A_156 = arith.extui %lt3A_155 : i1 to i32
      %cond3A_157 = arith.constant 0 : i32
      %cond3A_158 = arith.cmpi ne, %convert_element_type3A_156, %cond3A_157 : i32
      scf.if %cond3A_158 {
        %add3A_190 = arith.constant 3 : i32
        %add3A_191 = arith.addi %add3A_143, %add3A_190 : i32
        %mul3A_192 = arith.constant 32 : i32
        %mul3A_193 = arith.muli %add3A_191, %mul3A_192 : i32
        %add3A_194 = arith.addi %add3A, %mul3A_193 : i32
        %mul3A_195 = arith.constant 128 : i32
        %mul3A_196 = arith.muli %add3A_194, %mul3A_195 : i32
        %dma_start3A_197 = tpu.memref_slice %arg3[%mul3A_196] : memref<320000xi32, #tpu.memory_space<hbm>> -> memref<128xi32, #tpu.memory_space<hbm>>
        %dma_start3A_198 = tpu.memref_slice %arg3[%mul3A_196] : memref<320000xi32, #tpu.memory_space<hbm>> -> memref<128xi32, #tpu.memory_space<hbm>>
        tpu.enqueue_dma source(%dma_start3A_198 : memref<128xi32, #tpu.memory_space<hbm>>) target(%arg8 : memref<128xi32, #tpu.memory_space<vmem>>) target_semaphore(%arg18 : memref<!tpu.dma_semaphore, #tpu.memory_space<semaphore_mem>>)
      } else {
      }
      %dma_wait3A_159 = arith.constant 0 : i32
      %dma_wait3A_160 = tpu.memref_slice %arg4[%dma_wait3A_159] : memref<320000xi32, #tpu.memory_space<hbm>> -> memref<128xi32, #tpu.memory_space<hbm>>
      %dma_wait3A_161 = arith.constant 0 : i32
      %dma_wait3A_162 = tpu.memref_slice %arg4[%dma_wait3A_161] : memref<320000xi32, #tpu.memory_space<hbm>> -> memref<128xi32, #tpu.memory_space<hbm>>
      tpu.wait_dma2 semaphore(%arg21 : memref<!tpu.dma_semaphore, #tpu.memory_space<semaphore_mem>>) src(%dma_wait3A_162 : memref<128xi32, #tpu.memory_space<hbm>>) dst(%arg11 : memref<128xi32, #tpu.memory_space<vmem>>)
      %dma_start3A_163 = arith.constant 0 : i32
      %dma_start3A_164 = arith.constant 0 : i32
      %dma_start3A_165 = tpu.memref_slice %arg16[%dma_start3A_163, %dma_start3A_164] : memref<10000x128xf32, #tpu.memory_space<vmem_shared>> -> memref<10000x128xf32, #tpu.memory_space<vmem_shared>>
      tpu.enqueue_indirect_dma source(%arg14 : memref<128x128xf32, #tpu.memory_space<vmem>>) target(%dma_start3A_165 : memref<10000x128xf32, #tpu.memory_space<vmem_shared>>) offsets(%arg11 : memref<128xi32, #tpu.memory_space<vmem>>) semaphore(%arg27 : memref<!tpu.dma_semaphore, #tpu.memory_space<semaphore_mem>>) {add = true}
      %add3A_166 = arith.constant 2 : i32
      %add3A_167 = arith.addi %mul3A_117, %add3A_166 : i32
      %add3A_168 = arith.constant 2 : i32
      %add3A_169 = arith.addi %add3A_167, %add3A_168 : i32
      %lt3A_170 = arith.cmpi slt, %add3A_169, %select_n3A : i32
      %convert_element_type3A_171 = arith.extui %lt3A_170 : i1 to i32
      %cond3A_172 = arith.constant 0 : i32
      %cond3A_173 = arith.cmpi ne, %convert_element_type3A_171, %cond3A_172 : i32
      scf.if %cond3A_173 {
        %ge3A = arith.constant 1 : i32
        %ge3A_190 = arith.cmpi sge, %add3A_167, %ge3A : i32
        %convert_element_type3A_191 = arith.extui %ge3A_190 : i1 to i32
        %cond3A_192 = arith.constant 0 : i32
        %cond3A_193 = arith.cmpi ne, %convert_element_type3A_191, %cond3A_192 : i32
        scf.if %cond3A_193 {
          %dma_wait3A_212 = arith.constant 0 : i32
          %dma_wait3A_213 = arith.constant 0 : i32
          %dma_wait3A_214 = tpu.memref_slice %arg16[%dma_wait3A_212, %dma_wait3A_213] : memref<10000x128xf32, #tpu.memory_space<vmem_shared>> -> memref<10000x128xf32, #tpu.memory_space<vmem_shared>>
          tpu.wait_indirect_dma semaphore(%arg27 : memref<!tpu.dma_semaphore, #tpu.memory_space<semaphore_mem>>) src(%arg14 : memref<128x128xf32, #tpu.memory_space<vmem>>) dst(%dma_wait3A_214 : memref<10000x128xf32, #tpu.memory_space<vmem_shared>>)
        } else {
        }
        %add3A_194 = arith.constant 2 : i32
        %add3A_195 = arith.addi %add3A_167, %add3A_194 : i32
        %mul3A_196 = arith.constant 32 : i32
        %mul3A_197 = arith.muli %add3A_195, %mul3A_196 : i32
        %add3A_198 = arith.addi %add3A, %mul3A_197 : i32
        %mul3A_199 = arith.constant 128 : i32
        %mul3A_200 = arith.muli %add3A_198, %mul3A_199 : i32
        %dma_start3A_201 = tpu.memref_slice %arg4[%mul3A_200] : memref<320000xi32, #tpu.memory_space<hbm>> -> memref<128xi32, #tpu.memory_space<hbm>>
        %dma_start3A_202 = tpu.memref_slice %arg4[%mul3A_200] : memref<320000xi32, #tpu.memory_space<hbm>> -> memref<128xi32, #tpu.memory_space<hbm>>
        tpu.enqueue_dma source(%dma_start3A_202 : memref<128xi32, #tpu.memory_space<hbm>>) target(%arg11 : memref<128xi32, #tpu.memory_space<vmem>>) target_semaphore(%arg21 : memref<!tpu.dma_semaphore, #tpu.memory_space<semaphore_mem>>)
        %dma_wait3A_203 = arith.constant 0 : i32
        %dma_wait3A_204 = tpu.memref_slice %arg3[%dma_wait3A_203] : memref<320000xi32, #tpu.memory_space<hbm>> -> memref<128xi32, #tpu.memory_space<hbm>>
        %dma_wait3A_205 = arith.constant 0 : i32
        %dma_wait3A_206 = tpu.memref_slice %arg3[%dma_wait3A_205] : memref<320000xi32, #tpu.memory_space<hbm>> -> memref<128xi32, #tpu.memory_space<hbm>>
        tpu.wait_dma2 semaphore(%arg18 : memref<!tpu.dma_semaphore, #tpu.memory_space<semaphore_mem>>) src(%dma_wait3A_206 : memref<128xi32, #tpu.memory_space<hbm>>) dst(%arg8 : memref<128xi32, #tpu.memory_space<vmem>>)
        %add3A_207 = arith.constant 2 : i32
        %add3A_208 = arith.addi %add3A_167, %add3A_207 : i32
        %dma_start3A_209 = arith.constant 0 : i32
        %dma_start3A_210 = arith.constant 0 : i32
        %dma_start3A_211 = tpu.memref_slice %arg2[%dma_start3A_209, %dma_start3A_210] : memref<10000x128xf32, #tpu.memory_space<hbm>> -> memref<10000x128xf32, #tpu.memory_space<hbm>>
        tpu.enqueue_indirect_dma source(%dma_start3A_211 : memref<10000x128xf32, #tpu.memory_space<hbm>>) target(%arg14 : memref<128x128xf32, #tpu.memory_space<vmem>>) offsets(%arg8 : memref<128xi32, #tpu.memory_space<vmem>>) semaphore(%arg24 : memref<!tpu.dma_semaphore, #tpu.memory_space<semaphore_mem>>)
      } else {
      }
      %dma_wait3A_174 = arith.constant 0 : i32
      %dma_wait3A_175 = arith.constant 0 : i32
      %dma_wait3A_176 = tpu.memref_slice %arg2[%dma_wait3A_174, %dma_wait3A_175] : memref<10000x128xf32, #tpu.memory_space<hbm>> -> memref<10000x128xf32, #tpu.memory_space<hbm>>
      tpu.wait_indirect_dma semaphore(%arg25 : memref<!tpu.dma_semaphore, #tpu.memory_space<semaphore_mem>>) src(%dma_wait3A_176 : memref<10000x128xf32, #tpu.memory_space<hbm>>) dst(%arg15 : memref<128x128xf32, #tpu.memory_space<vmem>>)
      %add3A_177 = arith.constant 3 : i32
      %add3A_178 = arith.addi %add3A_167, %add3A_177 : i32
      %lt3A_179 = arith.cmpi slt, %add3A_178, %select_n3A : i32
      %convert_element_type3A_180 = arith.extui %lt3A_179 : i1 to i32
      %cond3A_181 = arith.constant 0 : i32
      %cond3A_182 = arith.cmpi ne, %convert_element_type3A_180, %cond3A_181 : i32
      scf.if %cond3A_182 {
        %add3A_190 = arith.constant 3 : i32
        %add3A_191 = arith.addi %add3A_167, %add3A_190 : i32
        %mul3A_192 = arith.constant 32 : i32
        %mul3A_193 = arith.muli %add3A_191, %mul3A_192 : i32
        %add3A_194 = arith.addi %add3A, %mul3A_193 : i32
        %mul3A_195 = arith.constant 128 : i32
        %mul3A_196 = arith.muli %add3A_194, %mul3A_195 : i32
        %dma_start3A_197 = tpu.memref_slice %arg3[%mul3A_196] : memref<320000xi32, #tpu.memory_space<hbm>> -> memref<128xi32, #tpu.memory_space<hbm>>
        %dma_start3A_198 = tpu.memref_slice %arg3[%mul3A_196] : memref<320000xi32, #tpu.memory_space<hbm>> -> memref<128xi32, #tpu.memory_space<hbm>>
        tpu.enqueue_dma source(%dma_start3A_198 : memref<128xi32, #tpu.memory_space<hbm>>) target(%arg9 : memref<128xi32, #tpu.memory_space<vmem>>) target_semaphore(%arg19 : memref<!tpu.dma_semaphore, #tpu.memory_space<semaphore_mem>>)
      } else {
      }
      %dma_wait3A_183 = arith.constant 0 : i32
      %dma_wait3A_184 = tpu.memref_slice %arg4[%dma_wait3A_183] : memref<320000xi32, #tpu.memory_space<hbm>> -> memref<128xi32, #tpu.memory_space<hbm>>
      %dma_wait3A_185 = arith.constant 0 : i32
      %dma_wait3A_186 = tpu.memref_slice %arg4[%dma_wait3A_185] : memref<320000xi32, #tpu.memory_space<hbm>> -> memref<128xi32, #tpu.memory_space<hbm>>
      tpu.wait_dma2 semaphore(%arg22 : memref<!tpu.dma_semaphore, #tpu.memory_space<semaphore_mem>>) src(%dma_wait3A_186 : memref<128xi32, #tpu.memory_space<hbm>>) dst(%arg12 : memref<128xi32, #tpu.memory_space<vmem>>)
      %dma_start3A_187 = arith.constant 0 : i32
      %dma_start3A_188 = arith.constant 0 : i32
      %dma_start3A_189 = tpu.memref_slice %arg16[%dma_start3A_187, %dma_start3A_188] : memref<10000x128xf32, #tpu.memory_space<vmem_shared>> -> memref<10000x128xf32, #tpu.memory_space<vmem_shared>>
      tpu.enqueue_indirect_dma source(%arg15 : memref<128x128xf32, #tpu.memory_space<vmem>>) target(%dma_start3A_189 : memref<10000x128xf32, #tpu.memory_space<vmem_shared>>) offsets(%arg12 : memref<128xi32, #tpu.memory_space<vmem>>) semaphore(%arg28 : memref<!tpu.dma_semaphore, #tpu.memory_space<semaphore_mem>>) {add = true}
    }
    %scan3A_75 = arith.constant 26 : i32
    %jit3A_76 = arith.constant 3 : i32
    %eq3A_77 = arith.constant 0 : i32
    %eq3A_78 = arith.cmpi eq, %jit3A_76, %eq3A_77 : i32
    %jit3A_79 = arith.constant 1 : i32
    %select_n3A_80 = arith.select %eq3A_78, %jit3A_79, %jit3A_76 : i32
    %rem3A_81 = arith.remsi %select_n3A, %select_n3A_80 : i32
    %ne3A_82 = arith.constant 0 : i32
    %ne3A_83 = arith.cmpi ne, %rem3A_81, %ne3A_82 : i32
    %lt3A = arith.constant 0 : i32
    %lt3A_84 = arith.cmpi slt, %rem3A_81, %lt3A : i32
    %lt3A_85 = arith.constant 0 : i32
    %lt3A_86 = arith.cmpi slt, %select_n3A_80, %lt3A_85 : i32
    %ne3A_87 = arith.xori %lt3A_84, %lt3A_86 : i1
    %and3A_88 = arith.andi %ne3A_87, %ne3A_83 : i1
    %add3A_89 = arith.addi %rem3A_81, %select_n3A_80 : i32
    %select_n3A_90 = arith.select %and3A_88, %add3A_89, %rem3A_81 : i32
    %eq3A_91 = arith.constant 1 : i32
    %eq3A_92 = arith.cmpi eq, %select_n3A_90, %eq3A_91 : i32
    %convert_element_type3A_93 = arith.extui %eq3A_92 : i1 to i32
    %cond3A_94 = arith.constant 0 : i32
    %cond3A_95 = arith.cmpi ne, %convert_element_type3A_93, %cond3A_94 : i32
    scf.if %cond3A_95 {
      %dma_wait3A_115 = arith.constant 0 : i32
      %dma_wait3A_116 = arith.constant 0 : i32
      %dma_wait3A_117 = tpu.memref_slice %arg2[%dma_wait3A_115, %dma_wait3A_116] : memref<10000x128xf32, #tpu.memory_space<hbm>> -> memref<10000x128xf32, #tpu.memory_space<hbm>>
      tpu.wait_indirect_dma semaphore(%arg23 : memref<!tpu.dma_semaphore, #tpu.memory_space<semaphore_mem>>) src(%dma_wait3A_117 : memref<10000x128xf32, #tpu.memory_space<hbm>>) dst(%arg13 : memref<128x128xf32, #tpu.memory_space<vmem>>)
      %dma_wait3A_118 = arith.constant 0 : i32
      %dma_wait3A_119 = tpu.memref_slice %arg4[%dma_wait3A_118] : memref<320000xi32, #tpu.memory_space<hbm>> -> memref<128xi32, #tpu.memory_space<hbm>>
      %dma_wait3A_120 = arith.constant 0 : i32
      %dma_wait3A_121 = tpu.memref_slice %arg4[%dma_wait3A_120] : memref<320000xi32, #tpu.memory_space<hbm>> -> memref<128xi32, #tpu.memory_space<hbm>>
      tpu.wait_dma2 semaphore(%arg20 : memref<!tpu.dma_semaphore, #tpu.memory_space<semaphore_mem>>) src(%dma_wait3A_121 : memref<128xi32, #tpu.memory_space<hbm>>) dst(%arg10 : memref<128xi32, #tpu.memory_space<vmem>>)
      %dma_start3A_122 = arith.constant 0 : i32
      %dma_start3A_123 = arith.constant 0 : i32
      %dma_start3A_124 = tpu.memref_slice %arg16[%dma_start3A_122, %dma_start3A_123] : memref<10000x128xf32, #tpu.memory_space<vmem_shared>> -> memref<10000x128xf32, #tpu.memory_space<vmem_shared>>
      tpu.enqueue_indirect_dma source(%arg13 : memref<128x128xf32, #tpu.memory_space<vmem>>) target(%dma_start3A_124 : memref<10000x128xf32, #tpu.memory_space<vmem_shared>>) offsets(%arg10 : memref<128xi32, #tpu.memory_space<vmem>>) semaphore(%arg26 : memref<!tpu.dma_semaphore, #tpu.memory_space<semaphore_mem>>) {add = true}
    } else {
    }
    %dma_wait3A_96 = arith.constant 0 : i32
    %dma_wait3A_97 = arith.constant 0 : i32
    %dma_wait3A_98 = tpu.memref_slice %arg16[%dma_wait3A_96, %dma_wait3A_97] : memref<10000x128xf32, #tpu.memory_space<vmem_shared>> -> memref<10000x128xf32, #tpu.memory_space<vmem_shared>>
    tpu.wait_indirect_dma semaphore(%arg26 : memref<!tpu.dma_semaphore, #tpu.memory_space<semaphore_mem>>) src(%arg13 : memref<128x128xf32, #tpu.memory_space<vmem>>) dst(%dma_wait3A_98 : memref<10000x128xf32, #tpu.memory_space<vmem_shared>>)
    %dma_wait3A_99 = arith.constant 0 : i32
    %dma_wait3A_100 = arith.constant 0 : i32
    %dma_wait3A_101 = tpu.memref_slice %arg16[%dma_wait3A_99, %dma_wait3A_100] : memref<10000x128xf32, #tpu.memory_space<vmem_shared>> -> memref<10000x128xf32, #tpu.memory_space<vmem_shared>>
    tpu.wait_indirect_dma semaphore(%arg27 : memref<!tpu.dma_semaphore, #tpu.memory_space<semaphore_mem>>) src(%arg14 : memref<128x128xf32, #tpu.memory_space<vmem>>) dst(%dma_wait3A_101 : memref<10000x128xf32, #tpu.memory_space<vmem_shared>>)
    %dma_wait3A_102 = arith.constant 0 : i32
    %dma_wait3A_103 = arith.constant 0 : i32
    %dma_wait3A_104 = tpu.memref_slice %arg16[%dma_wait3A_102, %dma_wait3A_103] : memref<10000x128xf32, #tpu.memory_space<vmem_shared>> -> memref<10000x128xf32, #tpu.memory_space<vmem_shared>>
    tpu.wait_indirect_dma semaphore(%arg28 : memref<!tpu.dma_semaphore, #tpu.memory_space<semaphore_mem>>) src(%arg15 : memref<128x128xf32, #tpu.memory_space<vmem>>) dst(%dma_wait3A_104 : memref<10000x128xf32, #tpu.memory_space<vmem_shared>>)
    %barrier3A_105 = arith.constant 0 : index
    tpu.barrier barrier_id(%barrier3A_105)
    %mul3A_106 = arith.constant 624 : i32
    %mul3A_107 = arith.muli %arg1, %mul3A_106 : i32
    %mul3A_108 = arith.constant 624 : i32
    %mul3A_109 = arith.muli %arg1, %mul3A_108 : i32
    "tpu.region"() ({
      %run_scoped3A = tpu.sem_alloc : memref<!tpu.dma_semaphore, #tpu.memory_space<semaphore_mem>>
      %dma_start3A_115 = arith.constant 0 : i32
      %dma_start3A_116 = tpu.memref_slice %arg6[%arg0, %mul3A_109, %dma_start3A_115] : memref<2x10000x128xf32, #tpu.memory_space<hbm>> -> memref<1x624x128xf32, #tpu.memory_space<hbm>>
      %dma_start3A_117 = tpu.memref_squeeze %dma_start3A_116 : memref<1x624x128xf32, #tpu.memory_space<hbm>> -> memref<624x128xf32, #tpu.memory_space<hbm>>
      %dma_start3A_118 = arith.constant 0 : i32
      %dma_start3A_119 = tpu.memref_slice %arg16[%mul3A_107, %dma_start3A_118] : memref<10000x128xf32, #tpu.memory_space<vmem_shared>> -> memref<624x128xf32, #tpu.memory_space<vmem_shared>>
      tpu.enqueue_dma source(%dma_start3A_119 : memref<624x128xf32, #tpu.memory_space<vmem_shared>>) target(%dma_start3A_117 : memref<624x128xf32, #tpu.memory_space<hbm>>) target_semaphore(%run_scoped3A : memref<!tpu.dma_semaphore, #tpu.memory_space<semaphore_mem>>)
      %dma_wait3A_120 = arith.constant 0 : i32
      %dma_wait3A_121 = tpu.memref_slice %arg6[%arg0, %mul3A_109, %dma_wait3A_120] : memref<2x10000x128xf32, #tpu.memory_space<hbm>> -> memref<1x624x128xf32, #tpu.memory_space<hbm>>
      %dma_wait3A_122 = tpu.memref_squeeze %dma_wait3A_121 : memref<1x624x128xf32, #tpu.memory_space<hbm>> -> memref<624x128xf32, #tpu.memory_space<hbm>>
      %dma_wait3A_123 = arith.constant 0 : i32
      %dma_wait3A_124 = tpu.memref_slice %arg16[%mul3A_107, %dma_wait3A_123] : memref<10000x128xf32, #tpu.memory_space<vmem_shared>> -> memref<624x128xf32, #tpu.memory_space<vmem_shared>>
      tpu.wait_dma2 semaphore(%run_scoped3A : memref<!tpu.dma_semaphore, #tpu.memory_space<semaphore_mem>>) src(%dma_wait3A_124 : memref<624x128xf32, #tpu.memory_space<vmem_shared>>) dst(%dma_wait3A_122 : memref<624x128xf32, #tpu.memory_space<hbm>>)
      tpu.yield
    }) : () -> ()
    %eq3A_110 = arith.constant 0 : i32
    %eq3A_111 = arith.cmpi eq, %arg1, %eq3A_110 : i32
    %convert_element_type3A_112 = arith.extui %eq3A_111 : i1 to i32
    %cond3A_113 = arith.constant 0 : i32
    %cond3A_114 = arith.cmpi ne, %convert_element_type3A_112, %cond3A_113 : i32
    scf.if %cond3A_114 {
      "tpu.region"() ({
        %run_scoped3A = tpu.sem_alloc : memref<!tpu.dma_semaphore, #tpu.memory_space<semaphore_mem>>
        %dma_start3A_115 = arith.constant 9984 : i32
        %dma_start3A_116 = arith.constant 0 : i32
        %dma_start3A_117 = tpu.memref_slice %arg6[%arg0, %dma_start3A_115, %dma_start3A_116] : memref<2x10000x128xf32, #tpu.memory_space<hbm>> -> memref<1x16x128xf32, #tpu.memory_space<hbm>>
        %dma_start3A_118 = tpu.memref_squeeze %dma_start3A_117 : memref<1x16x128xf32, #tpu.memory_space<hbm>> -> memref<16x128xf32, #tpu.memory_space<hbm>>
        %dma_start3A_119 = arith.constant 9984 : i32
        %dma_start3A_120 = arith.constant 0 : i32
        %dma_start3A_121 = tpu.memref_slice %arg16[%dma_start3A_119, %dma_start3A_120] : memref<10000x128xf32, #tpu.memory_space<vmem_shared>> -> memref<16x128xf32, #tpu.memory_space<vmem_shared>>
        tpu.enqueue_dma source(%dma_start3A_121 : memref<16x128xf32, #tpu.memory_space<vmem_shared>>) target(%dma_start3A_118 : memref<16x128xf32, #tpu.memory_space<hbm>>) target_semaphore(%run_scoped3A : memref<!tpu.dma_semaphore, #tpu.memory_space<semaphore_mem>>)
        %dma_wait3A_122 = arith.constant 9984 : i32
        %dma_wait3A_123 = arith.constant 0 : i32
        %dma_wait3A_124 = tpu.memref_slice %arg6[%arg0, %dma_wait3A_122, %dma_wait3A_123] : memref<2x10000x128xf32, #tpu.memory_space<hbm>> -> memref<1x16x128xf32, #tpu.memory_space<hbm>>
        %dma_wait3A_125 = tpu.memref_squeeze %dma_wait3A_124 : memref<1x16x128xf32, #tpu.memory_space<hbm>> -> memref<16x128xf32, #tpu.memory_space<hbm>>
        %dma_wait3A_126 = arith.constant 9984 : i32
        %dma_wait3A_127 = arith.constant 0 : i32
        %dma_wait3A_128 = tpu.memref_slice %arg16[%dma_wait3A_126, %dma_wait3A_127] : memref<10000x128xf32, #tpu.memory_space<vmem_shared>> -> memref<16x128xf32, #tpu.memory_space<vmem_shared>>
        tpu.wait_dma2 semaphore(%run_scoped3A : memref<!tpu.dma_semaphore, #tpu.memory_space<semaphore_mem>>) src(%dma_wait3A_128 : memref<16x128xf32, #tpu.memory_space<vmem_shared>>) dst(%dma_wait3A_125 : memref<16x128xf32, #tpu.memory_space<hbm>>)
        tpu.yield
      }) : () -> ()
    } else {
    }
    return
  }
}

#map = affine_map<(d0, d1) -> (0)>
#map1 = affine_map<(d0, d1) -> (0, 0)>
#map2 = affine_map<(d0, d1) -> (0, 0, 0)>
module attributes {stable_mosaic.version = 14 : i64} {
  func.func @_sc_degree(%arg0: i32, %arg1: i32, %arg2: memref<320000xi32, #tpu.memory_space<hbm>>, %arg3: memref<128x128xf32, #tpu.memory_space<hbm>>, %arg4: memref<10000x128xf32, #tpu.memory_space<hbm>>, %arg5: memref<2x10000x128xf32, #tpu.memory_space<hbm>>, %arg6: memref<79x128xi32, #tpu.memory_space<vmem>>, %arg7: memref<128x128xf32, #tpu.memory_space<vmem>>, %arg8: memref<10000x128xf32, #tpu.memory_space<vmem_shared>>, %arg9: memref<!tpu.dma_semaphore, #tpu.memory_space<semaphore_mem>>, %arg10: memref<!tpu.dma_semaphore, #tpu.memory_space<semaphore_mem>>) attributes {dimension_semantics = [#tpu.dimension_semantics<core_parallel>, #tpu.dimension_semantics<subcore_parallel>], iteration_bounds = array<i64: 2, 16>, scalar_prefetch = 0 : i64, scratch_operands = 5 : i64, tpu.core_type = #tpu.core_type<sc_vector_subcore>, window_params = [{transform_indices = #map}, {transform_indices = #map1}, {transform_indices = #map1}, {transform_indices = #map2}]} {
    %mul3A = arith.constant 2 : i32
    %mul3A_0 = arith.muli %arg1, %mul3A : i32
    %add3A = arith.addi %mul3A_0, %arg0 : i32
    %sub3A = arith.constant 2500 : i32
    %sub3A_1 = arith.subi %sub3A, %add3A : i32
    %add3A_2 = arith.constant 32 : i32
    %add3A_3 = arith.addi %sub3A_1, %add3A_2 : i32
    %sub3A_4 = arith.constant 1 : i32
    %sub3A_5 = arith.subi %add3A_3, %sub3A_4 : i32
    %jit3A = arith.constant 32 : i32
    %div3A = arith.divsi %sub3A_5, %jit3A : i32
    %sign3A = arith.constant 0 : i32
    %sign3A_6 = arith.cmpi sgt, %sub3A_5, %sign3A : i32
    %sign3A_7 = arith.extui %sign3A_6 : i1 to i32
    %sign3A_8 = arith.constant 0 : i32
    %sign3A_9 = arith.cmpi slt, %sub3A_5, %sign3A_8 : i32
    %sign3A_10 = arith.extui %sign3A_9 : i1 to i32
    %sign3A_11 = arith.subi %sign3A_7, %sign3A_10 : i32
    %sign3A_12 = arith.constant 0 : i32
    %sign3A_13 = arith.cmpi sgt, %jit3A, %sign3A_12 : i32
    %sign3A_14 = arith.extui %sign3A_13 : i1 to i32
    %sign3A_15 = arith.constant 0 : i32
    %sign3A_16 = arith.cmpi slt, %jit3A, %sign3A_15 : i32
    %sign3A_17 = arith.extui %sign3A_16 : i1 to i32
    %sign3A_18 = arith.subi %sign3A_14, %sign3A_17 : i32
    %ne3A = arith.cmpi ne, %sign3A_11, %sign3A_18 : i32
    %rem3A = arith.remsi %sub3A_5, %jit3A : i32
    %ne3A_19 = arith.constant 0 : i32
    %ne3A_20 = arith.cmpi ne, %rem3A, %ne3A_19 : i32
    %and3A = arith.andi %ne3A, %ne3A_20 : i1
    %sub3A_21 = arith.constant 1 : i32
    %sub3A_22 = arith.subi %div3A, %sub3A_21 : i32
    %select_n3A = arith.select %and3A, %sub3A_22, %div3A : i32
    %while3A = arith.constant 0 : i32
    %while3A_23 = arith.constant 0 : i32
    %while3A_24 = arith.subi %select_n3A, %while3A_23 : i32
    %while3A_25 = arith.addi %while3A_23, %while3A_24 : i32
    %while3A_26 = arith.constant 1 : i32
    %while3A_27 = arith.divsi %while3A_24, %while3A_26 : i32
    %while3A_28 = arith.muli %while3A_27, %while3A_26 : i32
    %while3A_29 = arith.addi %while3A_23, %while3A_28 : i32
    %while3A_30 = arith.constant 1 : i32
    scf.for %while3A_69 = %while3A_23 to %while3A_29 step %while3A_30  : i32 {
      %mul3A_70 = arith.constant 32 : i32
      %mul3A_71 = arith.muli %while3A_69, %mul3A_70 : i32
      %add3A_72 = arith.addi %add3A, %mul3A_71 : i32
      %mul3A_73 = arith.constant 128 : i32
      %mul3A_74 = arith.muli %add3A_72, %mul3A_73 : i32
      %dma_start3A = arith.constant 0 : i32
      %dma_start3A_75 = tpu.memref_slice %arg6[%while3A_69, %dma_start3A] : memref<79x128xi32, #tpu.memory_space<vmem>> -> memref<1x128xi32, #tpu.memory_space<vmem>>
      %dma_start3A_76 = tpu.memref_squeeze %dma_start3A_75 : memref<1x128xi32, #tpu.memory_space<vmem>> -> memref<128xi32, #tpu.memory_space<vmem>>
      %dma_start3A_77 = tpu.memref_slice %arg2[%mul3A_74] : memref<320000xi32, #tpu.memory_space<hbm>> -> memref<128xi32, #tpu.memory_space<hbm>>
      %dma_start3A_78 = arith.constant 0 : i32
      %dma_start3A_79 = tpu.memref_slice %arg6[%while3A_69, %dma_start3A_78] : memref<79x128xi32, #tpu.memory_space<vmem>> -> memref<1x128xi32, #tpu.memory_space<vmem>>
      %dma_start3A_80 = tpu.memref_squeeze %dma_start3A_79 : memref<1x128xi32, #tpu.memory_space<vmem>> -> memref<128xi32, #tpu.memory_space<vmem>>
      %dma_start3A_81 = tpu.memref_slice %arg2[%mul3A_74] : memref<320000xi32, #tpu.memory_space<hbm>> -> memref<128xi32, #tpu.memory_space<hbm>>
      tpu.enqueue_dma source(%dma_start3A_81 : memref<128xi32, #tpu.memory_space<hbm>>) target(%dma_start3A_80 : memref<128xi32, #tpu.memory_space<vmem>>) target_semaphore(%arg9 : memref<!tpu.dma_semaphore, #tpu.memory_space<semaphore_mem>>)
      %ge3A = arith.constant 8 : i32
      %ge3A_82 = arith.cmpi sge, %while3A_69, %ge3A : i32
      %convert_element_type3A_83 = arith.extui %ge3A_82 : i1 to i32
      %cond3A_84 = arith.constant 0 : i32
      %cond3A_85 = arith.cmpi ne, %convert_element_type3A_83, %cond3A_84 : i32
      scf.if %cond3A_85 {
        %dma_wait3A = arith.constant 0 : i32
        %dma_wait3A_86 = arith.constant 0 : i32
        %dma_wait3A_87 = tpu.memref_slice %arg6[%dma_wait3A, %dma_wait3A_86] : memref<79x128xi32, #tpu.memory_space<vmem>> -> memref<1x128xi32, #tpu.memory_space<vmem>>
        %dma_wait3A_88 = tpu.memref_squeeze %dma_wait3A_87 : memref<1x128xi32, #tpu.memory_space<vmem>> -> memref<128xi32, #tpu.memory_space<vmem>>
        %dma_wait3A_89 = arith.constant 0 : i32
        %dma_wait3A_90 = tpu.memref_slice %arg2[%dma_wait3A_89] : memref<320000xi32, #tpu.memory_space<hbm>> -> memref<128xi32, #tpu.memory_space<hbm>>
        %dma_wait3A_91 = arith.constant 0 : i32
        %dma_wait3A_92 = tpu.memref_slice %arg6[%dma_wait3A, %dma_wait3A_91] : memref<79x128xi32, #tpu.memory_space<vmem>> -> memref<1x128xi32, #tpu.memory_space<vmem>>
        %dma_wait3A_93 = tpu.memref_squeeze %dma_wait3A_92 : memref<1x128xi32, #tpu.memory_space<vmem>> -> memref<128xi32, #tpu.memory_space<vmem>>
        %dma_wait3A_94 = arith.constant 0 : i32
        %dma_wait3A_95 = tpu.memref_slice %arg2[%dma_wait3A_94] : memref<320000xi32, #tpu.memory_space<hbm>> -> memref<128xi32, #tpu.memory_space<hbm>>
        tpu.wait_dma2 semaphore(%arg9 : memref<!tpu.dma_semaphore, #tpu.memory_space<semaphore_mem>>) src(%dma_wait3A_95 : memref<128xi32, #tpu.memory_space<hbm>>) dst(%dma_wait3A_93 : memref<128xi32, #tpu.memory_space<vmem>>)
      } else {
      }
    }
    %while3A_31 = arith.constant 1 : i32
    scf.for %while3A_69 = %while3A_29 to %while3A_25 step %while3A_31  : i32 {
      %mul3A_70 = arith.constant 32 : i32
      %mul3A_71 = arith.muli %while3A_69, %mul3A_70 : i32
      %add3A_72 = arith.addi %add3A, %mul3A_71 : i32
      %mul3A_73 = arith.constant 128 : i32
      %mul3A_74 = arith.muli %add3A_72, %mul3A_73 : i32
      %dma_start3A = arith.constant 0 : i32
      %dma_start3A_75 = tpu.memref_slice %arg6[%while3A_69, %dma_start3A] : memref<79x128xi32, #tpu.memory_space<vmem>> -> memref<1x128xi32, #tpu.memory_space<vmem>>
      %dma_start3A_76 = tpu.memref_squeeze %dma_start3A_75 : memref<1x128xi32, #tpu.memory_space<vmem>> -> memref<128xi32, #tpu.memory_space<vmem>>
      %dma_start3A_77 = tpu.memref_slice %arg2[%mul3A_74] : memref<320000xi32, #tpu.memory_space<hbm>> -> memref<128xi32, #tpu.memory_space<hbm>>
      %dma_start3A_78 = arith.constant 0 : i32
      %dma_start3A_79 = tpu.memref_slice %arg6[%while3A_69, %dma_start3A_78] : memref<79x128xi32, #tpu.memory_space<vmem>> -> memref<1x128xi32, #tpu.memory_space<vmem>>
      %dma_start3A_80 = tpu.memref_squeeze %dma_start3A_79 : memref<1x128xi32, #tpu.memory_space<vmem>> -> memref<128xi32, #tpu.memory_space<vmem>>
      %dma_start3A_81 = tpu.memref_slice %arg2[%mul3A_74] : memref<320000xi32, #tpu.memory_space<hbm>> -> memref<128xi32, #tpu.memory_space<hbm>>
      tpu.enqueue_dma source(%dma_start3A_81 : memref<128xi32, #tpu.memory_space<hbm>>) target(%dma_start3A_80 : memref<128xi32, #tpu.memory_space<vmem>>) target_semaphore(%arg9 : memref<!tpu.dma_semaphore, #tpu.memory_space<semaphore_mem>>)
      %ge3A = arith.constant 8 : i32
      %ge3A_82 = arith.cmpi sge, %while3A_69, %ge3A : i32
      %convert_element_type3A_83 = arith.extui %ge3A_82 : i1 to i32
      %cond3A_84 = arith.constant 0 : i32
      %cond3A_85 = arith.cmpi ne, %convert_element_type3A_83, %cond3A_84 : i32
      scf.if %cond3A_85 {
        %dma_wait3A = arith.constant 0 : i32
        %dma_wait3A_86 = arith.constant 0 : i32
        %dma_wait3A_87 = tpu.memref_slice %arg6[%dma_wait3A, %dma_wait3A_86] : memref<79x128xi32, #tpu.memory_space<vmem>> -> memref<1x128xi32, #tpu.memory_space<vmem>>
        %dma_wait3A_88 = tpu.memref_squeeze %dma_wait3A_87 : memref<1x128xi32, #tpu.memory_space<vmem>> -> memref<128xi32, #tpu.memory_space<vmem>>
        %dma_wait3A_89 = arith.constant 0 : i32
        %dma_wait3A_90 = tpu.memref_slice %arg2[%dma_wait3A_89] : memref<320000xi32, #tpu.memory_space<hbm>> -> memref<128xi32, #tpu.memory_space<hbm>>
        %dma_wait3A_91 = arith.constant 0 : i32
        %dma_wait3A_92 = tpu.memref_slice %arg6[%dma_wait3A, %dma_wait3A_91] : memref<79x128xi32, #tpu.memory_space<vmem>> -> memref<1x128xi32, #tpu.memory_space<vmem>>
        %dma_wait3A_93 = tpu.memref_squeeze %dma_wait3A_92 : memref<1x128xi32, #tpu.memory_space<vmem>> -> memref<128xi32, #tpu.memory_space<vmem>>
        %dma_wait3A_94 = arith.constant 0 : i32
        %dma_wait3A_95 = tpu.memref_slice %arg2[%dma_wait3A_94] : memref<320000xi32, #tpu.memory_space<hbm>> -> memref<128xi32, #tpu.memory_space<hbm>>
        tpu.wait_dma2 semaphore(%arg9 : memref<!tpu.dma_semaphore, #tpu.memory_space<semaphore_mem>>) src(%dma_wait3A_95 : memref<128xi32, #tpu.memory_space<hbm>>) dst(%dma_wait3A_93 : memref<128xi32, #tpu.memory_space<vmem>>)
      } else {
      }
    }
    "tpu.region"() ({
      %run_scoped3A = tpu.sem_alloc : memref<!tpu.dma_semaphore, #tpu.memory_space<semaphore_mem>>
      tpu.enqueue_dma source(%arg3 : memref<128x128xf32, #tpu.memory_space<hbm>>) target(%arg7 : memref<128x128xf32, #tpu.memory_space<vmem>>) target_semaphore(%run_scoped3A : memref<!tpu.dma_semaphore, #tpu.memory_space<semaphore_mem>>)
      tpu.wait_dma2 semaphore(%run_scoped3A : memref<!tpu.dma_semaphore, #tpu.memory_space<semaphore_mem>>) src(%arg3 : memref<128x128xf32, #tpu.memory_space<hbm>>) dst(%arg7 : memref<128x128xf32, #tpu.memory_space<vmem>>)
      tpu.yield
    }) : () -> ()
    %mul3A_32 = arith.constant 624 : i32
    %mul3A_33 = arith.muli %arg1, %mul3A_32 : i32
    %mul3A_34 = arith.constant 624 : i32
    %mul3A_35 = arith.muli %arg1, %mul3A_34 : i32
    "tpu.region"() ({
      %run_scoped3A = tpu.sem_alloc : memref<!tpu.dma_semaphore, #tpu.memory_space<semaphore_mem>>
      %dma_start3A = arith.constant 0 : i32
      %dma_start3A_69 = tpu.memref_slice %arg8[%mul3A_35, %dma_start3A] : memref<10000x128xf32, #tpu.memory_space<vmem_shared>> -> memref<624x128xf32, #tpu.memory_space<vmem_shared>>
      %dma_start3A_70 = arith.constant 0 : i32
      %dma_start3A_71 = tpu.memref_slice %arg4[%mul3A_33, %dma_start3A_70] : memref<10000x128xf32, #tpu.memory_space<hbm>> -> memref<624x128xf32, #tpu.memory_space<hbm>>
      tpu.enqueue_dma source(%dma_start3A_71 : memref<624x128xf32, #tpu.memory_space<hbm>>) target(%dma_start3A_69 : memref<624x128xf32, #tpu.memory_space<vmem_shared>>) target_semaphore(%run_scoped3A : memref<!tpu.dma_semaphore, #tpu.memory_space<semaphore_mem>>)
      %dma_wait3A = arith.constant 0 : i32
      %dma_wait3A_72 = tpu.memref_slice %arg8[%mul3A_35, %dma_wait3A] : memref<10000x128xf32, #tpu.memory_space<vmem_shared>> -> memref<624x128xf32, #tpu.memory_space<vmem_shared>>
      %dma_wait3A_73 = arith.constant 0 : i32
      %dma_wait3A_74 = tpu.memref_slice %arg4[%mul3A_33, %dma_wait3A_73] : memref<10000x128xf32, #tpu.memory_space<hbm>> -> memref<624x128xf32, #tpu.memory_space<hbm>>
      tpu.wait_dma2 semaphore(%run_scoped3A : memref<!tpu.dma_semaphore, #tpu.memory_space<semaphore_mem>>) src(%dma_wait3A_74 : memref<624x128xf32, #tpu.memory_space<hbm>>) dst(%dma_wait3A_72 : memref<624x128xf32, #tpu.memory_space<vmem_shared>>)
      tpu.yield
    }) : () -> ()
    %eq3A = arith.constant 0 : i32
    %eq3A_36 = arith.cmpi eq, %arg1, %eq3A : i32
    %convert_element_type3A = arith.extui %eq3A_36 : i1 to i32
    %cond3A = arith.constant 0 : i32
    %cond3A_37 = arith.cmpi ne, %convert_element_type3A, %cond3A : i32
    scf.if %cond3A_37 {
      "tpu.region"() ({
        %run_scoped3A = tpu.sem_alloc : memref<!tpu.dma_semaphore, #tpu.memory_space<semaphore_mem>>
        %dma_start3A = arith.constant 9984 : i32
        %dma_start3A_69 = arith.constant 0 : i32
        %dma_start3A_70 = tpu.memref_slice %arg8[%dma_start3A, %dma_start3A_69] : memref<10000x128xf32, #tpu.memory_space<vmem_shared>> -> memref<16x128xf32, #tpu.memory_space<vmem_shared>>
        %dma_start3A_71 = arith.constant 9984 : i32
        %dma_start3A_72 = arith.constant 0 : i32
        %dma_start3A_73 = tpu.memref_slice %arg4[%dma_start3A_71, %dma_start3A_72] : memref<10000x128xf32, #tpu.memory_space<hbm>> -> memref<16x128xf32, #tpu.memory_space<hbm>>
        tpu.enqueue_dma source(%dma_start3A_73 : memref<16x128xf32, #tpu.memory_space<hbm>>) target(%dma_start3A_70 : memref<16x128xf32, #tpu.memory_space<vmem_shared>>) target_semaphore(%run_scoped3A : memref<!tpu.dma_semaphore, #tpu.memory_space<semaphore_mem>>)
        %dma_wait3A = arith.constant 9984 : i32
        %dma_wait3A_74 = arith.constant 0 : i32
        %dma_wait3A_75 = tpu.memref_slice %arg8[%dma_wait3A, %dma_wait3A_74] : memref<10000x128xf32, #tpu.memory_space<vmem_shared>> -> memref<16x128xf32, #tpu.memory_space<vmem_shared>>
        %dma_wait3A_76 = arith.constant 9984 : i32
        %dma_wait3A_77 = arith.constant 0 : i32
        %dma_wait3A_78 = tpu.memref_slice %arg4[%dma_wait3A_76, %dma_wait3A_77] : memref<10000x128xf32, #tpu.memory_space<hbm>> -> memref<16x128xf32, #tpu.memory_space<hbm>>
        tpu.wait_dma2 semaphore(%run_scoped3A : memref<!tpu.dma_semaphore, #tpu.memory_space<semaphore_mem>>) src(%dma_wait3A_78 : memref<16x128xf32, #tpu.memory_space<hbm>>) dst(%dma_wait3A_75 : memref<16x128xf32, #tpu.memory_space<vmem_shared>>)
        tpu.yield
      }) : () -> ()
    } else {
    }
    %scan3A = arith.constant 0 : i32
    %scan3A_38 = arith.constant 0 : i32
    %scan3A_39 = arith.constant 8 : i32
    %scan3A_40 = arith.addi %scan3A_38, %scan3A_39 : i32
    %scan3A_41 = arith.constant 1 : i32
    scf.for %scan3A_69 = %scan3A_38 to %scan3A_40 step %scan3A_41  : i32 {
      %dma_wait3A = arith.constant 0 : i32
      %dma_wait3A_70 = arith.constant 0 : i32
      %dma_wait3A_71 = tpu.memref_slice %arg6[%dma_wait3A, %dma_wait3A_70] : memref<79x128xi32, #tpu.memory_space<vmem>> -> memref<1x128xi32, #tpu.memory_space<vmem>>
      %dma_wait3A_72 = tpu.memref_squeeze %dma_wait3A_71 : memref<1x128xi32, #tpu.memory_space<vmem>> -> memref<128xi32, #tpu.memory_space<vmem>>
      %dma_wait3A_73 = arith.constant 0 : i32
      %dma_wait3A_74 = tpu.memref_slice %arg2[%dma_wait3A_73] : memref<320000xi32, #tpu.memory_space<hbm>> -> memref<128xi32, #tpu.memory_space<hbm>>
      %dma_wait3A_75 = arith.constant 0 : i32
      %dma_wait3A_76 = tpu.memref_slice %arg6[%dma_wait3A, %dma_wait3A_75] : memref<79x128xi32, #tpu.memory_space<vmem>> -> memref<1x128xi32, #tpu.memory_space<vmem>>
      %dma_wait3A_77 = tpu.memref_squeeze %dma_wait3A_76 : memref<1x128xi32, #tpu.memory_space<vmem>> -> memref<128xi32, #tpu.memory_space<vmem>>
      %dma_wait3A_78 = arith.constant 0 : i32
      %dma_wait3A_79 = tpu.memref_slice %arg2[%dma_wait3A_78] : memref<320000xi32, #tpu.memory_space<hbm>> -> memref<128xi32, #tpu.memory_space<hbm>>
      tpu.wait_dma2 semaphore(%arg9 : memref<!tpu.dma_semaphore, #tpu.memory_space<semaphore_mem>>) src(%dma_wait3A_79 : memref<128xi32, #tpu.memory_space<hbm>>) dst(%dma_wait3A_77 : memref<128xi32, #tpu.memory_space<vmem>>)
    }
    %scan3A_42 = arith.constant 8 : i32
    %barrier3A = arith.constant 0 : index
    tpu.barrier barrier_id(%barrier3A)
    %while3A_43 = arith.constant 0 : i32
    %while3A_44 = arith.constant 0 : i32
    %while3A_45 = arith.subi %select_n3A, %while3A_44 : i32
    %while3A_46 = arith.addi %while3A_44, %while3A_45 : i32
    %while3A_47 = arith.constant 1 : i32
    %while3A_48 = arith.divsi %while3A_45, %while3A_47 : i32
    %while3A_49 = arith.muli %while3A_48, %while3A_47 : i32
    %while3A_50 = arith.addi %while3A_44, %while3A_49 : i32
    %while3A_51 = arith.constant 1 : i32
    scf.for %while3A_69 = %while3A_44 to %while3A_50 step %while3A_51  : i32 {
      %dma_start3A = arith.constant 0 : i32
      %dma_start3A_70 = tpu.memref_slice %arg6[%while3A_69, %dma_start3A] : memref<79x128xi32, #tpu.memory_space<vmem>> -> memref<1x128xi32, #tpu.memory_space<vmem>>
      %dma_start3A_71 = tpu.memref_squeeze %dma_start3A_70 : memref<1x128xi32, #tpu.memory_space<vmem>> -> memref<128xi32, #tpu.memory_space<vmem>>
      %dma_start3A_72 = arith.constant 0 : i32
      %dma_start3A_73 = arith.constant 0 : i32
      %dma_start3A_74 = tpu.memref_slice %arg8[%dma_start3A_72, %dma_start3A_73] : memref<10000x128xf32, #tpu.memory_space<vmem_shared>> -> memref<10000x128xf32, #tpu.memory_space<vmem_shared>>
      tpu.enqueue_indirect_dma source(%arg7 : memref<128x128xf32, #tpu.memory_space<vmem>>) target(%dma_start3A_74 : memref<10000x128xf32, #tpu.memory_space<vmem_shared>>) offsets(%dma_start3A_71 : memref<128xi32, #tpu.memory_space<vmem>>) semaphore(%arg10 : memref<!tpu.dma_semaphore, #tpu.memory_space<semaphore_mem>>) {add = true}
      %ge3A = arith.constant 4 : i32
      %ge3A_75 = arith.cmpi sge, %while3A_69, %ge3A : i32
      %convert_element_type3A_76 = arith.extui %ge3A_75 : i1 to i32
      %cond3A_77 = arith.constant 0 : i32
      %cond3A_78 = arith.cmpi ne, %convert_element_type3A_76, %cond3A_77 : i32
      scf.if %cond3A_78 {
        %dma_wait3A = arith.constant 0 : i32
        %dma_wait3A_79 = arith.constant 0 : i32
        %dma_wait3A_80 = tpu.memref_slice %arg6[%dma_wait3A, %dma_wait3A_79] : memref<79x128xi32, #tpu.memory_space<vmem>> -> memref<1x128xi32, #tpu.memory_space<vmem>>
        %dma_wait3A_81 = tpu.memref_squeeze %dma_wait3A_80 : memref<1x128xi32, #tpu.memory_space<vmem>> -> memref<128xi32, #tpu.memory_space<vmem>>
        %dma_wait3A_82 = arith.constant 0 : i32
        %dma_wait3A_83 = arith.constant 0 : i32
        %dma_wait3A_84 = tpu.memref_slice %arg8[%dma_wait3A_82, %dma_wait3A_83] : memref<10000x128xf32, #tpu.memory_space<vmem_shared>> -> memref<10000x128xf32, #tpu.memory_space<vmem_shared>>
        tpu.wait_indirect_dma semaphore(%arg10 : memref<!tpu.dma_semaphore, #tpu.memory_space<semaphore_mem>>) src(%arg7 : memref<128x128xf32, #tpu.memory_space<vmem>>) dst(%dma_wait3A_84 : memref<10000x128xf32, #tpu.memory_space<vmem_shared>>)
      } else {
      }
    }
    %while3A_52 = arith.constant 1 : i32
    scf.for %while3A_69 = %while3A_50 to %while3A_46 step %while3A_52  : i32 {
      %dma_start3A = arith.constant 0 : i32
      %dma_start3A_70 = tpu.memref_slice %arg6[%while3A_69, %dma_start3A] : memref<79x128xi32, #tpu.memory_space<vmem>> -> memref<1x128xi32, #tpu.memory_space<vmem>>
      %dma_start3A_71 = tpu.memref_squeeze %dma_start3A_70 : memref<1x128xi32, #tpu.memory_space<vmem>> -> memref<128xi32, #tpu.memory_space<vmem>>
      %dma_start3A_72 = arith.constant 0 : i32
      %dma_start3A_73 = arith.constant 0 : i32
      %dma_start3A_74 = tpu.memref_slice %arg8[%dma_start3A_72, %dma_start3A_73] : memref<10000x128xf32, #tpu.memory_space<vmem_shared>> -> memref<10000x128xf32, #tpu.memory_space<vmem_shared>>
      tpu.enqueue_indirect_dma source(%arg7 : memref<128x128xf32, #tpu.memory_space<vmem>>) target(%dma_start3A_74 : memref<10000x128xf32, #tpu.memory_space<vmem_shared>>) offsets(%dma_start3A_71 : memref<128xi32, #tpu.memory_space<vmem>>) semaphore(%arg10 : memref<!tpu.dma_semaphore, #tpu.memory_space<semaphore_mem>>) {add = true}
      %ge3A = arith.constant 4 : i32
      %ge3A_75 = arith.cmpi sge, %while3A_69, %ge3A : i32
      %convert_element_type3A_76 = arith.extui %ge3A_75 : i1 to i32
      %cond3A_77 = arith.constant 0 : i32
      %cond3A_78 = arith.cmpi ne, %convert_element_type3A_76, %cond3A_77 : i32
      scf.if %cond3A_78 {
        %dma_wait3A = arith.constant 0 : i32
        %dma_wait3A_79 = arith.constant 0 : i32
        %dma_wait3A_80 = tpu.memref_slice %arg6[%dma_wait3A, %dma_wait3A_79] : memref<79x128xi32, #tpu.memory_space<vmem>> -> memref<1x128xi32, #tpu.memory_space<vmem>>
        %dma_wait3A_81 = tpu.memref_squeeze %dma_wait3A_80 : memref<1x128xi32, #tpu.memory_space<vmem>> -> memref<128xi32, #tpu.memory_space<vmem>>
        %dma_wait3A_82 = arith.constant 0 : i32
        %dma_wait3A_83 = arith.constant 0 : i32
        %dma_wait3A_84 = tpu.memref_slice %arg8[%dma_wait3A_82, %dma_wait3A_83] : memref<10000x128xf32, #tpu.memory_space<vmem_shared>> -> memref<10000x128xf32, #tpu.memory_space<vmem_shared>>
        tpu.wait_indirect_dma semaphore(%arg10 : memref<!tpu.dma_semaphore, #tpu.memory_space<semaphore_mem>>) src(%arg7 : memref<128x128xf32, #tpu.memory_space<vmem>>) dst(%dma_wait3A_84 : memref<10000x128xf32, #tpu.memory_space<vmem_shared>>)
      } else {
      }
    }
    %scan3A_53 = arith.constant 0 : i32
    %scan3A_54 = arith.constant 0 : i32
    %scan3A_55 = arith.constant 4 : i32
    %scan3A_56 = arith.addi %scan3A_54, %scan3A_55 : i32
    %scan3A_57 = arith.constant 1 : i32
    scf.for %scan3A_69 = %scan3A_54 to %scan3A_56 step %scan3A_57  : i32 {
      %dma_wait3A = arith.constant 0 : i32
      %dma_wait3A_70 = arith.constant 0 : i32
      %dma_wait3A_71 = tpu.memref_slice %arg6[%dma_wait3A, %dma_wait3A_70] : memref<79x128xi32, #tpu.memory_space<vmem>> -> memref<1x128xi32, #tpu.memory_space<vmem>>
      %dma_wait3A_72 = tpu.memref_squeeze %dma_wait3A_71 : memref<1x128xi32, #tpu.memory_space<vmem>> -> memref<128xi32, #tpu.memory_space<vmem>>
      %dma_wait3A_73 = arith.constant 0 : i32
      %dma_wait3A_74 = arith.constant 0 : i32
      %dma_wait3A_75 = tpu.memref_slice %arg8[%dma_wait3A_73, %dma_wait3A_74] : memref<10000x128xf32, #tpu.memory_space<vmem_shared>> -> memref<10000x128xf32, #tpu.memory_space<vmem_shared>>
      tpu.wait_indirect_dma semaphore(%arg10 : memref<!tpu.dma_semaphore, #tpu.memory_space<semaphore_mem>>) src(%arg7 : memref<128x128xf32, #tpu.memory_space<vmem>>) dst(%dma_wait3A_75 : memref<10000x128xf32, #tpu.memory_space<vmem_shared>>)
    }
    %scan3A_58 = arith.constant 4 : i32
    %barrier3A_59 = arith.constant 0 : index
    tpu.barrier barrier_id(%barrier3A_59)
    %mul3A_60 = arith.constant 624 : i32
    %mul3A_61 = arith.muli %arg1, %mul3A_60 : i32
    %mul3A_62 = arith.constant 624 : i32
    %mul3A_63 = arith.muli %arg1, %mul3A_62 : i32
    "tpu.region"() ({
      %run_scoped3A = tpu.sem_alloc : memref<!tpu.dma_semaphore, #tpu.memory_space<semaphore_mem>>
      %dma_start3A = arith.constant 0 : i32
      %dma_start3A_69 = tpu.memref_slice %arg5[%arg0, %mul3A_63, %dma_start3A] : memref<2x10000x128xf32, #tpu.memory_space<hbm>> -> memref<1x624x128xf32, #tpu.memory_space<hbm>>
      %dma_start3A_70 = tpu.memref_squeeze %dma_start3A_69 : memref<1x624x128xf32, #tpu.memory_space<hbm>> -> memref<624x128xf32, #tpu.memory_space<hbm>>
      %dma_start3A_71 = arith.constant 0 : i32
      %dma_start3A_72 = tpu.memref_slice %arg8[%mul3A_61, %dma_start3A_71] : memref<10000x128xf32, #tpu.memory_space<vmem_shared>> -> memref<624x128xf32, #tpu.memory_space<vmem_shared>>
      tpu.enqueue_dma source(%dma_start3A_72 : memref<624x128xf32, #tpu.memory_space<vmem_shared>>) target(%dma_start3A_70 : memref<624x128xf32, #tpu.memory_space<hbm>>) target_semaphore(%run_scoped3A : memref<!tpu.dma_semaphore, #tpu.memory_space<semaphore_mem>>)
      %dma_wait3A = arith.constant 0 : i32
      %dma_wait3A_73 = tpu.memref_slice %arg5[%arg0, %mul3A_63, %dma_wait3A] : memref<2x10000x128xf32, #tpu.memory_space<hbm>> -> memref<1x624x128xf32, #tpu.memory_space<hbm>>
      %dma_wait3A_74 = tpu.memref_squeeze %dma_wait3A_73 : memref<1x624x128xf32, #tpu.memory_space<hbm>> -> memref<624x128xf32, #tpu.memory_space<hbm>>
      %dma_wait3A_75 = arith.constant 0 : i32
      %dma_wait3A_76 = tpu.memref_slice %arg8[%mul3A_61, %dma_wait3A_75] : memref<10000x128xf32, #tpu.memory_space<vmem_shared>> -> memref<624x128xf32, #tpu.memory_space<vmem_shared>>
      tpu.wait_dma2 semaphore(%run_scoped3A : memref<!tpu.dma_semaphore, #tpu.memory_space<semaphore_mem>>) src(%dma_wait3A_76 : memref<624x128xf32, #tpu.memory_space<vmem_shared>>) dst(%dma_wait3A_74 : memref<624x128xf32, #tpu.memory_space<hbm>>)
      tpu.yield
    }) : () -> ()
    %eq3A_64 = arith.constant 0 : i32
    %eq3A_65 = arith.cmpi eq, %arg1, %eq3A_64 : i32
    %convert_element_type3A_66 = arith.extui %eq3A_65 : i1 to i32
    %cond3A_67 = arith.constant 0 : i32
    %cond3A_68 = arith.cmpi ne, %convert_element_type3A_66, %cond3A_67 : i32
    scf.if %cond3A_68 {
      "tpu.region"() ({
        %run_scoped3A = tpu.sem_alloc : memref<!tpu.dma_semaphore, #tpu.memory_space<semaphore_mem>>
        %dma_start3A = arith.constant 9984 : i32
        %dma_start3A_69 = arith.constant 0 : i32
        %dma_start3A_70 = tpu.memref_slice %arg5[%arg0, %dma_start3A, %dma_start3A_69] : memref<2x10000x128xf32, #tpu.memory_space<hbm>> -> memref<1x16x128xf32, #tpu.memory_space<hbm>>
        %dma_start3A_71 = tpu.memref_squeeze %dma_start3A_70 : memref<1x16x128xf32, #tpu.memory_space<hbm>> -> memref<16x128xf32, #tpu.memory_space<hbm>>
        %dma_start3A_72 = arith.constant 9984 : i32
        %dma_start3A_73 = arith.constant 0 : i32
        %dma_start3A_74 = tpu.memref_slice %arg8[%dma_start3A_72, %dma_start3A_73] : memref<10000x128xf32, #tpu.memory_space<vmem_shared>> -> memref<16x128xf32, #tpu.memory_space<vmem_shared>>
        tpu.enqueue_dma source(%dma_start3A_74 : memref<16x128xf32, #tpu.memory_space<vmem_shared>>) target(%dma_start3A_71 : memref<16x128xf32, #tpu.memory_space<hbm>>) target_semaphore(%run_scoped3A : memref<!tpu.dma_semaphore, #tpu.memory_space<semaphore_mem>>)
        %dma_wait3A = arith.constant 9984 : i32
        %dma_wait3A_75 = arith.constant 0 : i32
        %dma_wait3A_76 = tpu.memref_slice %arg5[%arg0, %dma_wait3A, %dma_wait3A_75] : memref<2x10000x128xf32, #tpu.memory_space<hbm>> -> memref<1x16x128xf32, #tpu.memory_space<hbm>>
        %dma_wait3A_77 = tpu.memref_squeeze %dma_wait3A_76 : memref<1x16x128xf32, #tpu.memory_space<hbm>> -> memref<16x128xf32, #tpu.memory_space<hbm>>
        %dma_wait3A_78 = arith.constant 9984 : i32
        %dma_wait3A_79 = arith.constant 0 : i32
        %dma_wait3A_80 = tpu.memref_slice %arg8[%dma_wait3A_78, %dma_wait3A_79] : memref<10000x128xf32, #tpu.memory_space<vmem_shared>> -> memref<16x128xf32, #tpu.memory_space<vmem_shared>>
        tpu.wait_dma2 semaphore(%run_scoped3A : memref<!tpu.dma_semaphore, #tpu.memory_space<semaphore_mem>>) src(%dma_wait3A_80 : memref<16x128xf32, #tpu.memory_space<vmem_shared>>) dst(%dma_wait3A_77 : memref<16x128xf32, #tpu.memory_space<hbm>>)
        tpu.yield
      }) : () -> ()
    } else {
    }
    return
  }
}

#map = affine_map<(d0, d1) -> (0, 0)>
#map1 = affine_map<(d0, d1) -> (0)>
#map2 = affine_map<(d0, d1) -> (0, 0, 0)>
module attributes {stable_mosaic.version = 14 : i64} {
  func.func @_sc_aggregate(%arg0: i32, %arg1: i32, %arg2: memref<10000x128xf32, #tpu.memory_space<hbm>>, %arg3: memref<320000xi32, #tpu.memory_space<hbm>>, %arg4: memref<320000xi32, #tpu.memory_space<hbm>>, %arg5: memref<10000x128xf32, #tpu.memory_space<hbm>>, %arg6: memref<2x10000x128xf32, #tpu.memory_space<hbm>>, %arg7: memref<128xi32, #tpu.memory_space<vmem>>, %arg8: memref<128xi32, #tpu.memory_space<vmem>>, %arg9: memref<128xi32, #tpu.memory_space<vmem>>, %arg10: memref<128xi32, #tpu.memory_space<vmem>>, %arg11: memref<128xi32, #tpu.memory_space<vmem>>, %arg12: memref<128xi32, #tpu.memory_space<vmem>>, %arg13: memref<128x128xf32, #tpu.memory_space<vmem>>, %arg14: memref<128x128xf32, #tpu.memory_space<vmem>>, %arg15: memref<128x128xf32, #tpu.memory_space<vmem>>, %arg16: memref<10000x128xf32, #tpu.memory_space<vmem_shared>>, %arg17: memref<!tpu.dma_semaphore, #tpu.memory_space<semaphore_mem>>, %arg18: memref<!tpu.dma_semaphore, #tpu.memory_space<semaphore_mem>>, %arg19: memref<!tpu.dma_semaphore, #tpu.memory_space<semaphore_mem>>, %arg20: memref<!tpu.dma_semaphore, #tpu.memory_space<semaphore_mem>>, %arg21: memref<!tpu.dma_semaphore, #tpu.memory_space<semaphore_mem>>, %arg22: memref<!tpu.dma_semaphore, #tpu.memory_space<semaphore_mem>>, %arg23: memref<!tpu.dma_semaphore, #tpu.memory_space<semaphore_mem>>, %arg24: memref<!tpu.dma_semaphore, #tpu.memory_space<semaphore_mem>>, %arg25: memref<!tpu.dma_semaphore, #tpu.memory_space<semaphore_mem>>, %arg26: memref<!tpu.dma_semaphore, #tpu.memory_space<semaphore_mem>>, %arg27: memref<!tpu.dma_semaphore, #tpu.memory_space<semaphore_mem>>, %arg28: memref<!tpu.dma_semaphore, #tpu.memory_space<semaphore_mem>>) attributes {dimension_semantics = [#tpu.dimension_semantics<core_parallel>, #tpu.dimension_semantics<subcore_parallel>], iteration_bounds = array<i64: 2, 16>, scalar_prefetch = 0 : i64, scratch_operands = 22 : i64, tpu.core_type = #tpu.core_type<sc_vector_subcore>, window_params = [{transform_indices = #map}, {transform_indices = #map1}, {transform_indices = #map1}, {transform_indices = #map}, {transform_indices = #map2}]} {
    %mul3A = arith.constant 2 : i32
    %mul3A_0 = arith.muli %arg1, %mul3A : i32
    %add3A = arith.addi %mul3A_0, %arg0 : i32
    %sub3A = arith.constant 2500 : i32
    %sub3A_1 = arith.subi %sub3A, %add3A : i32
    %add3A_2 = arith.constant 32 : i32
    %add3A_3 = arith.addi %sub3A_1, %add3A_2 : i32
    %sub3A_4 = arith.constant 1 : i32
    %sub3A_5 = arith.subi %add3A_3, %sub3A_4 : i32
    %jit3A = arith.constant 32 : i32
    %div3A = arith.divsi %sub3A_5, %jit3A : i32
    %sign3A = arith.constant 0 : i32
    %sign3A_6 = arith.cmpi sgt, %sub3A_5, %sign3A : i32
    %sign3A_7 = arith.extui %sign3A_6 : i1 to i32
    %sign3A_8 = arith.constant 0 : i32
    %sign3A_9 = arith.cmpi slt, %sub3A_5, %sign3A_8 : i32
    %sign3A_10 = arith.extui %sign3A_9 : i1 to i32
    %sign3A_11 = arith.subi %sign3A_7, %sign3A_10 : i32
    %sign3A_12 = arith.constant 0 : i32
    %sign3A_13 = arith.cmpi sgt, %jit3A, %sign3A_12 : i32
    %sign3A_14 = arith.extui %sign3A_13 : i1 to i32
    %sign3A_15 = arith.constant 0 : i32
    %sign3A_16 = arith.cmpi slt, %jit3A, %sign3A_15 : i32
    %sign3A_17 = arith.extui %sign3A_16 : i1 to i32
    %sign3A_18 = arith.subi %sign3A_14, %sign3A_17 : i32
    %ne3A = arith.cmpi ne, %sign3A_11, %sign3A_18 : i32
    %rem3A = arith.remsi %sub3A_5, %jit3A : i32
    %ne3A_19 = arith.constant 0 : i32
    %ne3A_20 = arith.cmpi ne, %rem3A, %ne3A_19 : i32
    %and3A = arith.andi %ne3A, %ne3A_20 : i1
    %sub3A_21 = arith.constant 1 : i32
    %sub3A_22 = arith.subi %div3A, %sub3A_21 : i32
    %select_n3A = arith.select %and3A, %sub3A_22, %div3A : i32
    %add3A_23 = arith.constant 0 : i32
    %add3A_24 = arith.addi %add3A, %add3A_23 : i32
    %mul3A_25 = arith.constant 128 : i32
    %mul3A_26 = arith.muli %add3A_24, %mul3A_25 : i32
    %dma_start3A = tpu.memref_slice %arg3[%mul3A_26] : memref<320000xi32, #tpu.memory_space<hbm>> -> memref<128xi32, #tpu.memory_space<hbm>>
    %dma_start3A_27 = tpu.memref_slice %arg3[%mul3A_26] : memref<320000xi32, #tpu.memory_space<hbm>> -> memref<128xi32, #tpu.memory_space<hbm>>
    tpu.enqueue_dma source(%dma_start3A_27 : memref<128xi32, #tpu.memory_space<hbm>>) target(%arg7 : memref<128xi32, #tpu.memory_space<vmem>>) target_semaphore(%arg17 : memref<!tpu.dma_semaphore, #tpu.memory_space<semaphore_mem>>)
    %add3A_28 = arith.constant 32 : i32
    %add3A_29 = arith.addi %add3A, %add3A_28 : i32
    %mul3A_30 = arith.constant 128 : i32
    %mul3A_31 = arith.muli %add3A_29, %mul3A_30 : i32
    %dma_start3A_32 = tpu.memref_slice %arg3[%mul3A_31] : memref<320000xi32, #tpu.memory_space<hbm>> -> memref<128xi32, #tpu.memory_space<hbm>>
    %dma_start3A_33 = tpu.memref_slice %arg3[%mul3A_31] : memref<320000xi32, #tpu.memory_space<hbm>> -> memref<128xi32, #tpu.memory_space<hbm>>
    tpu.enqueue_dma source(%dma_start3A_33 : memref<128xi32, #tpu.memory_space<hbm>>) target(%arg8 : memref<128xi32, #tpu.memory_space<vmem>>) target_semaphore(%arg18 : memref<!tpu.dma_semaphore, #tpu.memory_space<semaphore_mem>>)
    %add3A_34 = arith.constant 64 : i32
    %add3A_35 = arith.addi %add3A, %add3A_34 : i32
    %mul3A_36 = arith.constant 128 : i32
    %mul3A_37 = arith.muli %add3A_35, %mul3A_36 : i32
    %dma_start3A_38 = tpu.memref_slice %arg3[%mul3A_37] : memref<320000xi32, #tpu.memory_space<hbm>> -> memref<128xi32, #tpu.memory_space<hbm>>
    %dma_start3A_39 = tpu.memref_slice %arg3[%mul3A_37] : memref<320000xi32, #tpu.memory_space<hbm>> -> memref<128xi32, #tpu.memory_space<hbm>>
    tpu.enqueue_dma source(%dma_start3A_39 : memref<128xi32, #tpu.memory_space<hbm>>) target(%arg9 : memref<128xi32, #tpu.memory_space<vmem>>) target_semaphore(%arg19 : memref<!tpu.dma_semaphore, #tpu.memory_space<semaphore_mem>>)
    %add3A_40 = arith.constant 0 : i32
    %add3A_41 = arith.addi %add3A, %add3A_40 : i32
    %mul3A_42 = arith.constant 128 : i32
    %mul3A_43 = arith.muli %add3A_41, %mul3A_42 : i32
    %dma_start3A_44 = tpu.memref_slice %arg4[%mul3A_43] : memref<320000xi32, #tpu.memory_space<hbm>> -> memref<128xi32, #tpu.memory_space<hbm>>
    %dma_start3A_45 = tpu.memref_slice %arg4[%mul3A_43] : memref<320000xi32, #tpu.memory_space<hbm>> -> memref<128xi32, #tpu.memory_space<hbm>>
    tpu.enqueue_dma source(%dma_start3A_45 : memref<128xi32, #tpu.memory_space<hbm>>) target(%arg10 : memref<128xi32, #tpu.memory_space<vmem>>) target_semaphore(%arg20 : memref<!tpu.dma_semaphore, #tpu.memory_space<semaphore_mem>>)
    %add3A_46 = arith.constant 32 : i32
    %add3A_47 = arith.addi %add3A, %add3A_46 : i32
    %mul3A_48 = arith.constant 128 : i32
    %mul3A_49 = arith.muli %add3A_47, %mul3A_48 : i32
    %dma_start3A_50 = tpu.memref_slice %arg4[%mul3A_49] : memref<320000xi32, #tpu.memory_space<hbm>> -> memref<128xi32, #tpu.memory_space<hbm>>
    %dma_start3A_51 = tpu.memref_slice %arg4[%mul3A_49] : memref<320000xi32, #tpu.memory_space<hbm>> -> memref<128xi32, #tpu.memory_space<hbm>>
    tpu.enqueue_dma source(%dma_start3A_51 : memref<128xi32, #tpu.memory_space<hbm>>) target(%arg11 : memref<128xi32, #tpu.memory_space<vmem>>) target_semaphore(%arg21 : memref<!tpu.dma_semaphore, #tpu.memory_space<semaphore_mem>>)
    %mul3A_52 = arith.constant 624 : i32
    %mul3A_53 = arith.muli %arg1, %mul3A_52 : i32
    %mul3A_54 = arith.constant 624 : i32
    %mul3A_55 = arith.muli %arg1, %mul3A_54 : i32
    "tpu.region"() ({
      %run_scoped3A = tpu.sem_alloc : memref<!tpu.dma_semaphore, #tpu.memory_space<semaphore_mem>>
      %dma_start3A_115 = arith.constant 0 : i32
      %dma_start3A_116 = tpu.memref_slice %arg16[%mul3A_55, %dma_start3A_115] : memref<10000x128xf32, #tpu.memory_space<vmem_shared>> -> memref<624x128xf32, #tpu.memory_space<vmem_shared>>
      %dma_start3A_117 = arith.constant 0 : i32
      %dma_start3A_118 = tpu.memref_slice %arg5[%mul3A_53, %dma_start3A_117] : memref<10000x128xf32, #tpu.memory_space<hbm>> -> memref<624x128xf32, #tpu.memory_space<hbm>>
      tpu.enqueue_dma source(%dma_start3A_118 : memref<624x128xf32, #tpu.memory_space<hbm>>) target(%dma_start3A_116 : memref<624x128xf32, #tpu.memory_space<vmem_shared>>) target_semaphore(%run_scoped3A : memref<!tpu.dma_semaphore, #tpu.memory_space<semaphore_mem>>)
      %dma_wait3A_119 = arith.constant 0 : i32
      %dma_wait3A_120 = tpu.memref_slice %arg16[%mul3A_55, %dma_wait3A_119] : memref<10000x128xf32, #tpu.memory_space<vmem_shared>> -> memref<624x128xf32, #tpu.memory_space<vmem_shared>>
      %dma_wait3A_121 = arith.constant 0 : i32
      %dma_wait3A_122 = tpu.memref_slice %arg5[%mul3A_53, %dma_wait3A_121] : memref<10000x128xf32, #tpu.memory_space<hbm>> -> memref<624x128xf32, #tpu.memory_space<hbm>>
      tpu.wait_dma2 semaphore(%run_scoped3A : memref<!tpu.dma_semaphore, #tpu.memory_space<semaphore_mem>>) src(%dma_wait3A_122 : memref<624x128xf32, #tpu.memory_space<hbm>>) dst(%dma_wait3A_120 : memref<624x128xf32, #tpu.memory_space<vmem_shared>>)
      tpu.yield
    }) : () -> ()
    %eq3A = arith.constant 0 : i32
    %eq3A_56 = arith.cmpi eq, %arg1, %eq3A : i32
    %convert_element_type3A = arith.extui %eq3A_56 : i1 to i32
    %cond3A = arith.constant 0 : i32
    %cond3A_57 = arith.cmpi ne, %convert_element_type3A, %cond3A : i32
    scf.if %cond3A_57 {
      "tpu.region"() ({
        %run_scoped3A = tpu.sem_alloc : memref<!tpu.dma_semaphore, #tpu.memory_space<semaphore_mem>>
        %dma_start3A_115 = arith.constant 9984 : i32
        %dma_start3A_116 = arith.constant 0 : i32
        %dma_start3A_117 = tpu.memref_slice %arg16[%dma_start3A_115, %dma_start3A_116] : memref<10000x128xf32, #tpu.memory_space<vmem_shared>> -> memref<16x128xf32, #tpu.memory_space<vmem_shared>>
        %dma_start3A_118 = arith.constant 9984 : i32
        %dma_start3A_119 = arith.constant 0 : i32
        %dma_start3A_120 = tpu.memref_slice %arg5[%dma_start3A_118, %dma_start3A_119] : memref<10000x128xf32, #tpu.memory_space<hbm>> -> memref<16x128xf32, #tpu.memory_space<hbm>>
        tpu.enqueue_dma source(%dma_start3A_120 : memref<16x128xf32, #tpu.memory_space<hbm>>) target(%dma_start3A_117 : memref<16x128xf32, #tpu.memory_space<vmem_shared>>) target_semaphore(%run_scoped3A : memref<!tpu.dma_semaphore, #tpu.memory_space<semaphore_mem>>)
        %dma_wait3A_121 = arith.constant 9984 : i32
        %dma_wait3A_122 = arith.constant 0 : i32
        %dma_wait3A_123 = tpu.memref_slice %arg16[%dma_wait3A_121, %dma_wait3A_122] : memref<10000x128xf32, #tpu.memory_space<vmem_shared>> -> memref<16x128xf32, #tpu.memory_space<vmem_shared>>
        %dma_wait3A_124 = arith.constant 9984 : i32
        %dma_wait3A_125 = arith.constant 0 : i32
        %dma_wait3A_126 = tpu.memref_slice %arg5[%dma_wait3A_124, %dma_wait3A_125] : memref<10000x128xf32, #tpu.memory_space<hbm>> -> memref<16x128xf32, #tpu.memory_space<hbm>>
        tpu.wait_dma2 semaphore(%run_scoped3A : memref<!tpu.dma_semaphore, #tpu.memory_space<semaphore_mem>>) src(%dma_wait3A_126 : memref<16x128xf32, #tpu.memory_space<hbm>>) dst(%dma_wait3A_123 : memref<16x128xf32, #tpu.memory_space<vmem_shared>>)
        tpu.yield
      }) : () -> ()
    } else {
    }
    %barrier3A = arith.constant 0 : index
    tpu.barrier barrier_id(%barrier3A)
    %dma_wait3A = arith.constant 0 : i32
    %dma_wait3A_58 = tpu.memref_slice %arg3[%dma_wait3A] : memref<320000xi32, #tpu.memory_space<hbm>> -> memref<128xi32, #tpu.memory_space<hbm>>
    %dma_wait3A_59 = arith.constant 0 : i32
    %dma_wait3A_60 = tpu.memref_slice %arg3[%dma_wait3A_59] : memref<320000xi32, #tpu.memory_space<hbm>> -> memref<128xi32, #tpu.memory_space<hbm>>
    tpu.wait_dma2 semaphore(%arg17 : memref<!tpu.dma_semaphore, #tpu.memory_space<semaphore_mem>>) src(%dma_wait3A_60 : memref<128xi32, #tpu.memory_space<hbm>>) dst(%arg7 : memref<128xi32, #tpu.memory_space<vmem>>)
    %dma_start3A_61 = arith.constant 0 : i32
    %dma_start3A_62 = arith.constant 0 : i32
    %dma_start3A_63 = tpu.memref_slice %arg2[%dma_start3A_61, %dma_start3A_62] : memref<10000x128xf32, #tpu.memory_space<hbm>> -> memref<10000x128xf32, #tpu.memory_space<hbm>>
    tpu.enqueue_indirect_dma source(%dma_start3A_63 : memref<10000x128xf32, #tpu.memory_space<hbm>>) target(%arg13 : memref<128x128xf32, #tpu.memory_space<vmem>>) offsets(%arg7 : memref<128xi32, #tpu.memory_space<vmem>>) semaphore(%arg23 : memref<!tpu.dma_semaphore, #tpu.memory_space<semaphore_mem>>)
    %dma_wait3A_64 = arith.constant 0 : i32
    %dma_wait3A_65 = tpu.memref_slice %arg3[%dma_wait3A_64] : memref<320000xi32, #tpu.memory_space<hbm>> -> memref<128xi32, #tpu.memory_space<hbm>>
    %dma_wait3A_66 = arith.constant 0 : i32
    %dma_wait3A_67 = tpu.memref_slice %arg3[%dma_wait3A_66] : memref<320000xi32, #tpu.memory_space<hbm>> -> memref<128xi32, #tpu.memory_space<hbm>>
    tpu.wait_dma2 semaphore(%arg18 : memref<!tpu.dma_semaphore, #tpu.memory_space<semaphore_mem>>) src(%dma_wait3A_67 : memref<128xi32, #tpu.memory_space<hbm>>) dst(%arg8 : memref<128xi32, #tpu.memory_space<vmem>>)
    %dma_start3A_68 = arith.constant 0 : i32
    %dma_start3A_69 = arith.constant 0 : i32
    %dma_start3A_70 = tpu.memref_slice %arg2[%dma_start3A_68, %dma_start3A_69] : memref<10000x128xf32, #tpu.memory_space<hbm>> -> memref<10000x128xf32, #tpu.memory_space<hbm>>
    tpu.enqueue_indirect_dma source(%dma_start3A_70 : memref<10000x128xf32, #tpu.memory_space<hbm>>) target(%arg14 : memref<128x128xf32, #tpu.memory_space<vmem>>) offsets(%arg8 : memref<128xi32, #tpu.memory_space<vmem>>) semaphore(%arg24 : memref<!tpu.dma_semaphore, #tpu.memory_space<semaphore_mem>>)
    %scan3A = arith.constant 0 : i32
    %scan3A_71 = arith.constant 0 : i32
    %scan3A_72 = arith.constant 26 : i32
    %scan3A_73 = arith.addi %scan3A_71, %scan3A_72 : i32
    %scan3A_74 = arith.constant 1 : i32
    scf.for %scan3A_115 = %scan3A_71 to %scan3A_73 step %scan3A_74  : i32 {
      %mul3A_116 = arith.constant 3 : i32
      %mul3A_117 = arith.muli %mul3A_116, %scan3A_115 : i32
      %add3A_118 = arith.constant 0 : i32
      %add3A_119 = arith.addi %mul3A_117, %add3A_118 : i32
      %add3A_120 = arith.constant 2 : i32
      %add3A_121 = arith.addi %add3A_119, %add3A_120 : i32
      %lt3A_122 = arith.cmpi slt, %add3A_121, %select_n3A : i32
      %convert_element_type3A_123 = arith.extui %lt3A_122 : i1 to i32
      %cond3A_124 = arith.constant 0 : i32
      %cond3A_125 = arith.cmpi ne, %convert_element_type3A_123, %cond3A_124 : i32
      scf.if %cond3A_125 {
        %ge3A = arith.constant 1 : i32
        %ge3A_190 = arith.cmpi sge, %add3A_119, %ge3A : i32
        %convert_element_type3A_191 = arith.extui %ge3A_190 : i1 to i32
        %cond3A_192 = arith.constant 0 : i32
        %cond3A_193 = arith.cmpi ne, %convert_element_type3A_191, %cond3A_192 : i32
        scf.if %cond3A_193 {
          %dma_wait3A_212 = arith.constant 0 : i32
          %dma_wait3A_213 = arith.constant 0 : i32
          %dma_wait3A_214 = tpu.memref_slice %arg16[%dma_wait3A_212, %dma_wait3A_213] : memref<10000x128xf32, #tpu.memory_space<vmem_shared>> -> memref<10000x128xf32, #tpu.memory_space<vmem_shared>>
          tpu.wait_indirect_dma semaphore(%arg28 : memref<!tpu.dma_semaphore, #tpu.memory_space<semaphore_mem>>) src(%arg15 : memref<128x128xf32, #tpu.memory_space<vmem>>) dst(%dma_wait3A_214 : memref<10000x128xf32, #tpu.memory_space<vmem_shared>>)
        } else {
        }
        %add3A_194 = arith.constant 2 : i32
        %add3A_195 = arith.addi %add3A_119, %add3A_194 : i32
        %mul3A_196 = arith.constant 32 : i32
        %mul3A_197 = arith.muli %add3A_195, %mul3A_196 : i32
        %add3A_198 = arith.addi %add3A, %mul3A_197 : i32
        %mul3A_199 = arith.constant 128 : i32
        %mul3A_200 = arith.muli %add3A_198, %mul3A_199 : i32
        %dma_start3A_201 = tpu.memref_slice %arg4[%mul3A_200] : memref<320000xi32, #tpu.memory_space<hbm>> -> memref<128xi32, #tpu.memory_space<hbm>>
        %dma_start3A_202 = tpu.memref_slice %arg4[%mul3A_200] : memref<320000xi32, #tpu.memory_space<hbm>> -> memref<128xi32, #tpu.memory_space<hbm>>
        tpu.enqueue_dma source(%dma_start3A_202 : memref<128xi32, #tpu.memory_space<hbm>>) target(%arg12 : memref<128xi32, #tpu.memory_space<vmem>>) target_semaphore(%arg22 : memref<!tpu.dma_semaphore, #tpu.memory_space<semaphore_mem>>)
        %dma_wait3A_203 = arith.constant 0 : i32
        %dma_wait3A_204 = tpu.memref_slice %arg3[%dma_wait3A_203] : memref<320000xi32, #tpu.memory_space<hbm>> -> memref<128xi32, #tpu.memory_space<hbm>>
        %dma_wait3A_205 = arith.constant 0 : i32
        %dma_wait3A_206 = tpu.memref_slice %arg3[%dma_wait3A_205] : memref<320000xi32, #tpu.memory_space<hbm>> -> memref<128xi32, #tpu.memory_space<hbm>>
        tpu.wait_dma2 semaphore(%arg19 : memref<!tpu.dma_semaphore, #tpu.memory_space<semaphore_mem>>) src(%dma_wait3A_206 : memref<128xi32, #tpu.memory_space<hbm>>) dst(%arg9 : memref<128xi32, #tpu.memory_space<vmem>>)
        %add3A_207 = arith.constant 2 : i32
        %add3A_208 = arith.addi %add3A_119, %add3A_207 : i32
        %dma_start3A_209 = arith.constant 0 : i32
        %dma_start3A_210 = arith.constant 0 : i32
        %dma_start3A_211 = tpu.memref_slice %arg2[%dma_start3A_209, %dma_start3A_210] : memref<10000x128xf32, #tpu.memory_space<hbm>> -> memref<10000x128xf32, #tpu.memory_space<hbm>>
        tpu.enqueue_indirect_dma source(%dma_start3A_211 : memref<10000x128xf32, #tpu.memory_space<hbm>>) target(%arg15 : memref<128x128xf32, #tpu.memory_space<vmem>>) offsets(%arg9 : memref<128xi32, #tpu.memory_space<vmem>>) semaphore(%arg25 : memref<!tpu.dma_semaphore, #tpu.memory_space<semaphore_mem>>)
      } else {
      }
      %dma_wait3A_126 = arith.constant 0 : i32
      %dma_wait3A_127 = arith.constant 0 : i32
      %dma_wait3A_128 = tpu.memref_slice %arg2[%dma_wait3A_126, %dma_wait3A_127] : memref<10000x128xf32, #tpu.memory_space<hbm>> -> memref<10000x128xf32, #tpu.memory_space<hbm>>
      tpu.wait_indirect_dma semaphore(%arg23 : memref<!tpu.dma_semaphore, #tpu.memory_space<semaphore_mem>>) src(%dma_wait3A_128 : memref<10000x128xf32, #tpu.memory_space<hbm>>) dst(%arg13 : memref<128x128xf32, #tpu.memory_space<vmem>>)
      %add3A_129 = arith.constant 3 : i32
      %add3A_130 = arith.addi %add3A_119, %add3A_129 : i32
      %lt3A_131 = arith.cmpi slt, %add3A_130, %select_n3A : i32
      %convert_element_type3A_132 = arith.extui %lt3A_131 : i1 to i32
      %cond3A_133 = arith.constant 0 : i32
      %cond3A_134 = arith.cmpi ne, %convert_element_type3A_132, %cond3A_133 : i32
      scf.if %cond3A_134 {
        %add3A_190 = arith.constant 3 : i32
        %add3A_191 = arith.addi %add3A_119, %add3A_190 : i32
        %mul3A_192 = arith.constant 32 : i32
        %mul3A_193 = arith.muli %add3A_191, %mul3A_192 : i32
        %add3A_194 = arith.addi %add3A, %mul3A_193 : i32
        %mul3A_195 = arith.constant 128 : i32
        %mul3A_196 = arith.muli %add3A_194, %mul3A_195 : i32
        %dma_start3A_197 = tpu.memref_slice %arg3[%mul3A_196] : memref<320000xi32, #tpu.memory_space<hbm>> -> memref<128xi32, #tpu.memory_space<hbm>>
        %dma_start3A_198 = tpu.memref_slice %arg3[%mul3A_196] : memref<320000xi32, #tpu.memory_space<hbm>> -> memref<128xi32, #tpu.memory_space<hbm>>
        tpu.enqueue_dma source(%dma_start3A_198 : memref<128xi32, #tpu.memory_space<hbm>>) target(%arg7 : memref<128xi32, #tpu.memory_space<vmem>>) target_semaphore(%arg17 : memref<!tpu.dma_semaphore, #tpu.memory_space<semaphore_mem>>)
      } else {
      }
      %dma_wait3A_135 = arith.constant 0 : i32
      %dma_wait3A_136 = tpu.memref_slice %arg4[%dma_wait3A_135] : memref<320000xi32, #tpu.memory_space<hbm>> -> memref<128xi32, #tpu.memory_space<hbm>>
      %dma_wait3A_137 = arith.constant 0 : i32
      %dma_wait3A_138 = tpu.memref_slice %arg4[%dma_wait3A_137] : memref<320000xi32, #tpu.memory_space<hbm>> -> memref<128xi32, #tpu.memory_space<hbm>>
      tpu.wait_dma2 semaphore(%arg20 : memref<!tpu.dma_semaphore, #tpu.memory_space<semaphore_mem>>) src(%dma_wait3A_138 : memref<128xi32, #tpu.memory_space<hbm>>) dst(%arg10 : memref<128xi32, #tpu.memory_space<vmem>>)
      %dma_start3A_139 = arith.constant 0 : i32
      %dma_start3A_140 = arith.constant 0 : i32
      %dma_start3A_141 = tpu.memref_slice %arg16[%dma_start3A_139, %dma_start3A_140] : memref<10000x128xf32, #tpu.memory_space<vmem_shared>> -> memref<10000x128xf32, #tpu.memory_space<vmem_shared>>
      tpu.enqueue_indirect_dma source(%arg13 : memref<128x128xf32, #tpu.memory_space<vmem>>) target(%dma_start3A_141 : memref<10000x128xf32, #tpu.memory_space<vmem_shared>>) offsets(%arg10 : memref<128xi32, #tpu.memory_space<vmem>>) semaphore(%arg26 : memref<!tpu.dma_semaphore, #tpu.memory_space<semaphore_mem>>) {add = true}
      %add3A_142 = arith.constant 1 : i32
      %add3A_143 = arith.addi %mul3A_117, %add3A_142 : i32
      %add3A_144 = arith.constant 2 : i32
      %add3A_145 = arith.addi %add3A_143, %add3A_144 : i32
      %lt3A_146 = arith.cmpi slt, %add3A_145, %select_n3A : i32
      %convert_element_type3A_147 = arith.extui %lt3A_146 : i1 to i32
      %cond3A_148 = arith.constant 0 : i32
      %cond3A_149 = arith.cmpi ne, %convert_element_type3A_147, %cond3A_148 : i32
      scf.if %cond3A_149 {
        %ge3A = arith.constant 1 : i32
        %ge3A_190 = arith.cmpi sge, %add3A_143, %ge3A : i32
        %convert_element_type3A_191 = arith.extui %ge3A_190 : i1 to i32
        %cond3A_192 = arith.constant 0 : i32
        %cond3A_193 = arith.cmpi ne, %convert_element_type3A_191, %cond3A_192 : i32
        scf.if %cond3A_193 {
          %dma_wait3A_212 = arith.constant 0 : i32
          %dma_wait3A_213 = arith.constant 0 : i32
          %dma_wait3A_214 = tpu.memref_slice %arg16[%dma_wait3A_212, %dma_wait3A_213] : memref<10000x128xf32, #tpu.memory_space<vmem_shared>> -> memref<10000x128xf32, #tpu.memory_space<vmem_shared>>
          tpu.wait_indirect_dma semaphore(%arg26 : memref<!tpu.dma_semaphore, #tpu.memory_space<semaphore_mem>>) src(%arg13 : memref<128x128xf32, #tpu.memory_space<vmem>>) dst(%dma_wait3A_214 : memref<10000x128xf32, #tpu.memory_space<vmem_shared>>)
        } else {
        }
        %add3A_194 = arith.constant 2 : i32
        %add3A_195 = arith.addi %add3A_143, %add3A_194 : i32
        %mul3A_196 = arith.constant 32 : i32
        %mul3A_197 = arith.muli %add3A_195, %mul3A_196 : i32
        %add3A_198 = arith.addi %add3A, %mul3A_197 : i32
        %mul3A_199 = arith.constant 128 : i32
        %mul3A_200 = arith.muli %add3A_198, %mul3A_199 : i32
        %dma_start3A_201 = tpu.memref_slice %arg4[%mul3A_200] : memref<320000xi32, #tpu.memory_space<hbm>> -> memref<128xi32, #tpu.memory_space<hbm>>
        %dma_start3A_202 = tpu.memref_slice %arg4[%mul3A_200] : memref<320000xi32, #tpu.memory_space<hbm>> -> memref<128xi32, #tpu.memory_space<hbm>>
        tpu.enqueue_dma source(%dma_start3A_202 : memref<128xi32, #tpu.memory_space<hbm>>) target(%arg10 : memref<128xi32, #tpu.memory_space<vmem>>) target_semaphore(%arg20 : memref<!tpu.dma_semaphore, #tpu.memory_space<semaphore_mem>>)
        %dma_wait3A_203 = arith.constant 0 : i32
        %dma_wait3A_204 = tpu.memref_slice %arg3[%dma_wait3A_203] : memref<320000xi32, #tpu.memory_space<hbm>> -> memref<128xi32, #tpu.memory_space<hbm>>
        %dma_wait3A_205 = arith.constant 0 : i32
        %dma_wait3A_206 = tpu.memref_slice %arg3[%dma_wait3A_205] : memref<320000xi32, #tpu.memory_space<hbm>> -> memref<128xi32, #tpu.memory_space<hbm>>
        tpu.wait_dma2 semaphore(%arg17 : memref<!tpu.dma_semaphore, #tpu.memory_space<semaphore_mem>>) src(%dma_wait3A_206 : memref<128xi32, #tpu.memory_space<hbm>>) dst(%arg7 : memref<128xi32, #tpu.memory_space<vmem>>)
        %add3A_207 = arith.constant 2 : i32
        %add3A_208 = arith.addi %add3A_143, %add3A_207 : i32
        %dma_start3A_209 = arith.constant 0 : i32
        %dma_start3A_210 = arith.constant 0 : i32
        %dma_start3A_211 = tpu.memref_slice %arg2[%dma_start3A_209, %dma_start3A_210] : memref<10000x128xf32, #tpu.memory_space<hbm>> -> memref<10000x128xf32, #tpu.memory_space<hbm>>
        tpu.enqueue_indirect_dma source(%dma_start3A_211 : memref<10000x128xf32, #tpu.memory_space<hbm>>) target(%arg13 : memref<128x128xf32, #tpu.memory_space<vmem>>) offsets(%arg7 : memref<128xi32, #tpu.memory_space<vmem>>) semaphore(%arg23 : memref<!tpu.dma_semaphore, #tpu.memory_space<semaphore_mem>>)
      } else {
      }
      %dma_wait3A_150 = arith.constant 0 : i32
      %dma_wait3A_151 = arith.constant 0 : i32
      %dma_wait3A_152 = tpu.memref_slice %arg2[%dma_wait3A_150, %dma_wait3A_151] : memref<10000x128xf32, #tpu.memory_space<hbm>> -> memref<10000x128xf32, #tpu.memory_space<hbm>>
      tpu.wait_indirect_dma semaphore(%arg24 : memref<!tpu.dma_semaphore, #tpu.memory_space<semaphore_mem>>) src(%dma_wait3A_152 : memref<10000x128xf32, #tpu.memory_space<hbm>>) dst(%arg14 : memref<128x128xf32, #tpu.memory_space<vmem>>)
      %add3A_153 = arith.constant 3 : i32
      %add3A_154 = arith.addi %add3A_143, %add3A_153 : i32
      %lt3A_155 = arith.cmpi slt, %add3A_154, %select_n3A : i32
      %convert_element_type3A_156 = arith.extui %lt3A_155 : i1 to i32
      %cond3A_157 = arith.constant 0 : i32
      %cond3A_158 = arith.cmpi ne, %convert_element_type3A_156, %cond3A_157 : i32
      scf.if %cond3A_158 {
        %add3A_190 = arith.constant 3 : i32
        %add3A_191 = arith.addi %add3A_143, %add3A_190 : i32
        %mul3A_192 = arith.constant 32 : i32
        %mul3A_193 = arith.muli %add3A_191, %mul3A_192 : i32
        %add3A_194 = arith.addi %add3A, %mul3A_193 : i32
        %mul3A_195 = arith.constant 128 : i32
        %mul3A_196 = arith.muli %add3A_194, %mul3A_195 : i32
        %dma_start3A_197 = tpu.memref_slice %arg3[%mul3A_196] : memref<320000xi32, #tpu.memory_space<hbm>> -> memref<128xi32, #tpu.memory_space<hbm>>
        %dma_start3A_198 = tpu.memref_slice %arg3[%mul3A_196] : memref<320000xi32, #tpu.memory_space<hbm>> -> memref<128xi32, #tpu.memory_space<hbm>>
        tpu.enqueue_dma source(%dma_start3A_198 : memref<128xi32, #tpu.memory_space<hbm>>) target(%arg8 : memref<128xi32, #tpu.memory_space<vmem>>) target_semaphore(%arg18 : memref<!tpu.dma_semaphore, #tpu.memory_space<semaphore_mem>>)
      } else {
      }
      %dma_wait3A_159 = arith.constant 0 : i32
      %dma_wait3A_160 = tpu.memref_slice %arg4[%dma_wait3A_159] : memref<320000xi32, #tpu.memory_space<hbm>> -> memref<128xi32, #tpu.memory_space<hbm>>
      %dma_wait3A_161 = arith.constant 0 : i32
      %dma_wait3A_162 = tpu.memref_slice %arg4[%dma_wait3A_161] : memref<320000xi32, #tpu.memory_space<hbm>> -> memref<128xi32, #tpu.memory_space<hbm>>
      tpu.wait_dma2 semaphore(%arg21 : memref<!tpu.dma_semaphore, #tpu.memory_space<semaphore_mem>>) src(%dma_wait3A_162 : memref<128xi32, #tpu.memory_space<hbm>>) dst(%arg11 : memref<128xi32, #tpu.memory_space<vmem>>)
      %dma_start3A_163 = arith.constant 0 : i32
      %dma_start3A_164 = arith.constant 0 : i32
      %dma_start3A_165 = tpu.memref_slice %arg16[%dma_start3A_163, %dma_start3A_164] : memref<10000x128xf32, #tpu.memory_space<vmem_shared>> -> memref<10000x128xf32, #tpu.memory_space<vmem_shared>>
      tpu.enqueue_indirect_dma source(%arg14 : memref<128x128xf32, #tpu.memory_space<vmem>>) target(%dma_start3A_165 : memref<10000x128xf32, #tpu.memory_space<vmem_shared>>) offsets(%arg11 : memref<128xi32, #tpu.memory_space<vmem>>) semaphore(%arg27 : memref<!tpu.dma_semaphore, #tpu.memory_space<semaphore_mem>>) {add = true}
      %add3A_166 = arith.constant 2 : i32
      %add3A_167 = arith.addi %mul3A_117, %add3A_166 : i32
      %add3A_168 = arith.constant 2 : i32
      %add3A_169 = arith.addi %add3A_167, %add3A_168 : i32
      %lt3A_170 = arith.cmpi slt, %add3A_169, %select_n3A : i32
      %convert_element_type3A_171 = arith.extui %lt3A_170 : i1 to i32
      %cond3A_172 = arith.constant 0 : i32
      %cond3A_173 = arith.cmpi ne, %convert_element_type3A_171, %cond3A_172 : i32
      scf.if %cond3A_173 {
        %ge3A = arith.constant 1 : i32
        %ge3A_190 = arith.cmpi sge, %add3A_167, %ge3A : i32
        %convert_element_type3A_191 = arith.extui %ge3A_190 : i1 to i32
        %cond3A_192 = arith.constant 0 : i32
        %cond3A_193 = arith.cmpi ne, %convert_element_type3A_191, %cond3A_192 : i32
        scf.if %cond3A_193 {
          %dma_wait3A_212 = arith.constant 0 : i32
          %dma_wait3A_213 = arith.constant 0 : i32
          %dma_wait3A_214 = tpu.memref_slice %arg16[%dma_wait3A_212, %dma_wait3A_213] : memref<10000x128xf32, #tpu.memory_space<vmem_shared>> -> memref<10000x128xf32, #tpu.memory_space<vmem_shared>>
          tpu.wait_indirect_dma semaphore(%arg27 : memref<!tpu.dma_semaphore, #tpu.memory_space<semaphore_mem>>) src(%arg14 : memref<128x128xf32, #tpu.memory_space<vmem>>) dst(%dma_wait3A_214 : memref<10000x128xf32, #tpu.memory_space<vmem_shared>>)
        } else {
        }
        %add3A_194 = arith.constant 2 : i32
        %add3A_195 = arith.addi %add3A_167, %add3A_194 : i32
        %mul3A_196 = arith.constant 32 : i32
        %mul3A_197 = arith.muli %add3A_195, %mul3A_196 : i32
        %add3A_198 = arith.addi %add3A, %mul3A_197 : i32
        %mul3A_199 = arith.constant 128 : i32
        %mul3A_200 = arith.muli %add3A_198, %mul3A_199 : i32
        %dma_start3A_201 = tpu.memref_slice %arg4[%mul3A_200] : memref<320000xi32, #tpu.memory_space<hbm>> -> memref<128xi32, #tpu.memory_space<hbm>>
        %dma_start3A_202 = tpu.memref_slice %arg4[%mul3A_200] : memref<320000xi32, #tpu.memory_space<hbm>> -> memref<128xi32, #tpu.memory_space<hbm>>
        tpu.enqueue_dma source(%dma_start3A_202 : memref<128xi32, #tpu.memory_space<hbm>>) target(%arg11 : memref<128xi32, #tpu.memory_space<vmem>>) target_semaphore(%arg21 : memref<!tpu.dma_semaphore, #tpu.memory_space<semaphore_mem>>)
        %dma_wait3A_203 = arith.constant 0 : i32
        %dma_wait3A_204 = tpu.memref_slice %arg3[%dma_wait3A_203] : memref<320000xi32, #tpu.memory_space<hbm>> -> memref<128xi32, #tpu.memory_space<hbm>>
        %dma_wait3A_205 = arith.constant 0 : i32
        %dma_wait3A_206 = tpu.memref_slice %arg3[%dma_wait3A_205] : memref<320000xi32, #tpu.memory_space<hbm>> -> memref<128xi32, #tpu.memory_space<hbm>>
        tpu.wait_dma2 semaphore(%arg18 : memref<!tpu.dma_semaphore, #tpu.memory_space<semaphore_mem>>) src(%dma_wait3A_206 : memref<128xi32, #tpu.memory_space<hbm>>) dst(%arg8 : memref<128xi32, #tpu.memory_space<vmem>>)
        %add3A_207 = arith.constant 2 : i32
        %add3A_208 = arith.addi %add3A_167, %add3A_207 : i32
        %dma_start3A_209 = arith.constant 0 : i32
        %dma_start3A_210 = arith.constant 0 : i32
        %dma_start3A_211 = tpu.memref_slice %arg2[%dma_start3A_209, %dma_start3A_210] : memref<10000x128xf32, #tpu.memory_space<hbm>> -> memref<10000x128xf32, #tpu.memory_space<hbm>>
        tpu.enqueue_indirect_dma source(%dma_start3A_211 : memref<10000x128xf32, #tpu.memory_space<hbm>>) target(%arg14 : memref<128x128xf32, #tpu.memory_space<vmem>>) offsets(%arg8 : memref<128xi32, #tpu.memory_space<vmem>>) semaphore(%arg24 : memref<!tpu.dma_semaphore, #tpu.memory_space<semaphore_mem>>)
      } else {
      }
      %dma_wait3A_174 = arith.constant 0 : i32
      %dma_wait3A_175 = arith.constant 0 : i32
      %dma_wait3A_176 = tpu.memref_slice %arg2[%dma_wait3A_174, %dma_wait3A_175] : memref<10000x128xf32, #tpu.memory_space<hbm>> -> memref<10000x128xf32, #tpu.memory_space<hbm>>
      tpu.wait_indirect_dma semaphore(%arg25 : memref<!tpu.dma_semaphore, #tpu.memory_space<semaphore_mem>>) src(%dma_wait3A_176 : memref<10000x128xf32, #tpu.memory_space<hbm>>) dst(%arg15 : memref<128x128xf32, #tpu.memory_space<vmem>>)
      %add3A_177 = arith.constant 3 : i32
      %add3A_178 = arith.addi %add3A_167, %add3A_177 : i32
      %lt3A_179 = arith.cmpi slt, %add3A_178, %select_n3A : i32
      %convert_element_type3A_180 = arith.extui %lt3A_179 : i1 to i32
      %cond3A_181 = arith.constant 0 : i32
      %cond3A_182 = arith.cmpi ne, %convert_element_type3A_180, %cond3A_181 : i32
      scf.if %cond3A_182 {
        %add3A_190 = arith.constant 3 : i32
        %add3A_191 = arith.addi %add3A_167, %add3A_190 : i32
        %mul3A_192 = arith.constant 32 : i32
        %mul3A_193 = arith.muli %add3A_191, %mul3A_192 : i32
        %add3A_194 = arith.addi %add3A, %mul3A_193 : i32
        %mul3A_195 = arith.constant 128 : i32
        %mul3A_196 = arith.muli %add3A_194, %mul3A_195 : i32
        %dma_start3A_197 = tpu.memref_slice %arg3[%mul3A_196] : memref<320000xi32, #tpu.memory_space<hbm>> -> memref<128xi32, #tpu.memory_space<hbm>>
        %dma_start3A_198 = tpu.memref_slice %arg3[%mul3A_196] : memref<320000xi32, #tpu.memory_space<hbm>> -> memref<128xi32, #tpu.memory_space<hbm>>
        tpu.enqueue_dma source(%dma_start3A_198 : memref<128xi32, #tpu.memory_space<hbm>>) target(%arg9 : memref<128xi32, #tpu.memory_space<vmem>>) target_semaphore(%arg19 : memref<!tpu.dma_semaphore, #tpu.memory_space<semaphore_mem>>)
      } else {
      }
      %dma_wait3A_183 = arith.constant 0 : i32
      %dma_wait3A_184 = tpu.memref_slice %arg4[%dma_wait3A_183] : memref<320000xi32, #tpu.memory_space<hbm>> -> memref<128xi32, #tpu.memory_space<hbm>>
      %dma_wait3A_185 = arith.constant 0 : i32
      %dma_wait3A_186 = tpu.memref_slice %arg4[%dma_wait3A_185] : memref<320000xi32, #tpu.memory_space<hbm>> -> memref<128xi32, #tpu.memory_space<hbm>>
      tpu.wait_dma2 semaphore(%arg22 : memref<!tpu.dma_semaphore, #tpu.memory_space<semaphore_mem>>) src(%dma_wait3A_186 : memref<128xi32, #tpu.memory_space<hbm>>) dst(%arg12 : memref<128xi32, #tpu.memory_space<vmem>>)
      %dma_start3A_187 = arith.constant 0 : i32
      %dma_start3A_188 = arith.constant 0 : i32
      %dma_start3A_189 = tpu.memref_slice %arg16[%dma_start3A_187, %dma_start3A_188] : memref<10000x128xf32, #tpu.memory_space<vmem_shared>> -> memref<10000x128xf32, #tpu.memory_space<vmem_shared>>
      tpu.enqueue_indirect_dma source(%arg15 : memref<128x128xf32, #tpu.memory_space<vmem>>) target(%dma_start3A_189 : memref<10000x128xf32, #tpu.memory_space<vmem_shared>>) offsets(%arg12 : memref<128xi32, #tpu.memory_space<vmem>>) semaphore(%arg28 : memref<!tpu.dma_semaphore, #tpu.memory_space<semaphore_mem>>) {add = true}
    }
    %scan3A_75 = arith.constant 26 : i32
    %jit3A_76 = arith.constant 3 : i32
    %eq3A_77 = arith.constant 0 : i32
    %eq3A_78 = arith.cmpi eq, %jit3A_76, %eq3A_77 : i32
    %jit3A_79 = arith.constant 1 : i32
    %select_n3A_80 = arith.select %eq3A_78, %jit3A_79, %jit3A_76 : i32
    %rem3A_81 = arith.remsi %select_n3A, %select_n3A_80 : i32
    %ne3A_82 = arith.constant 0 : i32
    %ne3A_83 = arith.cmpi ne, %rem3A_81, %ne3A_82 : i32
    %lt3A = arith.constant 0 : i32
    %lt3A_84 = arith.cmpi slt, %rem3A_81, %lt3A : i32
    %lt3A_85 = arith.constant 0 : i32
    %lt3A_86 = arith.cmpi slt, %select_n3A_80, %lt3A_85 : i32
    %ne3A_87 = arith.xori %lt3A_84, %lt3A_86 : i1
    %and3A_88 = arith.andi %ne3A_87, %ne3A_83 : i1
    %add3A_89 = arith.addi %rem3A_81, %select_n3A_80 : i32
    %select_n3A_90 = arith.select %and3A_88, %add3A_89, %rem3A_81 : i32
    %eq3A_91 = arith.constant 1 : i32
    %eq3A_92 = arith.cmpi eq, %select_n3A_90, %eq3A_91 : i32
    %convert_element_type3A_93 = arith.extui %eq3A_92 : i1 to i32
    %cond3A_94 = arith.constant 0 : i32
    %cond3A_95 = arith.cmpi ne, %convert_element_type3A_93, %cond3A_94 : i32
    scf.if %cond3A_95 {
      %dma_wait3A_115 = arith.constant 0 : i32
      %dma_wait3A_116 = arith.constant 0 : i32
      %dma_wait3A_117 = tpu.memref_slice %arg2[%dma_wait3A_115, %dma_wait3A_116] : memref<10000x128xf32, #tpu.memory_space<hbm>> -> memref<10000x128xf32, #tpu.memory_space<hbm>>
      tpu.wait_indirect_dma semaphore(%arg23 : memref<!tpu.dma_semaphore, #tpu.memory_space<semaphore_mem>>) src(%dma_wait3A_117 : memref<10000x128xf32, #tpu.memory_space<hbm>>) dst(%arg13 : memref<128x128xf32, #tpu.memory_space<vmem>>)
      %dma_wait3A_118 = arith.constant 0 : i32
      %dma_wait3A_119 = tpu.memref_slice %arg4[%dma_wait3A_118] : memref<320000xi32, #tpu.memory_space<hbm>> -> memref<128xi32, #tpu.memory_space<hbm>>
      %dma_wait3A_120 = arith.constant 0 : i32
      %dma_wait3A_121 = tpu.memref_slice %arg4[%dma_wait3A_120] : memref<320000xi32, #tpu.memory_space<hbm>> -> memref<128xi32, #tpu.memory_space<hbm>>
      tpu.wait_dma2 semaphore(%arg20 : memref<!tpu.dma_semaphore, #tpu.memory_space<semaphore_mem>>) src(%dma_wait3A_121 : memref<128xi32, #tpu.memory_space<hbm>>) dst(%arg10 : memref<128xi32, #tpu.memory_space<vmem>>)
      %dma_start3A_122 = arith.constant 0 : i32
      %dma_start3A_123 = arith.constant 0 : i32
      %dma_start3A_124 = tpu.memref_slice %arg16[%dma_start3A_122, %dma_start3A_123] : memref<10000x128xf32, #tpu.memory_space<vmem_shared>> -> memref<10000x128xf32, #tpu.memory_space<vmem_shared>>
      tpu.enqueue_indirect_dma source(%arg13 : memref<128x128xf32, #tpu.memory_space<vmem>>) target(%dma_start3A_124 : memref<10000x128xf32, #tpu.memory_space<vmem_shared>>) offsets(%arg10 : memref<128xi32, #tpu.memory_space<vmem>>) semaphore(%arg26 : memref<!tpu.dma_semaphore, #tpu.memory_space<semaphore_mem>>) {add = true}
    } else {
    }
    %dma_wait3A_96 = arith.constant 0 : i32
    %dma_wait3A_97 = arith.constant 0 : i32
    %dma_wait3A_98 = tpu.memref_slice %arg16[%dma_wait3A_96, %dma_wait3A_97] : memref<10000x128xf32, #tpu.memory_space<vmem_shared>> -> memref<10000x128xf32, #tpu.memory_space<vmem_shared>>
    tpu.wait_indirect_dma semaphore(%arg26 : memref<!tpu.dma_semaphore, #tpu.memory_space<semaphore_mem>>) src(%arg13 : memref<128x128xf32, #tpu.memory_space<vmem>>) dst(%dma_wait3A_98 : memref<10000x128xf32, #tpu.memory_space<vmem_shared>>)
    %dma_wait3A_99 = arith.constant 0 : i32
    %dma_wait3A_100 = arith.constant 0 : i32
    %dma_wait3A_101 = tpu.memref_slice %arg16[%dma_wait3A_99, %dma_wait3A_100] : memref<10000x128xf32, #tpu.memory_space<vmem_shared>> -> memref<10000x128xf32, #tpu.memory_space<vmem_shared>>
    tpu.wait_indirect_dma semaphore(%arg27 : memref<!tpu.dma_semaphore, #tpu.memory_space<semaphore_mem>>) src(%arg14 : memref<128x128xf32, #tpu.memory_space<vmem>>) dst(%dma_wait3A_101 : memref<10000x128xf32, #tpu.memory_space<vmem_shared>>)
    %dma_wait3A_102 = arith.constant 0 : i32
    %dma_wait3A_103 = arith.constant 0 : i32
    %dma_wait3A_104 = tpu.memref_slice %arg16[%dma_wait3A_102, %dma_wait3A_103] : memref<10000x128xf32, #tpu.memory_space<vmem_shared>> -> memref<10000x128xf32, #tpu.memory_space<vmem_shared>>
    tpu.wait_indirect_dma semaphore(%arg28 : memref<!tpu.dma_semaphore, #tpu.memory_space<semaphore_mem>>) src(%arg15 : memref<128x128xf32, #tpu.memory_space<vmem>>) dst(%dma_wait3A_104 : memref<10000x128xf32, #tpu.memory_space<vmem_shared>>)
    %barrier3A_105 = arith.constant 0 : index
    tpu.barrier barrier_id(%barrier3A_105)
    %mul3A_106 = arith.constant 624 : i32
    %mul3A_107 = arith.muli %arg1, %mul3A_106 : i32
    %mul3A_108 = arith.constant 624 : i32
    %mul3A_109 = arith.muli %arg1, %mul3A_108 : i32
    "tpu.region"() ({
      %run_scoped3A = tpu.sem_alloc : memref<!tpu.dma_semaphore, #tpu.memory_space<semaphore_mem>>
      %dma_start3A_115 = arith.constant 0 : i32
      %dma_start3A_116 = tpu.memref_slice %arg6[%arg0, %mul3A_109, %dma_start3A_115] : memref<2x10000x128xf32, #tpu.memory_space<hbm>> -> memref<1x624x128xf32, #tpu.memory_space<hbm>>
      %dma_start3A_117 = tpu.memref_squeeze %dma_start3A_116 : memref<1x624x128xf32, #tpu.memory_space<hbm>> -> memref<624x128xf32, #tpu.memory_space<hbm>>
      %dma_start3A_118 = arith.constant 0 : i32
      %dma_start3A_119 = tpu.memref_slice %arg16[%mul3A_107, %dma_start3A_118] : memref<10000x128xf32, #tpu.memory_space<vmem_shared>> -> memref<624x128xf32, #tpu.memory_space<vmem_shared>>
      tpu.enqueue_dma source(%dma_start3A_119 : memref<624x128xf32, #tpu.memory_space<vmem_shared>>) target(%dma_start3A_117 : memref<624x128xf32, #tpu.memory_space<hbm>>) target_semaphore(%run_scoped3A : memref<!tpu.dma_semaphore, #tpu.memory_space<semaphore_mem>>)
      %dma_wait3A_120 = arith.constant 0 : i32
      %dma_wait3A_121 = tpu.memref_slice %arg6[%arg0, %mul3A_109, %dma_wait3A_120] : memref<2x10000x128xf32, #tpu.memory_space<hbm>> -> memref<1x624x128xf32, #tpu.memory_space<hbm>>
      %dma_wait3A_122 = tpu.memref_squeeze %dma_wait3A_121 : memref<1x624x128xf32, #tpu.memory_space<hbm>> -> memref<624x128xf32, #tpu.memory_space<hbm>>
      %dma_wait3A_123 = arith.constant 0 : i32
      %dma_wait3A_124 = tpu.memref_slice %arg16[%mul3A_107, %dma_wait3A_123] : memref<10000x128xf32, #tpu.memory_space<vmem_shared>> -> memref<624x128xf32, #tpu.memory_space<vmem_shared>>
      tpu.wait_dma2 semaphore(%run_scoped3A : memref<!tpu.dma_semaphore, #tpu.memory_space<semaphore_mem>>) src(%dma_wait3A_124 : memref<624x128xf32, #tpu.memory_space<vmem_shared>>) dst(%dma_wait3A_122 : memref<624x128xf32, #tpu.memory_space<hbm>>)
      tpu.yield
    }) : () -> ()
    %eq3A_110 = arith.constant 0 : i32
    %eq3A_111 = arith.cmpi eq, %arg1, %eq3A_110 : i32
    %convert_element_type3A_112 = arith.extui %eq3A_111 : i1 to i32
    %cond3A_113 = arith.constant 0 : i32
    %cond3A_114 = arith.cmpi ne, %convert_element_type3A_112, %cond3A_113 : i32
    scf.if %cond3A_114 {
      "tpu.region"() ({
        %run_scoped3A = tpu.sem_alloc : memref<!tpu.dma_semaphore, #tpu.memory_space<semaphore_mem>>
        %dma_start3A_115 = arith.constant 9984 : i32
        %dma_start3A_116 = arith.constant 0 : i32
        %dma_start3A_117 = tpu.memref_slice %arg6[%arg0, %dma_start3A_115, %dma_start3A_116] : memref<2x10000x128xf32, #tpu.memory_space<hbm>> -> memref<1x16x128xf32, #tpu.memory_space<hbm>>
        %dma_start3A_118 = tpu.memref_squeeze %dma_start3A_117 : memref<1x16x128xf32, #tpu.memory_space<hbm>> -> memref<16x128xf32, #tpu.memory_space<hbm>>
        %dma_start3A_119 = arith.constant 9984 : i32
        %dma_start3A_120 = arith.constant 0 : i32
        %dma_start3A_121 = tpu.memref_slice %arg16[%dma_start3A_119, %dma_start3A_120] : memref<10000x128xf32, #tpu.memory_space<vmem_shared>> -> memref<16x128xf32, #tpu.memory_space<vmem_shared>>
        tpu.enqueue_dma source(%dma_start3A_121 : memref<16x128xf32, #tpu.memory_space<vmem_shared>>) target(%dma_start3A_118 : memref<16x128xf32, #tpu.memory_space<hbm>>) target_semaphore(%run_scoped3A : memref<!tpu.dma_semaphore, #tpu.memory_space<semaphore_mem>>)
        %dma_wait3A_122 = arith.constant 9984 : i32
        %dma_wait3A_123 = arith.constant 0 : i32
        %dma_wait3A_124 = tpu.memref_slice %arg6[%arg0, %dma_wait3A_122, %dma_wait3A_123] : memref<2x10000x128xf32, #tpu.memory_space<hbm>> -> memref<1x16x128xf32, #tpu.memory_space<hbm>>
        %dma_wait3A_125 = tpu.memref_squeeze %dma_wait3A_124 : memref<1x16x128xf32, #tpu.memory_space<hbm>> -> memref<16x128xf32, #tpu.memory_space<hbm>>
        %dma_wait3A_126 = arith.constant 9984 : i32
        %dma_wait3A_127 = arith.constant 0 : i32
        %dma_wait3A_128 = tpu.memref_slice %arg16[%dma_wait3A_126, %dma_wait3A_127] : memref<10000x128xf32, #tpu.memory_space<vmem_shared>> -> memref<16x128xf32, #tpu.memory_space<vmem_shared>>
        tpu.wait_dma2 semaphore(%run_scoped3A : memref<!tpu.dma_semaphore, #tpu.memory_space<semaphore_mem>>) src(%dma_wait3A_128 : memref<16x128xf32, #tpu.memory_space<vmem_shared>>) dst(%dma_wait3A_125 : memref<16x128xf32, #tpu.memory_space<hbm>>)
        tpu.yield
      }) : () -> ()
    } else {
    }
    return
  }
}

module attributes {stable_mosaic.version = 14 : i64} {
  func.func @_tc_mm1_body(%arg0: i32, %arg1: memref<1000x128xf32, #tpu.memory_space<vmem>>, %arg2: memref<128x128xf32, #tpu.memory_space<vmem>>, %arg3: memref<1000x128xf32, #tpu.memory_space<vmem>>, %arg4: memref<1000x128xf32, #tpu.memory_space<vmem>>, %arg5: memref<1000x128xf32, #tpu.memory_space<vmem>>) attributes {dimension_semantics = [#tpu.dimension_semantics<arbitrary>], iteration_bounds = array<i64: 10>, scalar_prefetch = 0 : i64, scratch_operands = 0 : i64, tpu.core_type = #tpu.core_type<tc>, window_params = [{transform_indices = @transform_0, window_bounds = array<i64: 1000, 128>}, {pipeline_mode = #tpu.pipeline_mode<synchronous>, transform_indices = @transform_1, window_bounds = array<i64: 128, 128>}, {transform_indices = @transform_2, window_bounds = array<i64: 1000, 128>}, {transform_indices = @transform_3, window_bounds = array<i64: 1000, 128>}, {transform_indices = @transform_4, window_bounds = array<i64: 1000, 128>}]} {
    %get3A = arith.constant 0 : index
    %get3A_0 = arith.constant 0 : index
    %get3A_1 = vector.load %arg3[%get3A, %get3A_0] : memref<1000x128xf32, #tpu.memory_space<vmem>>, vector<1000x128xf32>
    %get3A_2 = arith.constant 0 : index
    %get3A_3 = arith.constant 0 : index
    %get3A_4 = vector.load %arg4[%get3A_2, %get3A_3] : memref<1000x128xf32, #tpu.memory_space<vmem>>, vector<1000x128xf32>
    %slice3A = vector.extract_strided_slice %get3A_1 {offsets = [0, 0], sizes = [1000, 1], strides = [1, 1]} : vector<1000x128xf32> to vector<1000x1xf32>
    %slice3A_5 = vector.extract_strided_slice %get3A_4 {offsets = [0, 0], sizes = [1000, 1], strides = [1, 1]} : vector<1000x128xf32> to vector<1000x1xf32>
    %add3A = arith.addf %slice3A, %slice3A_5 : vector<1000x1xf32>
    %gt3A = arith.constant 0.000000e+00 : f32
    %gt3A_6 = vector.broadcast %gt3A : f32 to vector<1000x1xf32>
    %gt3A_7 = arith.cmpf ogt, %add3A, %gt3A_6 : vector<1000x1xf32>
    %max3A = arith.constant 1.000000e+00 : f32
    %max3A_8 = vector.broadcast %max3A : f32 to vector<1000x1xf32>
    %max3A_9 = arith.maximumf %add3A, %max3A_8 : vector<1000x1xf32>
    %rsqrt3A = math.rsqrt %max3A_9 : vector<1000x1xf32>
    %jit3A = arith.constant 0.000000e+00 : f32
    %broadcast_in_dim3A = vector.broadcast %jit3A : f32 to vector<1000x1xf32>
    %select_n3A = arith.select %gt3A_7, %rsqrt3A, %broadcast_in_dim3A : vector<1000x1xi1>, vector<1000x1xf32>
    %get3A_10 = arith.constant 0 : index
    %get3A_11 = arith.constant 0 : index
    %get3A_12 = vector.load %arg1[%get3A_10, %get3A_11] : memref<1000x128xf32, #tpu.memory_space<vmem>>, vector<1000x128xf32>
    %get3A_13 = arith.constant 0 : index
    %get3A_14 = arith.constant 0 : index
    %get3A_15 = vector.load %arg2[%get3A_13, %get3A_14] : memref<128x128xf32, #tpu.memory_space<vmem>>, vector<128x128xf32>
    %dot_general3A = arith.constant dense<0.000000e+00> : vector<1000x128xf32>
    %dot_general3A_16 = tpu.matmul %get3A_12, %get3A_15, %dot_general3A {dimension_numbers = #tpu.dot_dimension_numbers<[1], [0], [0], [1], [0, 0, 1, 1], [], []>, transpose_lhs_hint = false} : vector<1000x128xf32>, vector<128x128xf32>, vector<1000x128xf32> -> vector<1000x128xf32>
    %mul3A = vector.broadcast %select_n3A : vector<1000x1xf32> to vector<1000x128xf32>
    %mul3A_17 = arith.mulf %dot_general3A_16, %mul3A : vector<1000x128xf32>
    %swap3A = arith.constant 0 : index
    %swap3A_18 = arith.constant 0 : index
    %swap3A_19 = vector.load %arg5[%swap3A, %swap3A_18] : memref<1000x128xf32, #tpu.memory_space<vmem>>, vector<1000x128xf32>
    tpu.vector_store %arg5[%swap3A, %swap3A_18], %mul3A_17 {strides = array<i32>} : memref<1000x128xf32, #tpu.memory_space<vmem>>, vector<1000x128xf32>,
    return
  }
  func.func @transform_0(%arg0: i32) -> (i32, i32) {
    %c0_i32 = arith.constant 0 : i32
    %c0_i32_0 = arith.constant 0 : i32
    return %arg0, %c0_i32 : i32, i32
  }
  func.func @transform_1(%arg0: i32) -> (i32, i32) {
    %c0_i32 = arith.constant 0 : i32
    %c0_i32_0 = arith.constant 0 : i32
    %c0_i32_1 = arith.constant 0 : i32
    return %c0_i32, %c0_i32_0 : i32, i32
  }
  func.func @transform_2(%arg0: i32) -> (i32, i32) {
    %c0_i32 = arith.constant 0 : i32
    %c0_i32_0 = arith.constant 0 : i32
    return %arg0, %c0_i32 : i32, i32
  }
  func.func @transform_3(%arg0: i32) -> (i32, i32) {
    %c0_i32 = arith.constant 0 : i32
    %c0_i32_0 = arith.constant 0 : i32
    return %arg0, %c0_i32 : i32, i32
  }
  func.func @transform_4(%arg0: i32) -> (i32, i32) {
    %c0_i32 = arith.constant 0 : i32
    %c0_i32_0 = arith.constant 0 : i32
    return %arg0, %c0_i32 : i32, i32
  }
}

module attributes {stable_mosaic.version = 14 : i64} {
  func.func @_tc_mid_body(%arg0: i32, %arg1: memref<1000x128xf32, #tpu.memory_space<vmem>>, %arg2: memref<1000x128xf32, #tpu.memory_space<vmem>>, %arg3: memref<1000x128xf32, #tpu.memory_space<vmem>>, %arg4: memref<1000x128xf32, #tpu.memory_space<vmem>>, %arg5: memref<1x128xf32, #tpu.memory_space<vmem>>, %arg6: memref<128x128xf32, #tpu.memory_space<vmem>>, %arg7: memref<1000x128xf32, #tpu.memory_space<vmem>>) attributes {dimension_semantics = [#tpu.dimension_semantics<arbitrary>], iteration_bounds = array<i64: 10>, scalar_prefetch = 0 : i64, scratch_operands = 0 : i64, tpu.core_type = #tpu.core_type<tc>, window_params = [{transform_indices = @transform_0, window_bounds = array<i64: 1000, 128>}, {transform_indices = @transform_1, window_bounds = array<i64: 1000, 128>}, {transform_indices = @transform_2, window_bounds = array<i64: 1000, 128>}, {transform_indices = @transform_3, window_bounds = array<i64: 1000, 128>}, {pipeline_mode = #tpu.pipeline_mode<synchronous>, transform_indices = @transform_4, window_bounds = array<i64: 1, 128>}, {pipeline_mode = #tpu.pipeline_mode<synchronous>, transform_indices = @transform_5, window_bounds = array<i64: 128, 128>}, {transform_indices = @transform_6, window_bounds = array<i64: 1000, 128>}]} {
    %get3A = arith.constant 0 : index
    %get3A_0 = arith.constant 0 : index
    %get3A_1 = vector.load %arg3[%get3A, %get3A_0] : memref<1000x128xf32, #tpu.memory_space<vmem>>, vector<1000x128xf32>
    %get3A_2 = arith.constant 0 : index
    %get3A_3 = arith.constant 0 : index
    %get3A_4 = vector.load %arg4[%get3A_2, %get3A_3] : memref<1000x128xf32, #tpu.memory_space<vmem>>, vector<1000x128xf32>
    %slice3A = vector.extract_strided_slice %get3A_1 {offsets = [0, 0], sizes = [1000, 1], strides = [1, 1]} : vector<1000x128xf32> to vector<1000x1xf32>
    %slice3A_5 = vector.extract_strided_slice %get3A_4 {offsets = [0, 0], sizes = [1000, 1], strides = [1, 1]} : vector<1000x128xf32> to vector<1000x1xf32>
    %add3A = arith.addf %slice3A, %slice3A_5 : vector<1000x1xf32>
    %gt3A = arith.constant 0.000000e+00 : f32
    %gt3A_6 = vector.broadcast %gt3A : f32 to vector<1000x1xf32>
    %gt3A_7 = arith.cmpf ogt, %add3A, %gt3A_6 : vector<1000x1xf32>
    %max3A = arith.constant 1.000000e+00 : f32
    %max3A_8 = vector.broadcast %max3A : f32 to vector<1000x1xf32>
    %max3A_9 = arith.maximumf %add3A, %max3A_8 : vector<1000x1xf32>
    %rsqrt3A = math.rsqrt %max3A_9 : vector<1000x1xf32>
    %jit3A = arith.constant 0.000000e+00 : f32
    %broadcast_in_dim3A = vector.broadcast %jit3A : f32 to vector<1000x1xf32>
    %select_n3A = arith.select %gt3A_7, %rsqrt3A, %broadcast_in_dim3A : vector<1000x1xi1>, vector<1000x1xf32>
    %get3A_10 = arith.constant 0 : index
    %get3A_11 = arith.constant 0 : index
    %get3A_12 = vector.load %arg1[%get3A_10, %get3A_11] : memref<1000x128xf32, #tpu.memory_space<vmem>>, vector<1000x128xf32>
    %get3A_13 = arith.constant 0 : index
    %get3A_14 = arith.constant 0 : index
    %get3A_15 = vector.load %arg2[%get3A_13, %get3A_14] : memref<1000x128xf32, #tpu.memory_space<vmem>>, vector<1000x128xf32>
    %add3A_16 = arith.addf %get3A_12, %get3A_15 : vector<1000x128xf32>
    %mul3A = vector.broadcast %select_n3A : vector<1000x1xf32> to vector<1000x128xf32>
    %mul3A_17 = arith.mulf %add3A_16, %mul3A : vector<1000x128xf32>
    %get3A_18 = arith.constant 0 : index
    %get3A_19 = arith.constant 0 : index
    %get3A_20 = vector.load %arg5[%get3A_18, %get3A_19] : memref<1x128xf32, #tpu.memory_space<vmem>>, vector<1x128xf32>
    %add3A_21 = vector.broadcast %get3A_20 : vector<1x128xf32> to vector<1000x128xf32>
    %add3A_22 = arith.addf %mul3A_17, %add3A_21 : vector<1000x128xf32>
    %max3A_23 = arith.constant 0.000000e+00 : f32
    %max3A_24 = vector.broadcast %max3A_23 : f32 to vector<1000x128xf32>
    %max3A_25 = arith.maximumf %add3A_22, %max3A_24 : vector<1000x128xf32>
    %get3A_26 = arith.constant 0 : index
    %get3A_27 = arith.constant 0 : index
    %get3A_28 = vector.load %arg6[%get3A_26, %get3A_27] : memref<128x128xf32, #tpu.memory_space<vmem>>, vector<128x128xf32>
    %dot_general3A = arith.constant dense<0.000000e+00> : vector<1000x128xf32>
    %dot_general3A_29 = tpu.matmul %max3A_25, %get3A_28, %dot_general3A {dimension_numbers = #tpu.dot_dimension_numbers<[1], [0], [0], [1], [0, 0, 1, 1], [], []>, transpose_lhs_hint = false} : vector<1000x128xf32>, vector<128x128xf32>, vector<1000x128xf32> -> vector<1000x128xf32>
    %mul3A_30 = vector.broadcast %select_n3A : vector<1000x1xf32> to vector<1000x128xf32>
    %mul3A_31 = arith.mulf %dot_general3A_29, %mul3A_30 : vector<1000x128xf32>
    %swap3A = arith.constant 0 : index
    %swap3A_32 = arith.constant 0 : index
    %swap3A_33 = vector.load %arg7[%swap3A, %swap3A_32] : memref<1000x128xf32, #tpu.memory_space<vmem>>, vector<1000x128xf32>
    tpu.vector_store %arg7[%swap3A, %swap3A_32], %mul3A_31 {strides = array<i32>} : memref<1000x128xf32, #tpu.memory_space<vmem>>, vector<1000x128xf32>,
    return
  }
  func.func @transform_0(%arg0: i32) -> (i32, i32) {
    %c0_i32 = arith.constant 0 : i32
    %c0_i32_0 = arith.constant 0 : i32
    return %arg0, %c0_i32 : i32, i32
  }
  func.func @transform_1(%arg0: i32) -> (i32, i32) {
    %c0_i32 = arith.constant 0 : i32
    %c0_i32_0 = arith.constant 0 : i32
    return %arg0, %c0_i32 : i32, i32
  }
  func.func @transform_2(%arg0: i32) -> (i32, i32) {
    %c0_i32 = arith.constant 0 : i32
    %c0_i32_0 = arith.constant 0 : i32
    return %arg0, %c0_i32 : i32, i32
  }
  func.func @transform_3(%arg0: i32) -> (i32, i32) {
    %c0_i32 = arith.constant 0 : i32
    %c0_i32_0 = arith.constant 0 : i32
    return %arg0, %c0_i32 : i32, i32
  }
  func.func @transform_4(%arg0: i32) -> (i32, i32) {
    %c0_i32 = arith.constant 0 : i32
    %c0_i32_0 = arith.constant 0 : i32
    %c0_i32_1 = arith.constant 0 : i32
    return %c0_i32, %c0_i32_0 : i32, i32
  }
  func.func @transform_5(%arg0: i32) -> (i32, i32) {
    %c0_i32 = arith.constant 0 : i32
    %c0_i32_0 = arith.constant 0 : i32
    %c0_i32_1 = arith.constant 0 : i32
    return %c0_i32, %c0_i32_0 : i32, i32
  }
  func.func @transform_6(%arg0: i32) -> (i32, i32) {
    %c0_i32 = arith.constant 0 : i32
    %c0_i32_0 = arith.constant 0 : i32
    return %arg0, %c0_i32 : i32, i32
  }
}

module attributes {stable_mosaic.version = 14 : i64} {
  func.func @_tc_out_body(%arg0: i32, %arg1: memref<1000x128xf32, #tpu.memory_space<vmem>>, %arg2: memref<1000x128xf32, #tpu.memory_space<vmem>>, %arg3: memref<1000x128xf32, #tpu.memory_space<vmem>>, %arg4: memref<1000x128xf32, #tpu.memory_space<vmem>>, %arg5: memref<1x128xf32, #tpu.memory_space<vmem>>, %arg6: memref<128x40xf32, #tpu.memory_space<vmem>>, %arg7: memref<1x40xf32, #tpu.memory_space<vmem>>, %arg8: memref<1000x40xf32, #tpu.memory_space<vmem>>) attributes {dimension_semantics = [#tpu.dimension_semantics<arbitrary>], iteration_bounds = array<i64: 10>, scalar_prefetch = 0 : i64, scratch_operands = 0 : i64, tpu.core_type = #tpu.core_type<tc>, window_params = [{transform_indices = @transform_0, window_bounds = array<i64: 1000, 128>}, {transform_indices = @transform_1, window_bounds = array<i64: 1000, 128>}, {transform_indices = @transform_2, window_bounds = array<i64: 1000, 128>}, {transform_indices = @transform_3, window_bounds = array<i64: 1000, 128>}, {pipeline_mode = #tpu.pipeline_mode<synchronous>, transform_indices = @transform_4, window_bounds = array<i64: 1, 128>}, {pipeline_mode = #tpu.pipeline_mode<synchronous>, transform_indices = @transform_5, window_bounds = array<i64: 128, 40>}, {pipeline_mode = #tpu.pipeline_mode<synchronous>, transform_indices = @transform_6, window_bounds = array<i64: 1, 40>}, {transform_indices = @transform_7, window_bounds = array<i64: 1000, 40>}]} {
    %get3A = arith.constant 0 : index
    %get3A_0 = arith.constant 0 : index
    %get3A_1 = vector.load %arg3[%get3A, %get3A_0] : memref<1000x128xf32, #tpu.memory_space<vmem>>, vector<1000x128xf32>
    %get3A_2 = arith.constant 0 : index
    %get3A_3 = arith.constant 0 : index
    %get3A_4 = vector.load %arg4[%get3A_2, %get3A_3] : memref<1000x128xf32, #tpu.memory_space<vmem>>, vector<1000x128xf32>
    %slice3A = vector.extract_strided_slice %get3A_1 {offsets = [0, 0], sizes = [1000, 1], strides = [1, 1]} : vector<1000x128xf32> to vector<1000x1xf32>
    %slice3A_5 = vector.extract_strided_slice %get3A_4 {offsets = [0, 0], sizes = [1000, 1], strides = [1, 1]} : vector<1000x128xf32> to vector<1000x1xf32>
    %add3A = arith.addf %slice3A, %slice3A_5 : vector<1000x1xf32>
    %gt3A = arith.constant 0.000000e+00 : f32
    %gt3A_6 = vector.broadcast %gt3A : f32 to vector<1000x1xf32>
    %gt3A_7 = arith.cmpf ogt, %add3A, %gt3A_6 : vector<1000x1xf32>
    %max3A = arith.constant 1.000000e+00 : f32
    %max3A_8 = vector.broadcast %max3A : f32 to vector<1000x1xf32>
    %max3A_9 = arith.maximumf %add3A, %max3A_8 : vector<1000x1xf32>
    %rsqrt3A = math.rsqrt %max3A_9 : vector<1000x1xf32>
    %jit3A = arith.constant 0.000000e+00 : f32
    %broadcast_in_dim3A = vector.broadcast %jit3A : f32 to vector<1000x1xf32>
    %select_n3A = arith.select %gt3A_7, %rsqrt3A, %broadcast_in_dim3A : vector<1000x1xi1>, vector<1000x1xf32>
    %get3A_10 = arith.constant 0 : index
    %get3A_11 = arith.constant 0 : index
    %get3A_12 = vector.load %arg1[%get3A_10, %get3A_11] : memref<1000x128xf32, #tpu.memory_space<vmem>>, vector<1000x128xf32>
    %get3A_13 = arith.constant 0 : index
    %get3A_14 = arith.constant 0 : index
    %get3A_15 = vector.load %arg2[%get3A_13, %get3A_14] : memref<1000x128xf32, #tpu.memory_space<vmem>>, vector<1000x128xf32>
    %add3A_16 = arith.addf %get3A_12, %get3A_15 : vector<1000x128xf32>
    %mul3A = vector.broadcast %select_n3A : vector<1000x1xf32> to vector<1000x128xf32>
    %mul3A_17 = arith.mulf %add3A_16, %mul3A : vector<1000x128xf32>
    %get3A_18 = arith.constant 0 : index
    %get3A_19 = arith.constant 0 : index
    %get3A_20 = vector.load %arg5[%get3A_18, %get3A_19] : memref<1x128xf32, #tpu.memory_space<vmem>>, vector<1x128xf32>
    %add3A_21 = vector.broadcast %get3A_20 : vector<1x128xf32> to vector<1000x128xf32>
    %add3A_22 = arith.addf %mul3A_17, %add3A_21 : vector<1000x128xf32>
    %max3A_23 = arith.constant 0.000000e+00 : f32
    %max3A_24 = vector.broadcast %max3A_23 : f32 to vector<1000x128xf32>
    %max3A_25 = arith.maximumf %add3A_22, %max3A_24 : vector<1000x128xf32>
    %get3A_26 = arith.constant 0 : index
    %get3A_27 = arith.constant 0 : index
    %get3A_28 = vector.load %arg6[%get3A_26, %get3A_27] : memref<128x40xf32, #tpu.memory_space<vmem>>, vector<128x40xf32>
    %dot_general3A = arith.constant dense<0.000000e+00> : vector<1000x40xf32>
    %dot_general3A_29 = tpu.matmul %max3A_25, %get3A_28, %dot_general3A {dimension_numbers = #tpu.dot_dimension_numbers<[1], [0], [0], [1], [0, 0, 1, 1], [], []>, transpose_lhs_hint = false} : vector<1000x128xf32>, vector<128x40xf32>, vector<1000x40xf32> -> vector<1000x40xf32>
    %get3A_30 = arith.constant 0 : index
    %get3A_31 = arith.constant 0 : index
    %get3A_32 = vector.load %arg7[%get3A_30, %get3A_31] : memref<1x40xf32, #tpu.memory_space<vmem>>, vector<1x40xf32>
    %add3A_33 = vector.broadcast %get3A_32 : vector<1x40xf32> to vector<1000x40xf32>
    %add3A_34 = arith.addf %dot_general3A_29, %add3A_33 : vector<1000x40xf32>
    %swap3A = arith.constant 0 : index
    %swap3A_35 = arith.constant 0 : index
    %swap3A_36 = vector.load %arg8[%swap3A, %swap3A_35] : memref<1000x40xf32, #tpu.memory_space<vmem>>, vector<1000x40xf32>
    tpu.vector_store %arg8[%swap3A, %swap3A_35], %add3A_34 {strides = array<i32>} : memref<1000x40xf32, #tpu.memory_space<vmem>>, vector<1000x40xf32>,
    return
  }
  func.func @transform_0(%arg0: i32) -> (i32, i32) {
    %c0_i32 = arith.constant 0 : i32
    %c0_i32_0 = arith.constant 0 : i32
    return %arg0, %c0_i32 : i32, i32
  }
  func.func @transform_1(%arg0: i32) -> (i32, i32) {
    %c0_i32 = arith.constant 0 : i32
    %c0_i32_0 = arith.constant 0 : i32
    return %arg0, %c0_i32 : i32, i32
  }
  func.func @transform_2(%arg0: i32) -> (i32, i32) {
    %c0_i32 = arith.constant 0 : i32
    %c0_i32_0 = arith.constant 0 : i32
    return %arg0, %c0_i32 : i32, i32
  }
  func.func @transform_3(%arg0: i32) -> (i32, i32) {
    %c0_i32 = arith.constant 0 : i32
    %c0_i32_0 = arith.constant 0 : i32
    return %arg0, %c0_i32 : i32, i32
  }
  func.func @transform_4(%arg0: i32) -> (i32, i32) {
    %c0_i32 = arith.constant 0 : i32
    %c0_i32_0 = arith.constant 0 : i32
    %c0_i32_1 = arith.constant 0 : i32
    return %c0_i32, %c0_i32_0 : i32, i32
  }
  func.func @transform_5(%arg0: i32) -> (i32, i32) {
    %c0_i32 = arith.constant 0 : i32
    %c0_i32_0 = arith.constant 0 : i32
    %c0_i32_1 = arith.constant 0 : i32
    return %c0_i32, %c0_i32_0 : i32, i32
  }
  func.func @transform_6(%arg0: i32) -> (i32, i32) {
    %c0_i32 = arith.constant 0 : i32
    %c0_i32_0 = arith.constant 0 : i32
    %c0_i32_1 = arith.constant 0 : i32
    return %c0_i32, %c0_i32_0 : i32, i32
  }
  func.func @transform_7(%arg0: i32) -> (i32, i32) {
    %c0_i32 = arith.constant 0 : i32
    %c0_i32_0 = arith.constant 0 : i32
    return %arg0, %c0_i32 : i32, i32
  }
}

</mosaic_0001>

<sc_bundles>
// kernel: kernel.11.cloned.1.call-start
scs
__scs_entry_jumppad:
0x0: {  	(pc) =	sbr.rel $0x88, $3  }
0x1: {  	(tag) =	ssettag $0x0;
	lr =	simm.s32 $0x1  }
0x2: {  	[smem:$0x3F99] =	sst lr;
	_ =	strace $0xD0000000  }
0x3: {  	_ = 	snop  }
0x4: {  	_ = 	snop  }
0x5: {  	_ = 	snop  }
0x6: {  	_ = 	snop  }
0x7: {  	_ = 	snop  }
__scs_overlays_trampoline_lowered:
0x8: {  	[smem:$0x3FA8] =	sst s0  }
0x9: {  	[smem:$0x3FA9] =	sst s1  }
0xa: {  	[smem:$0x3FAA] =	sst s2  }
0xb: {  	[smem:$0x3FAB] =	sst s3  }
0xc: {  	[smem:$0x3FAC] =	sst s4  }
0xd: {  	[smem:$0x3FAD] =	sst s5  }
0xe: {  	[smem:$0x3FAE] =	sst s6  }
0xf: {  	[smem:$0x3FAF] =	sst s7  }
0x10: {  	[smem:$0x3FB0] =	sst s8  }
0x11: {  	[smem:$0x3FB1] =	sst s9;
	s0 =	simm.s32 @!p0 $0x0  }
0x12: {  	s1 =	sld [smem:$0x3F97];
	s0 =	simm.s32 @p0 $0x1  }
0x13: {  	[smem:$0x3FB2] =	sst s0;
	s0 =	simm.s32 @!p1 $0x0  }
0x14: {  	s2 =	sld [smem:$0x3F96];
	s0 =	simm.s32 @p1 $0x1  }
0x15: {  	[smem:$0x3FB3] =	sst s0;
	s0 =	simm.s32 @!p2 $0x0  }
0x16: {  	s3 =	sld [smem:$0x3FDB];
	s0 =	simm.s32 @p2 $0x1  }
0x17: {  	s4 =	simm.s32 $0x1BF5;
	[smem:$0x3FB5] =	sst s0  }
0x18: {  	s0 =	sld [smem:$0x3F98];
	_ =	swait.ge [sflag:s4], $0x0  }
0x19: {  	s7 =	sld [smem:$0x3F99]  }
0x1a: {  	s8 =	sadd.s32 $0xFFFFE003, lr  }
0x1b: {  	s9 =	sadd.s32 $0xFFFFFEF7, lr;
	s5 =	simm.s32 $0xFFFFFFFF;
	p2 =	slt.u32 s8, $0xFFFFF086  }
0x1c: {  	p1 =	slt.u32 s9, $0xF7A;
	s5 =	simm.s32 @!p2 $0x0  }
0x1d: {  	s5 =	simm.s32 @p1 $0x1;
	p0 =	seq.s32 s7, s2  }
0x1e: {  	s7 =	smul.u32 @!p0 $0xF7A, s2;
	p2 =	seq.s32 @!p0 s5, $0x0  }
0x1f: {  	s9 =	smul.u32 $0xF7A, s1;
	s8 =	simm.s32 @!p0 $0x1BF5;
	p2 =	por !p2, p0  }
0x20: {  	[sflag:s8] =	ssyncset.s32 @!p0 $0xFFFFF086;
	s6 =	sadd.s32 @!p0 s3, s7;
	s7 =	simm.s32 @!p0 $0x108  }
0x21: {  	s3 =	sadd.s32 s3, s9;
	s6 =	sadd.s32 @!p0 $0x88, s6;
	s7 =	simm.s32 @p2 $0x1082  }
0x22: {  	[simem:s7], [sflag:s8] =	dma.local @!p0 [hbm:s6], $0xF7A  }
0x23: {  	s9 =	sor.u32 $0xD0000000, s2;
	s6 =	simm.s32 $0x108;
	_ =	swait.ge @!p0 [sflag:s8], $0x0  }
0x24: {  	s3 =	sadd.s32 $0x88, s3;
	s6 =	simm.s32 @!p1 $0x1082;
	[sflag:s4] =	ssyncset.s32 $0xFFFFF086  }
0x25: {  	[simem:s6], [sflag:s4] =	dma.local [hbm:s3], $0xF7A  }
0x26: {  	[smem:$0x3F99] =	sst s1;
	(tag) =	ssettag s2;
	_ =	strace s9  }
0x27: {  	s1 =	sld [smem:$0x3FA9]  }
0x28: {  	s2 =	sld [smem:$0x3FAA]  }
0x29: {  	s4 =	sld [smem:$0x3FAC]  }
0x2a: {  	p0 =	seq.s32 s5, $0x0;
	s5 =	sld [smem:$0x3FAD]  }
0x2b: {  	s6 =	sld [smem:$0x3FAE]  }
0x2c: {  	s7 =	sld [smem:$0x3FAF]  }
0x2d: {  	s3 =	simm.s32 $0x108;
	s8 =	sld [smem:$0x3FB0]  }
0x2e: {  	s3 =	simm.s32 @!p0 $0x1082;
	s9 =	sld [smem:$0x3FB1]  }
0x2f: {  	lr =	sadd.s32 s0, s3;
	s0 =	sld [smem:$0x3FA8]  }
0x30: {  	s3 =	sld [smem:$0x3FAB]  }
0x31: {  	[smem:$0x3FB4] =	sst s10  }
0x32: {  	s10 =	sld [smem:$0x3FB2];
	_ =	sdelay $0x3  }
0x33: {  	p0 =	seq.s32 s10, $0x1;
	s10 =	sld [smem:$0x3FB4];
	_ =	sdelay $0x3  }
0x34: {  	[smem:$0x3FB4] =	sst s10  }
0x35: {  	s10 =	sld [smem:$0x3FB3];
	_ =	sdelay $0x3  }
0x36: {  	p1 =	seq.s32 s10, $0x1;
	s10 =	sld [smem:$0x3FB4];
	_ =	sdelay $0x3  }
0x37: {  	[smem:$0x3FB4] =	sst s10  }
0x38: {  	s10 =	sld [smem:$0x3FB5]  }
0x39: {  	_ = 	snop;
	(pc) =	sbr.ind lr, $3  }
0x3a: {  	_ = 	snop  }
0x3b: {  	_ = 	snop  }
0x3c: {  	p2 =	seq.s32 s10, $0x1;
	s10 =	sld [smem:$0x3FB4]  }
0x3d: {  	_ =	shalt  }
0x3e: {  	_ =	shalt  }
0x3f: {  	_ =	shalt  }
0x40: {  	_ =	shalt  }
0x41: {  	_ =	shalt  }
0x42: {  	_ =	shalt  }
0x43: {  	_ =	shalt  }
0x44: {  	_ =	shalt  }
0x45: {  	_ =	shalt  }
0x46: {  	_ =	shalt  }
0x47: {  	_ =	shalt  }
0x48: {  	_ =	shalt  }
0x49: {  	_ =	shalt  }
0x4a: {  	_ =	shalt  }
0x4b: {  	_ =	shalt  }
0x4c: {  	_ =	shalt  }
0x4d: {  	_ =	shalt  }
0x4e: {  	_ =	shalt  }
0x4f: {  	_ =	shalt  }
0x50: {  	_ =	shalt  }
0x51: {  	_ =	shalt  }
0x52: {  	_ =	shalt  }
0x53: {  	_ =	shalt  }
0x54: {  	_ =	shalt  }
0x55: {  	_ =	shalt  }
0x56: {  	_ =	shalt  }
0x57: {  	_ =	shalt  }
0x58: {  	_ =	shalt  }
0x59: {  	_ =	shalt  }
0x5a: {  	_ =	shalt  }
0x5b: {  	_ =	shalt  }
0x5c: {  	_ =	shalt  }
0x5d: {  	_ =	shalt  }
0x5e: {  	_ =	shalt  }
0x5f: {  	_ =	shalt  }
0x60: {  	_ =	shalt  }
0x61: {  	_ =	shalt  }
0x62: {  	_ =	shalt  }
0x63: {  	_ =	shalt  }
0x64: {  	_ =	shalt  }
0x65: {  	_ =	shalt  }
0x66: {  	_ =	shalt  }
0x67: {  	_ =	shalt  }
0x68: {  	_ =	shalt  }
0x69: {  	_ =	shalt  }
0x6a: {  	_ =	shalt  }
0x6b: {  	_ =	shalt  }
0x6c: {  	_ =	shalt  }
0x6d: {  	_ =	shalt  }
0x6e: {  	_ =	shalt  }
0x6f: {  	_ =	shalt  }
0x70: {  	_ =	shalt  }
0x71: {  	_ =	shalt  }
0x72: {  	_ =	shalt  }
0x73: {  	_ =	shalt  }
0x74: {  	_ =	shalt  }
0x75: {  	_ =	shalt  }
0x76: {  	_ =	shalt  }
0x77: {  	_ =	shalt  }
0x78: {  	_ =	shalt  }
0x79: {  	_ =	shalt  }
0x7a: {  	_ =	shalt  }
0x7b: {  	_ =	shalt  }
0x7c: {  	_ =	shalt  }
0x7d: {  	_ =	shalt  }
0x7e: {  	_ =	shalt  }
0x7f: {  	_ =	shalt  }
0x80: {  	_ =	shalt  }
0x81: {  	_ =	shalt  }
0x82: {  	_ =	shalt  }
0x83: {  	_ =	shalt  }
0x84: {  	_ =	shalt  }
0x85: {  	_ =	shalt  }
0x86: {  	_ =	shalt  }
0x87: {  	_ =	shalt  }
.Lfunc_end0:
.L_simem_size_0:
called_computation.1_lowered:
.L_overlay_start_0:
0x88: {  	s2 =	sld [smem:$0x3FD9]  }
0x89: {  	s3 =	sld [smem:$0x3FFE];
	_ =	sdelay $0x1  }
0x8a: {  	s1 =	srdreg.scid  }
0x8b: {  	s0 =	sand.u32 $0x1, s1  }
0x8c: {  	s17 =	sshll.u32 s0, $0xA;
	s2 =	sadd.s32 s3, s2  }
0x8d: {  	s2 =	sadd.s32 s2, s17  }
0x8e: {  	[smem:$0x3FC0] =	sst s2  }
0x8f: {  	_ = 	snop  }
0x90: {  	s2 =	sld [smem:$0x3FD0];
	(tm) =	ssettm $0x1  }
0x91: {  	s18 =	sld [smem:$0x3FFB];
	_ =	sdelay $0x3  }
0x92: {  	_ =	strace s18  }
0x93: {  	s3 =	sld [smem:$0x3FFC];
	_ =	sdelay $0x3  }
0x94: {  	_ =	strace s3  }
0x95: {  	s3 =	sld [smem:$0x3FFD];
	_ =	sdelay $0x3  }
0x96: {  	_ =	strace s3  }
0x97: {  	_ =	strace $0x8FFFFFFF  }
0x98: {  	s19 =	sld [smem:$0x3FDB];
	_ =	sdelay $0x1  }
0x99: {  	s4 =	simm.s32 $_scs_section_size  }
0x9a: {  	s5 =	simm.s32 $_size__tile_overlayer_lowered;
	s6 =	simm.s32 $_tile_overlayer_lowered  }
0x9b: {  	s22 =	simm.s32 $0x1BFF;
	s21 =	sshll.u32 s6, $0x1;
	s3 =	sadd.s32 s4, s19  }
0x9c: {  	s7 =	simm.s32 $0x0;
	s20 =	sshll.u32 s5, $0x1;
	s5 =	sadd.s32 s21, s3  }
0x9d: {  	[timem:s7], [sflag:s22] =	dma.local [hbm:s5], s20  }
0x9e: {  	_ =	swait.ge [sflag:s22], s20  }
0x9f: {  	s4 =	ssub.s32 $0x0, s20;
	[sflag:s22] =	ssyncset.done $0x0  }
0xa0: {  	[sflag:s22] =	ssyncadd.s32 s4;
	_ =	sdelay $0x1  }
0xa1: {  	s23 =	simm.s32 $0x1B8B  }
0xa2: {  	_ =	swait.ge [sflag:s23], $0x1  }
0xa3: {  	[sflag:s23] =	ssyncset.done $0x0  }
0xa4: {  	s25 =	simm.s32 $0x1B8E;
	s24 =	sld [smem:$0x3FFE];
	[sflag:s23] =	ssyncadd.s32 $0xFFFFFFFF  }
0xa5: {  	s26 =	simm.s32 $execute0_lowered;
	[smem:$0x3FD2] =	sst s25  }
0xa6: {  	s5 =	sshll.u32 s26, $0x1;
	_ =	strace $0x80000049;
	[dreg:$0x1] =	wrdreg $0xFFFFFFFF  }
0xa7: {  	s28 =	simm.s32 $_size_execute0_lowered;
	s3 =	sadd.s32 s3, s5;
	[dreg:$0x0] =	wrdreg $0x0  }
0xa8: {  	s5 =	sshll.u32 s28, $0x1;
	[dreg:$0x2] =	wrdreg s3  }
0xa9: {  	[dreg:$0x3] =	wrdreg s5  }
0xaa: {  	[dreg:$0x4] =	wrdreg $0xC0  }
0xab: {  	_ =	task [dreg:s7], $0x5FFFF  }
0xac: {  	[dreg:$0x1] =	wrdreg $0xFFFFFFFF  }
0xad: {  	[dreg:$0x0] =	wrdreg $0x60  }
0xae: {  	[dreg:$0x2] =	wrdreg s24  }
0xaf: {  	[dreg:$0x3] =	wrdreg s2  }
0xb0: {  	[dreg:$0x4] =	wrdreg $0xC3000  }
0xb1: {  	[dreg:$0x5] =	wrdreg $0x9  }
0xb2: {  	_ =	task.clear_ibuf [dreg:s7], $0x6FFFF;
	_ =	strace $0x90000049  }
0xb3: {  	s29 =	simm.s32 $0x9;
	_ =	strace $0x8000004B  }
0xb4: {  	_ =	swait.ge [sflag:s29], $0x1  }
0xb5: {  	[sflag:s29] =	ssyncadd.s32 $0xFFFFFFFF  }
0xb6: {  	_ =	strace $0x9000004B  }
0xb7: {  	_ =	sfence  }
0xb8: {  	s30 =	sld [smem:$0x0];
	_ =	sdelay $0x2  }
0xb9: {  	s31 =	sshll.u32 s1, $0xD;
	s1 =	sshrl.u32 s1, $0x2  }
0xba: {  	s3 =	sand.u32 $0x4000, s31;
	s1 =	sadd.s32 s1, s30  }
0xbb: {  	s0 =	sor.u32 s3, s0;
	s1 =	sshll.u32 s1, $0x11  }
0xbc: {  	s0 =	sor.u32 s1, s0  }
0xbd: {  	s0 =	sadd.s32 $0x8F2B, s0  }
0xbe: {  	[sflag:s0] =	ssyncadd.remote.s32 $0x1  }
0xbf: {  	_ =	sfence.sel $0xFFFF  }
0xc0: {  	[dreg:$0x0] =	wrdreg $0xFFFFFFFF;
	(pc) =	sbr.abs _section_cstart, $3  }
0xc1: {  	[dreg:$0x1] =	wrdreg $0xFFFFFFFF  }
0xc2: {  	_ =	task.clear_ibuf [dreg:s7], $0x2FFFF;
	_ =	strace $0x9FFFFFFF  }
0xc3: {  	(tm) =	ssettm $0x7FFFFFFF  }
tec
execute0_lowered:
.L_overlay_start_1:
0x0: {  	(tag) =	ssettag $0x1  }
0x1: {  	s0 =	rddreg [dreg:$0x0]  }
0x2: {  	s5 =	rddreg [dreg:$0x1]  }
0x3: {  	s1 =	rddreg [dreg:$0x2];
	s2 =	simm.s32 $0x0  }
0x4: {  	s6 =	stileid.u32;
	s4 =	srdreg.scid;
	s30 =	simm.s32 $0x280  }
0x5: {  	s31 =	simm.s32 $0x3;
	s29 =	simm.s32 $0x6;
	[smem:$0x7FF] =	sst s2  }
0x6: {  	s7 =	smul.u32 $0x13800, s6;
	s3 =	sadd.s32 $0x5A600, s0;
	s8 =	sadd.s32 $0x2400, s0  }
0x7: {  	s9 =	sand.u32 $0x1, s4;
	s11 =	sshll.u32 s6, $0x1;
	s13 =	sadd.s32 $0x81800, s0  }
0x8: {  	s15 =	smul.u32 $0x4E000, s6;
	s23 =	sshll.u32 s6, $0x6;
	s28 =	sadd.s32 $0x138000, s1  }
0x9: {  	p0 =	sne.s32 s6, $0x0;
	_ =	strace $0x8000004A;
	s10 =	ssub.s32 $0x2, s9  }
0xa: {  	s11 =	sor.u32 s9, s11;
	s25 =	smul.u32 $0x138800, s9;
	[dreg:$0xb] =	wrdreg s28  }
0xb: {  	s17 =	sshrl.u32 s7, $0x3;
	s18 =	sshrl.u32 s10, $0x1;
	s14 =	sshll.u32 s11, $0x4  }
0xc: {  	s19 =	ssub.s32 $0x9E3, s11;
	s15 =	sshrl.u32 s15, $0x2;
	s16 =	sadd.s32 s5, s14  }
0xd: {  	s20 =	sor.u32 $0x200, s14;
	s14 =	sadd.s32 s8, s14;
	[dreg:$0x4] =	wrdreg s16  }
0xe: {  	s12 =	sadd.s32 s17, s0;
	s22 =	sadd.s32 s15, s1;
	[dreg:$0x7] =	wrdreg s14  }
0xf: {  	s10 =	ssub.s32 s10, s18;
	s0 =	sadd.s32 $0x33200, s0;
	[dreg:$0x9] =	wrdreg s22  }
0x10: {  	s4 =	sshrl.u32 s19, $0x5;
	s17 =	sadd.s32 s5, s20;
	[dreg:$0xc] =	wrdreg s0  }
0x11: {  	s16 =	sadd.s32 $0x400, s16;
	s21 =	smul.u32 $0x56, s4;
	[dreg:$0x5] =	wrdreg s17  }
0x12: {  	s11 =	sadd.s32 s8, s20;
	s12 =	sadd.s32 $0xC200, s12;
	[dreg:$0x6] =	wrdreg s16  }
0x13: {  	s20 =	sshrl.u32 s25, $0x3;
	s22 =	sshll.u32 s6, $0x5;
	[dreg:$0x8] =	wrdreg s11  }
0x14: {  	[dreg:$0xa] =	wrdreg s12;
	s12 =	sor.u32 $0x1C0D, s23;
	s16 =	sadd.s32 s7, s25  }
0x15: {  	s23 =	sadd.s32 s22, s8;
	s25 =	smax.u32 s10, $0x1;
	s8 =	simm.s32 $0xC  }
0x16: {  	s24 =	sshrl.u32 s21, $0x8;
	s0 =	sshrl.u32 s16, $0x3;
	s21 =	sadd.s32 s13, s20  }
0x17: {  	[dreg:$0xf] =	wrdreg s25;
	s20 =	simm.s32 $0x80;
	s26 =	smul.u32 $0x3, s24  }
0x18: {  	s0 =	sadd.s32 s13, s0;
	s24 =	sshll.u32 s9, $0x4;
	s9 =	simm.s32 $0x0  }
0x19: {  	[dreg:$0xd] =	wrdreg s0;
	s0 =	sadd.s32 $0x27000, s21;
	s18 =	sadd.s32 s24, s23  }
0x1a: {  	s21 =	simm.s32 $0x100;
	s23 =	simm.s32 $0x8;
	s17 =	ssub.s32 s4, s26  }
0x1b: {  	[dreg:$0xe] =	wrdreg s0;
	s26 =	sadd.s32 s22, s5;
	s0 =	simm.s32 $0x8300  }
0x1c: {  	s22 =	simm.s32 $0x7;
	s19 =	sadd.s32 s24, s26;
	s28 =	sand.u32 $0xFF, s17  }
0x1d: {  	s24 =	simm.s32 $0xD;
	s26 =	simm.s32 $0x9;
	p1 =	sne.s32 s28, $0x1  }
.LBB2_1:
0x1e: {  	s5 =	rddreg [dreg:$0x4]  }
0x1f: {  	s28 =	rddreg [dreg:$0x5]  }
0x20: {  	[tilespmem:s2], [sflag:$0x1] =	stream.linear.gather [hbm4b:s5+s2], $0x80, $0x38;
	[tilespmem:$0x1FB80] =	vst v63  }
0x21: {  	s6 =	rddreg [dreg:$0x6]  }
0x22: {  	[tilespmem:s20], [sflag:$0x2] =	stream.linear.gather [hbm4b:s28+s2], $0x80, $0x38;
	[tilespmem:$0x1FB80] =	vst v63  }
0x23: {  	s7 =	rddreg [dreg:$0x7]  }
0x24: {  	[tilespmem:s21], [sflag:$0x3] =	stream.linear.gather [hbm4b:s6+s2], $0x80, $0x38;
	[tilespmem:$0x1FB80] =	vst v63  }
0x25: {  	s10 =	rddreg [dreg:$0x8];
	s6 =	simm.s32 $0x180  }
0x26: {  	[tilespmem:s6], [sflag:$0x4] =	stream.linear.gather [hbm4b:s7+s2], $0x80, $0x38;
	[tilespmem:$0x1FB80] =	vst v63  }
0x27: {  	s11 =	simm.s32 $0x200;
	s13 =	rddreg [dreg:$0x9]  }
0x28: {  	[tilespmem:s11], [sflag:$0x5] =	stream.linear.gather [hbm4b:s10+s2], $0x80, $0x38;
	[tilespmem:$0x1FB80] =	vst v63  }
0x29: {  	s14 =	rddreg [dreg:$0xa];
	s10 =	sshrl.u32 s13, $0x3  }
0x2a: {  	[spmem:s10], [sflag:s12] =	dma.local [hbm:s14], $0x2700  }
0x2b: {  	_ =	swait.ge [sflag:s24], $0x2700  }
0x2c: {  	[sflag:s24] =	ssyncset.done $0x0;
	s5 =	rddreg [dreg:$0xb]  }
0x2d: {  	[sflag:s24] =	ssyncadd.s32 $0xFFFFD900;
	s11 =	sshrl.u32 @!p0 s5, $0x3;
	s5 =	rddreg [dreg:$0xc]  }
0x2e: {  	[spmem:s11], [sflag:s12] =	dma.local @!p0 [hbm:s5], $0x100  }
0x2f: {  	s5 =	simm.s32 @!p0 $0xD  }
0x30: {  	_ =	swait.ge @!p0 [sflag:s5], $0x100  }
0x31: {  	[sflag:s5] =	ssyncset.done @!p0 $0x0  }
0x32: {  	[sflag:s5] =	ssyncadd.s32 @!p0 $0xFFFFFF00  }
0x33: {  	s15 =	simm.s32 $0x1;
	[bflag:$0x0] =	sbarrier.arrive $0xFFFF  }
0x34: {  	_ =	swait.ge [sflag:s15], $0x80  }
0x35: {  	[sflag:s15] =	ssyncset.done $0x0  }
0x36: {  	s16 =	simm.s32 $0x300;
	s17 =	simm.s32 $0x2;
	[sflag:s15] =	ssyncadd.s32 $0xFFFFFF80  }
0x37: {  	[tilespmem:s16], [sflag:$0x7] =	stream.indirect.gather [hbm4b:s3+s20], $0x80, s2, s20, $0xb8;
	[tilespmem:$0x1FB80] =	vst v63  }
0x38: {  	p2 =	por $0x1, $0x1;
	_ =	swait.ge [sflag:s17], $0x80  }
0x39: {  	p2 =	por p2, p2;
	[sflag:s17] =	ssyncset.done $0x0  }
0x3a: {  	s25 =	simm.s32 $0x4300;
	s5 =	simm.s32 @!p2 $0xC;
	[sflag:s17] =	ssyncadd.s32 $0xFFFFFF80  }
0x3b: {  	[tilespmem:s25], [sflag:$0x8] =	stream.indirect.gather [hbm4b:s3+s20], $0x80, s20, s20, $0xb8;
	[tilespmem:$0x1FB80] =	vst v63  }
0x3c: {  	_ =	swait.ge @!p2 [sflag:s5], $0x4000  }
0x3d: {  	s13 =	sadd.s32 $0x0, s18;
	[sflag:s5] =	ssyncset.done @!p2 $0x0  }
0x3e: {  	s28 =	sadd.s32 $0x400, s13;
	[sflag:s5] =	ssyncadd.s32 @!p2 $0xFFFFC000  }
0x3f: {  	[tilespmem:s30], [sflag:$0x6] =	stream.linear.gather [hbm4b:s28+s2], $0x80, $0x38;
	[tilespmem:$0x1FB80] =	vst v63  }
0x40: {  	_ =	swait.ge [sflag:s31], $0x80  }
0x41: {  	[sflag:s31] =	ssyncset.done $0x0  }
0x42: {  	[sflag:s31] =	ssyncadd.s32 $0xFFFFFF80  }
0x43: {  	[tilespmem:s0], [sflag:$0x9] =	stream.indirect.gather [hbm4b:s3+s20], $0x80, s21, s20, $0xb8;
	[tilespmem:$0x1FB80] =	vst v63  }
0x44: {  	_ =	swait.ge [sflag:s22], $0x4000  }
0x45: {  	p2 =	sle.u32 s4, $0x3;
	[sflag:s22] =	ssyncset.done $0x0  }
0x46: {  	s5 =	simm.s32 @p2 $0x4;
	[sflag:s22] =	ssyncadd.s32 $0xFFFFC000  }
0x47: {  	_ =	swait.ge @p2 [sflag:s5], $0x80  }
0x48: {  	s13 =	sadd.s32 @!p2 $0x0, s19;
	s14 =	simm.s32 @p2 $0x300;
	[sflag:s5] =	ssyncset.done @p2 $0x0  }
0x49: {  	s15 =	simm.s32 @p2 $0x180;
	[sflag:s5] =	ssyncadd.s32 @p2 $0xFFFFFF80;
	s5 =	simm.s32 @p2 $0x80  }
0x4a: {  	[spmem:s1] =	stream.indirect.scatter.add.f32 @p2 [tilespmem:s14], [sflag:$0xA], $0x80, s15, s5, $0xb8;
	[tilespmem:$0x1FB80] =	vst v63  }
0x4b: {  	s5 =	sadd.s32 @!p2 $0x600, s13;
	s13 =	simm.s32 @!p2 $0x0;
	s14 =	simm.s32 @!p2 $0x4  }
0x4c: {  	[tilespmem:s13], [sflag:$0x1] =	stream.linear.gather @!p2 [hbm4b:s5+s13], $0x80, $0x38;
	[tilespmem:$0x1FB80] =	vst v63  }
0x4d: {  	_ =	swait.ge @!p2 [sflag:s14], $0x80  }
0x4e: {  	s16 =	simm.s32 @!p2 $0x180;
	s15 =	simm.s32 @!p2 $0xA;
	[sflag:s14] =	ssyncset.done @!p2 $0x0  }
0x4f: {  	s5 =	simm.s32 @!p2 $0x300;
	[sflag:s14] =	ssyncadd.s32 @!p2 $0xFFFFFF80;
	s14 =	simm.s32 @!p2 $0x80  }
0x50: {  	[spmem:s1] =	stream.indirect.scatter.add.f32 @!p2 [tilespmem:s5], [sflag:$0xA], $0x80, s16, s14, $0xb8;
	[tilespmem:$0x1FB80] =	vst v63  }
0x51: {  	_ =	swait.ge @!p2 [sflag:s15], $0x4000  }
0x52: {  	s17 =	sadd.s32 @!p2 $0x0, s18;
	[sflag:s15] =	ssyncset.done @!p2 $0x0  }
0x53: {  	s17 =	sadd.s32 @!p2 $0x600, s17;
	[sflag:s15] =	ssyncadd.s32 @!p2 $0xFFFFC000;
	s15 =	simm.s32 @!p2 $0x1  }
0x54: {  	[tilespmem:s16], [sflag:$0x4] =	stream.linear.gather @!p2 [hbm4b:s17+s13], $0x80, $0x38;
	[tilespmem:$0x1FB80] =	vst v63  }
0x55: {  	_ =	swait.ge @!p2 [sflag:s15], $0x80  }
0x56: {  	[sflag:s15] =	ssyncset.done @!p2 $0x0  }
0x57: {  	[sflag:s15] =	ssyncadd.s32 @!p2 $0xFFFFFF80  }
0x58: {  	[tilespmem:s5], [sflag:$0x7] =	stream.indirect.gather @!p2 [hbm4b:s3+s14], $0x80, s13, s14, $0xb8;
	[tilespmem:$0x1FB80] =	vst v63  }
0x59: {  	_ =	swait.ge [sflag:s23], $0x4000  }
0x5a: {  	p2 =	sle.u32 s4, $0x4;
	[sflag:s23] =	ssyncset.done $0x0  }
0x5b: {  	s5 =	simm.s32 @p2 $0x5;
	[sflag:s23] =	ssyncadd.s32 $0xFFFFC000  }
0x5c: {  	s13 =	sadd.s32 @!p2 $0x0, s19;
	_ =	swait.ge @p2 [sflag:s5], $0x80  }
0x5d: {  	s14 =	simm.s32 @p2 $0x4300;
	s15 =	simm.s32 @p2 $0x200;
	[sflag:s5] =	ssyncset.done @p2 $0x0  }
0x5e: {  	s13 =	sadd.s32 @!p2 $0x800, s13;
	[sflag:s5] =	ssyncadd.s32 @p2 $0xFFFFFF80;
	s5 =	simm.s32 @p2 $0x80  }
0x5f: {  	[spmem:s1] =	stream.indirect.scatter.add.f32 @p2 [tilespmem:s14], [sflag:$0xB], $0x80, s15, s5, $0xb8;
	[tilespmem:$0x1FB80] =	vst v63  }
0x60: {  	s5 =	simm.s32 @!p2 $0x0;
	s14 =	simm.s32 @!p2 $0x80;
	s15 =	simm.s32 @!p2 $0x5  }
0x61: {  	[tilespmem:s14], [sflag:$0x2] =	stream.linear.gather @!p2 [hbm4b:s13+s5], $0x80, $0x38;
	[tilespmem:$0x1FB80] =	vst v63  }
0x62: {  	_ =	swait.ge @!p2 [sflag:s15], $0x80  }
0x63: {  	s16 =	simm.s32 @!p2 $0x4300;
	[sflag:s15] =	ssyncset.done @!p2 $0x0  }
0x64: {  	s13 =	simm.s32 @!p2 $0xB;
	[sflag:s15] =	ssyncadd.s32 @!p2 $0xFFFFFF80;
	s15 =	simm.s32 @!p2 $0x200  }
0x65: {  	[spmem:s1] =	stream.indirect.scatter.add.f32 @!p2 [tilespmem:s16], [sflag:$0xB], $0x80, s15, s14, $0xb8;
	[tilespmem:$0x1FB80] =	vst v63  }
0x66: {  	_ =	swait.ge @!p2 [sflag:s13], $0x4000  }
0x67: {  	s17 =	sadd.s32 @!p2 $0x0, s18;
	[sflag:s13] =	ssyncset.done @!p2 $0x0  }
0x68: {  	[sflag:s13] =	ssyncadd.s32 @!p2 $0xFFFFC000;
	s13 =	sadd.s32 @!p2 $0x800, s17  }
0x69: {  	[tilespmem:s15], [sflag:$0x5] =	stream.linear.gather @!p2 [hbm4b:s13+s5], $0x80, $0x38;
	[tilespmem:$0x1FB80] =	vst v63  }
0x6a: {  	s5 =	simm.s32 @!p2 $0x2  }
0x6b: {  	_ =	swait.ge @!p2 [sflag:s5], $0x80  }
0x6c: {  	[sflag:s5] =	ssyncset.done @!p2 $0x0  }
0x6d: {  	[sflag:s5] =	ssyncadd.s32 @!p2 $0xFFFFFF80  }
0x6e: {  	[tilespmem:s16], [sflag:$0x8] =	stream.indirect.gather @!p2 [hbm4b:s3+s14], $0x80, s14, s14, $0xb8;
	[tilespmem:$0x1FB80] =	vst v63  }
0x6f: {  	p2 =	sle.u32 s4, $0x5;
	_ =	swait.ge [sflag:s26], $0x4000  }
0x70: {  	s5 =	sadd.s32 @!p2 $0x0, s19;
	s13 =	simm.s32 @!p2 $0x100;
	[sflag:s26] =	ssyncset.done $0x0  }
0x71: {  	s14 =	simm.s32 @!p2 $0x0;
	s5 =	sadd.s32 @!p2 $0xA00, s5;
	[sflag:s26] =	ssyncadd.s32 $0xFFFFC000  }
0x72: {  	[tilespmem:s13], [sflag:$0x3] =	stream.linear.gather @!p2 [hbm4b:s5+s14], $0x80, $0x38;
	[tilespmem:$0x1FB80] =	vst v63  }
0x73: {  	p6 =	por $0x0, $0x0;
	_ =	swait.ge [sflag:s29], $0x80  }
0x74: {  	s5 =	simm.s32 $0x600;
	s14 =	simm.s32 $0xC00;
	[sflag:s29] =	ssyncset.done $0x0  }
0x75: {  	p2 =	por p6, p6;
	s13 =	simm.s32 $0x8;
	[sflag:s29] =	ssyncadd.s32 $0xFFFFFF80  }
.LBB2_2:
0x76: {  	[spmem:s1] =	stream.indirect.scatter.add.f32 [tilespmem:s0], [sflag:$0xC], $0x80, s30, s20, $0xb8;
	[tilespmem:$0x1FB80] =	vst v63  }
0x77: {  	s15 =	smov.u32 s14  }
0x78: {  	s14 =	sadd.s32 $0x600, s14;
	s16 =	simm.s32 @!p2 $0xC;
	p4 =	seq.s32 s15, $0x0  }
0x79: {  	p3 =	sne.s32 s14, $0x9C00;
	_ =	swait.ge @!p2 [sflag:s16], $0x4000  }
0x7a: {  	s17 =	sadd.s32 s5, s18;
	[sflag:s16] =	ssyncset.done @!p2 $0x0  }
0x7b: {  	[sflag:s16] =	ssyncadd.s32 @!p2 $0xFFFFC000;
	s16 =	sadd.s32 $0x400, s17;
	p2 =	por p4, p4  }
0x7c: {  	[tilespmem:s30], [sflag:$0x6] =	stream.linear.gather [hbm4b:s16+s2], $0x80, $0x38;
	[tilespmem:$0x1FB80] =	vst v63  }
0x7d: {  	_ =	swait.ge [sflag:s31], $0x80  }
0x7e: {  	[sflag:s31] =	ssyncset.done $0x0  }
0x7f: {  	[sflag:s31] =	ssyncadd.s32 $0xFFFFFF80  }
0x80: {  	[tilespmem:s0], [sflag:$0x9] =	stream.indirect.gather [hbm4b:s3+s20], $0x80, s21, s20, $0xb8;
	[tilespmem:$0x1FB80] =	vst v63  }
0x81: {  	s16 =	sadd.s32 $0xFFFFFFFE, s13;
	_ =	swait.ge [sflag:s22], $0x4000  }
0x82: {  	p4 =	sge.u32 s16, s4;
	[sflag:s22] =	ssyncset.done $0x0  }
0x83: {  	s16 =	simm.s32 @p4 $0x4;
	s17 =	sadd.s32 @!p4 s5, s19;
	[sflag:s22] =	ssyncadd.s32 $0xFFFFC000  }
0x84: {  	s25 =	sadd.s32 @!p4 s5, s18;
	s17 =	sadd.s32 @!p4 $0x600, s17;
	_ =	swait.ge @p4 [sflag:s16], $0x80  }
0x85: {  	s28 =	simm.s32 @p4 $0x300;
	s25 =	sadd.s32 @!p4 $0x600, s25;
	[sflag:s16] =	ssyncset.done @p4 $0x0  }
0x86: {  	s6 =	simm.s32 @p4 $0x180;
	[sflag:s16] =	ssyncadd.s32 @p4 $0xFFFFFF80;
	s16 =	simm.s32 @p4 $0x80  }
0x87: {  	[spmem:s1] =	stream.indirect.scatter.add.f32 @p4 [tilespmem:s28], [sflag:$0xA], $0x80, s6, s16, $0xb8;
	[tilespmem:$0x1FB80] =	vst v63  }
0x88: {  	s6 =	simm.s32 @!p4 $0x0;
	s16 =	simm.s32 @!p4 $0x4  }
0x89: {  	[tilespmem:s6], [sflag:$0x1] =	stream.linear.gather @!p4 [hbm4b:s17+s6], $0x80, $0x38;
	[tilespmem:$0x1FB80] =	vst v63  }
0x8a: {  	_ =	swait.ge @!p4 [sflag:s16], $0x80  }
0x8b: {  	s28 =	simm.s32 @!p4 $0xA;
	s17 =	simm.s32 @!p4 $0x300;
	[sflag:s16] =	ssyncset.done @!p4 $0x0  }
0x8c: {  	s7 =	simm.s32 @!p4 $0x180;
	[sflag:s16] =	ssyncadd.s32 @!p4 $0xFFFFFF80;
	s16 =	simm.s32 @!p4 $0x80  }
0x8d: {  	[spmem:s1] =	stream.indirect.scatter.add.f32 @!p4 [tilespmem:s17], [sflag:$0xA], $0x80, s7, s16, $0xb8;
	[tilespmem:$0x1FB80] =	vst v63  }
0x8e: {  	_ =	swait.ge @!p4 [sflag:s28], $0x4000  }
0x8f: {  	[sflag:s28] =	ssyncset.done @!p4 $0x0  }
0x90: {  	[sflag:s28] =	ssyncadd.s32 @!p4 $0xFFFFC000;
	s28 =	simm.s32 @!p4 $0x1  }
0x91: {  	[tilespmem:s7], [sflag:$0x4] =	stream.linear.gather @!p4 [hbm4b:s25+s6], $0x80, $0x38;
	[tilespmem:$0x1FB80] =	vst v63  }
0x92: {  	_ =	swait.ge @!p4 [sflag:s28], $0x80  }
0x93: {  	[sflag:s28] =	ssyncset.done @!p4 $0x0  }
0x94: {  	[sflag:s28] =	ssyncadd.s32 @!p4 $0xFFFFFF80  }
0x95: {  	[tilespmem:s17], [sflag:$0x7] =	stream.indirect.gather @!p4 [hbm4b:s3+s16], $0x80, s6, s16, $0xb8;
	[tilespmem:$0x1FB80] =	vst v63  }
0x96: {  	s6 =	sadd.s32 $0xFFFFFFFF, s13;
	_ =	swait.ge [sflag:s23], $0x4000  }
0x97: {  	p4 =	sge.u32 s6, s4;
	[sflag:s23] =	ssyncset.done $0x0  }
0x98: {  	s6 =	simm.s32 @p4 $0x5;
	s7 =	sadd.s32 @!p4 s5, s19;
	[sflag:s23] =	ssyncadd.s32 $0xFFFFC000  }
0x99: {  	s16 =	sadd.s32 @!p4 s5, s18;
	s7 =	sadd.s32 @!p4 $0x800, s7;
	_ =	swait.ge @p4 [sflag:s6], $0x80  }
0x9a: {  	s17 =	simm.s32 @p4 $0x4300;
	s16 =	sadd.s32 @!p4 $0x800, s16;
	[sflag:s6] =	ssyncset.done @p4 $0x0  }
0x9b: {  	s25 =	simm.s32 @p4 $0x200;
	[sflag:s6] =	ssyncadd.s32 @p4 $0xFFFFFF80;
	s6 =	simm.s32 @p4 $0x80  }
0x9c: {  	[spmem:s1] =	stream.indirect.scatter.add.f32 @p4 [tilespmem:s17], [sflag:$0xB], $0x80, s25, s6, $0xb8;
	[tilespmem:$0x1FB80] =	vst v63  }
0x9d: {  	s6 =	simm.s32 @!p4 $0x0;
	s17 =	simm.s32 @!p4 $0x80;
	s25 =	simm.s32 @!p4 $0x5  }
0x9e: {  	[tilespmem:s17], [sflag:$0x2] =	stream.linear.gather @!p4 [hbm4b:s7+s6], $0x80, $0x38;
	[tilespmem:$0x1FB80] =	vst v63  }
0x9f: {  	_ =	swait.ge @!p4 [sflag:s25], $0x80  }
0xa0: {  	s7 =	simm.s32 @!p4 $0xB;
	[sflag:s25] =	ssyncset.done @!p4 $0x0  }
0xa1: {  	s28 =	simm.s32 @!p4 $0x4300;
	[sflag:s25] =	ssyncadd.s32 @!p4 $0xFFFFFF80;
	s25 =	simm.s32 @!p4 $0x200  }
0xa2: {  	[spmem:s1] =	stream.indirect.scatter.add.f32 @!p4 [tilespmem:s28], [sflag:$0xB], $0x80, s25, s17, $0xb8;
	[tilespmem:$0x1FB80] =	vst v63  }
0xa3: {  	_ =	swait.ge @!p4 [sflag:s7], $0x4000  }
0xa4: {  	[sflag:s7] =	ssyncset.done @!p4 $0x0  }
0xa5: {  	[sflag:s7] =	ssyncadd.s32 @!p4 $0xFFFFC000;
	s7 =	simm.s32 @!p4 $0x2  }
0xa6: {  	[tilespmem:s25], [sflag:$0x5] =	stream.linear.gather @!p4 [hbm4b:s16+s6], $0x80, $0x38;
	[tilespmem:$0x1FB80] =	vst v63  }
0xa7: {  	_ =	swait.ge @!p4 [sflag:s7], $0x80  }
0xa8: {  	[sflag:s7] =	ssyncset.done @!p4 $0x0  }
0xa9: {  	[sflag:s7] =	ssyncadd.s32 @!p4 $0xFFFFFF80  }
0xaa: {  	[tilespmem:s28], [sflag:$0x8] =	stream.indirect.gather @!p4 [hbm4b:s3+s17], $0x80, s17, s17, $0xb8;
	[tilespmem:$0x1FB80] =	vst v63  }
0xab: {  	p4 =	sge.u32 s13, s4  }
0xac: {  	_ =	swait.ge [sflag:s26], $0x4000;
	s5 =	sadd.s32 @!p4 s5, s19  }
0xad: {  	s6 =	simm.s32 @!p4 $0x100;
	s7 =	simm.s32 @!p4 $0x0;
	[sflag:s26] =	ssyncset.done $0x0  }
.Ltmp0:
0xae: {  	s5 =	sadd.s32 @!p4 $0xA00, s5;
	[sflag:s26] =	ssyncadd.s32 $0xFFFFC000;
	(pc) =	sbr.rel @p3 .LBB2_2-.Ltmp0, $4  }
0xaf: {  	[tilespmem:s6], [sflag:$0x3] =	stream.linear.gather @!p4 [hbm4b:s5+s7], $0x80, $0x38;
	[tilespmem:$0x1FB80] =	vst v63  }
0xb0: {  	s5 =	smov.u32 s15;
	_ =	swait.ge [sflag:s29], $0x80  }
0xb1: {  	[sflag:s29] =	ssyncset.done $0x0  }
0xb2: {  	s13 =	sadd.s32 $0x3, s13;
	[sflag:s29] =	ssyncadd.s32 $0xFFFFFF80  }
0xb3: {  	[spmem:s1] =	stream.indirect.scatter.add.f32 [tilespmem:s0], [sflag:$0xC], $0x80, s30, s20, $0xb8;
	[tilespmem:$0x1FB80] =	vst v63  }
0xb4: {  	s6 =	simm.s32 @!p2 $0xC  }
0xb5: {  	_ =	swait.ge @!p2 [sflag:s6], $0x4000  }
0xb6: {  	s7 =	sadd.s32 s5, s18;
	[sflag:s6] =	ssyncset.done @!p2 $0x0  }
0xb7: {  	s7 =	sadd.s32 $0x400, s7;
	[sflag:s6] =	ssyncadd.s32 @!p2 $0xFFFFC000  }
0xb8: {  	[tilespmem:s30], [sflag:$0x6] =	stream.linear.gather [hbm4b:s7+s2], $0x80, $0x38;
	[tilespmem:$0x1FB80] =	vst v63  }
0xb9: {  	_ =	swait.ge [sflag:s31], $0x80  }
0xba: {  	[sflag:s31] =	ssyncset.done $0x0  }
0xbb: {  	[sflag:s31] =	ssyncadd.s32 $0xFFFFFF80  }
0xbc: {  	[tilespmem:s0], [sflag:$0x9] =	stream.indirect.gather [hbm4b:s3+s20], $0x80, s21, s20, $0xb8;
	[tilespmem:$0x1FB80] =	vst v63  }
0xbd: {  	s14 =	sadd.s32 $0xFFFFFFFE, s13;
	_ =	swait.ge [sflag:s22], $0x4000  }
0xbe: {  	p2 =	sge.u32 s14, s4;
	[sflag:s22] =	ssyncset.done $0x0  }
0xbf: {  	s6 =	simm.s32 @p2 $0x4;
	[sflag:s22] =	ssyncadd.s32 $0xFFFFC000  }
0xc0: {  	_ =	swait.ge @p2 [sflag:s6], $0x80  }
0xc1: {  	s7 =	sadd.s32 @!p2 s5, s19;
	s14 =	simm.s32 @p2 $0x300;
	[sflag:s6] =	ssyncset.done @p2 $0x0  }
0xc2: {  	s15 =	simm.s32 @p2 $0x180;
	[sflag:s6] =	ssyncadd.s32 @p2 $0xFFFFFF80;
	s6 =	simm.s32 @p2 $0x80  }
0xc3: {  	[spmem:s1] =	stream.indirect.scatter.add.f32 @p2 [tilespmem:s14], [sflag:$0xA], $0x80, s15, s6, $0xb8;
	[tilespmem:$0x1FB80] =	vst v63  }
0xc4: {  	s6 =	sadd.s32 @!p2 $0x600, s7;
	s7 =	simm.s32 @!p2 $0x0;
	s14 =	simm.s32 @!p2 $0x4  }
0xc5: {  	[tilespmem:s7], [sflag:$0x1] =	stream.linear.gather @!p2 [hbm4b:s6+s7], $0x80, $0x38;
	[tilespmem:$0x1FB80] =	vst v63  }
0xc6: {  	_ =	swait.ge @!p2 [sflag:s14], $0x80  }
0xc7: {  	s16 =	simm.s32 @!p2 $0x180;
	s15 =	simm.s32 @!p2 $0xA;
	[sflag:s14] =	ssyncset.done @!p2 $0x0  }
0xc8: {  	s6 =	simm.s32 @!p2 $0x300;
	[sflag:s14] =	ssyncadd.s32 @!p2 $0xFFFFFF80;
	s14 =	simm.s32 @!p2 $0x80  }
0xc9: {  	[spmem:s1] =	stream.indirect.scatter.add.f32 @!p2 [tilespmem:s6], [sflag:$0xA], $0x80, s16, s14, $0xb8;
	[tilespmem:$0x1FB80] =	vst v63  }
0xca: {  	_ =	swait.ge @!p2 [sflag:s15], $0x4000  }
0xcb: {  	s17 =	sadd.s32 @!p2 s5, s18;
	[sflag:s15] =	ssyncset.done @!p2 $0x0  }
0xcc: {  	s17 =	sadd.s32 @!p2 $0x600, s17;
	[sflag:s15] =	ssyncadd.s32 @!p2 $0xFFFFC000;
	s15 =	simm.s32 @!p2 $0x1  }
0xcd: {  	[tilespmem:s16], [sflag:$0x4] =	stream.linear.gather @!p2 [hbm4b:s17+s7], $0x80, $0x38;
	[tilespmem:$0x1FB80] =	vst v63  }
0xce: {  	_ =	swait.ge @!p2 [sflag:s15], $0x80  }
0xcf: {  	[sflag:s15] =	ssyncset.done @!p2 $0x0  }
0xd0: {  	[sflag:s15] =	ssyncadd.s32 @!p2 $0xFFFFFF80  }
0xd1: {  	[tilespmem:s6], [sflag:$0x7] =	stream.indirect.gather @!p2 [hbm4b:s3+s14], $0x80, s7, s14, $0xb8;
	[tilespmem:$0x1FB80] =	vst v63  }
0xd2: {  	s15 =	sadd.s32 $0xFFFFFFFF, s13;
	_ =	swait.ge [sflag:s23], $0x4000  }
0xd3: {  	p2 =	sge.u32 s15, s4;
	[sflag:s23] =	ssyncset.done $0x0  }
0xd4: {  	s6 =	simm.s32 @p2 $0x5;
	[sflag:s23] =	ssyncadd.s32 $0xFFFFC000  }
0xd5: {  	s7 =	sadd.s32 @!p2 s5, s19;
	_ =	swait.ge @p2 [sflag:s6], $0x80  }
0xd6: {  	s14 =	simm.s32 @p2 $0x4300;
	s15 =	simm.s32 @p2 $0x200;
	[sflag:s6] =	ssyncset.done @p2 $0x0  }
0xd7: {  	s7 =	sadd.s32 @!p2 $0x800, s7;
	[sflag:s6] =	ssyncadd.s32 @p2 $0xFFFFFF80;
	s6 =	simm.s32 @p2 $0x80  }
0xd8: {  	[spmem:s1] =	stream.indirect.scatter.add.f32 @p2 [tilespmem:s14], [sflag:$0xB], $0x80, s15, s6, $0xb8;
	[tilespmem:$0x1FB80] =	vst v63  }
0xd9: {  	s6 =	simm.s32 @!p2 $0x0;
	s14 =	simm.s32 @!p2 $0x80;
	s15 =	simm.s32 @!p2 $0x5  }
0xda: {  	[tilespmem:s14], [sflag:$0x2] =	stream.linear.gather @!p2 [hbm4b:s7+s6], $0x80, $0x38;
	[tilespmem:$0x1FB80] =	vst v63  }
0xdb: {  	_ =	swait.ge @!p2 [sflag:s15], $0x80  }
0xdc: {  	s16 =	simm.s32 @!p2 $0x4300;
	[sflag:s15] =	ssyncset.done @!p2 $0x0  }
0xdd: {  	s7 =	simm.s32 @!p2 $0xB;
	[sflag:s15] =	ssyncadd.s32 @!p2 $0xFFFFFF80;
	s15 =	simm.s32 @!p2 $0x200  }
0xde: {  	[spmem:s1] =	stream.indirect.scatter.add.f32 @!p2 [tilespmem:s16], [sflag:$0xB], $0x80, s15, s14, $0xb8;
	[tilespmem:$0x1FB80] =	vst v63  }
0xdf: {  	_ =	swait.ge @!p2 [sflag:s7], $0x4000  }
0xe0: {  	s17 =	sadd.s32 @!p2 s5, s18;
	[sflag:s7] =	ssyncset.done @!p2 $0x0  }
0xe1: {  	[sflag:s7] =	ssyncadd.s32 @!p2 $0xFFFFC000;
	s7 =	sadd.s32 @!p2 $0x800, s17  }
0xe2: {  	[tilespmem:s15], [sflag:$0x5] =	stream.linear.gather @!p2 [hbm4b:s7+s6], $0x80, $0x38;
	[tilespmem:$0x1FB80] =	vst v63  }
0xe3: {  	s6 =	simm.s32 @!p2 $0x2  }
0xe4: {  	_ =	swait.ge @!p2 [sflag:s6], $0x80  }
0xe5: {  	[sflag:s6] =	ssyncset.done @!p2 $0x0  }
0xe6: {  	[sflag:s6] =	ssyncadd.s32 @!p2 $0xFFFFFF80  }
0xe7: {  	[tilespmem:s16], [sflag:$0x8] =	stream.indirect.gather @!p2 [hbm4b:s3+s14], $0x80, s14, s14, $0xb8;
	[tilespmem:$0x1FB80] =	vst v63  }
0xe8: {  	p2 =	sge.u32 s13, s4;
	_ =	swait.ge [sflag:s26], $0x4000  }
0xe9: {  	s5 =	sadd.s32 @!p2 s5, s19;
	s6 =	simm.s32 @!p2 $0x100;
	[sflag:s26] =	ssyncset.done $0x0  }
0xea: {  	s7 =	simm.s32 @!p2 $0x0;
	s5 =	sadd.s32 @!p2 $0xA00, s5;
	[sflag:s26] =	ssyncadd.s32 $0xFFFFC000  }
0xeb: {  	[tilespmem:s6], [sflag:$0x3] =	stream.linear.gather @!p2 [hbm4b:s5+s7], $0x80, $0x38;
	[tilespmem:$0x1FB80] =	vst v63  }
0xec: {  	_ =	swait.ge [sflag:s29], $0x80  }
0xed: {  	[sflag:s29] =	ssyncset.done $0x0  }
0xee: {  	s5 =	simm.s32 @!p1 $0x7;
	[sflag:s29] =	ssyncadd.s32 $0xFFFFFF80  }
0xef: {  	[spmem:s1] =	stream.indirect.scatter.add.f32 [tilespmem:s0], [sflag:$0xC], $0x80, s30, s20, $0xb8;
	[tilespmem:$0x1FB80] =	vst v63  }
0xf0: {  	_ =	swait.ge @!p1 [sflag:s5], $0x4000  }
0xf1: {  	[sflag:s5] =	ssyncset.done @!p1 $0x0  }
0xf2: {  	[sflag:s5] =	ssyncadd.s32 @!p1 $0xFFFFC000;
	s5 =	simm.s32 @!p1 $0x4  }
0xf3: {  	_ =	swait.ge @!p1 [sflag:s5], $0x80  }
0xf4: {  	s16 =	simm.s32 $0xA;
	s6 =	simm.s32 @!p1 $0x180;
	[sflag:s5] =	ssyncset.done @!p1 $0x0  }
0xf5: {  	s7 =	simm.s32 @!p1 $0x300;
	[sflag:s5] =	ssyncadd.s32 @!p1 $0xFFFFFF80;
	s5 =	simm.s32 @!p1 $0x80  }
0xf6: {  	[spmem:s1] =	stream.indirect.scatter.add.f32 @!p1 [tilespmem:s7], [sflag:$0xA], $0x80, s6, s5, $0xb8;
	[tilespmem:$0x1FB80] =	vst v63  }
0xf7: {  	_ =	swait.ge [sflag:s16], $0x4000  }
0xf8: {  	[sflag:s16] =	ssyncset.done $0x0  }
0xf9: {  	s17 =	simm.s32 $0xB;
	[sflag:s16] =	ssyncadd.s32 $0xFFFFC000  }
0xfa: {  	_ =	swait.ge [sflag:s17], $0x4000  }
0xfb: {  	[sflag:s17] =	ssyncset.done $0x0  }
0xfc: {  	[sflag:s17] =	ssyncadd.s32 $0xFFFFC000  }
0xfd: {  	_ =	swait.ge [sflag:s8], $0x4000  }
0xfe: {  	[sflag:s8] =	ssyncset.done $0x0  }
0xff: {  	[sflag:s8] =	ssyncadd.s32 $0xFFFFC000  }
0x100: {  	[bflag:$0x0] =	sbarrier.arrive $0xFFFF  }
0x101: {  	s25 =	rddreg [dreg:$0xd]  }
0x102: {  	[hbm:s25], [sflag:s12] =	dma.local [spmem:s10], $0x2700  }
0x103: {  	_ =	swait.ge [sflag:s24], $0x2700  }
0x104: {  	[sflag:s24] =	ssyncset.done $0x0  }
0x105: {  	s5 =	rddreg [dreg:$0xe];
	[sflag:s24] =	ssyncadd.s32 $0xFFFFD900  }
0x106: {  	[hbm:s5], [sflag:s12] =	dma.local @!p0 [spmem:s11], $0x100  }
0x107: {  	s5 =	simm.s32 @!p0 $0xD  }
0x108: {  	_ =	swait.ge @!p0 [sflag:s5], $0x100  }
0x109: {  	s9 =	sadd.s32 $0x1, s9;
	s28 =	rddreg [dreg:$0xf]  }
0x10a: {  	p2 =	sne.s32 s9, s28  }
.Ltmp1:
0x10b: {  	_ = 	snop;
	(pc) =	sbr.rel @p2 .LBB2_1-.Ltmp1, $3  }
0x10c: {  	_ =	sdelay $0x1  }
0x10d: {  	[sflag:s5] =	ssyncset.done @!p0 $0x0  }
0x10e: {  	[sflag:s5] =	ssyncadd.s32 @!p0 $0xFFFFFF00  }
0x10f: {  	_ =	sfence.sel $0x180000  }
0x110: {  	[bflag:$0x0] =	sbarrier.arrive $0xFFFF  }
0x111: {  	_ =	strace $0x9000004A  }
0x112: {  	[bflag:$0x2] =	sbarrier.arrive $0xFFFF  }
0x113: {  	s0 =	rddreg [dreg:$0x3]  }
0x114: {  	s0 =	sadd.s32 @!p0 $0x100000, s0  }
0x115: {  	[sflag:s0] =	ssyncadd.tile.s32 @!p0 $0x1;
	_ =	shalt  }
.Lfunc_end2:
_tile_overlayer_lowered:
.L_overlay_start_2:
0x116: {  	(tag) =	ssettag $0x2  }
0x117: {  	s0 =	rddreg [dreg:$0x0];
	s2 =	stileid.u32  }
0x118: {  	s1 =	rddreg [dreg:$0x1];
	p0 =	sne.s32 s2, $0x0  }
0x119: {  	s3 =	rddreg [dreg:$0x2];
	[bflag:$0x3] =	sbarrier.arrive $0xFFFF;
	s2 =	simm.s32 @!p0 $0x1C0D  }
0x11a: {  	[timem:s3], [sflag:s2] =	dma.local @!p0 [hbm:s0], s1  }
0x11b: {  	s0 =	simm.s32 @!p0 $0xD  }
0x11c: {  	_ =	swait.ge @!p0 [sflag:s0], s1  }
0x11d: {  	s1 =	ssub.s32 @!p0 $0x0, s1;
	[sflag:s0] =	ssyncset.done @!p0 $0x0  }
0x11e: {  	[sflag:s0] =	ssyncadd.s32 @!p0 s1  }
0x11f: {  	[bflag:$0x3] =	sbarrier.arrive $0xFFFF  }
0x120: {  	_ =	shalt  }

// kernel: kernel.14.cloned.1.call-start
scs
__scs_entry_jumppad:
0x0: {  	(pc) =	sbr.rel $0x88, $3  }
0x1: {  	(tag) =	ssettag $0x0;
	lr =	simm.s32 $0x1  }
0x2: {  	[smem:$0x3F99] =	sst lr;
	_ =	strace $0xD0000000  }
0x3: {  	_ = 	snop  }
0x4: {  	_ = 	snop  }
0x5: {  	_ = 	snop  }
0x6: {  	_ = 	snop  }
0x7: {  	_ = 	snop  }
__scs_overlays_trampoline_lowered:
0x8: {  	[smem:$0x3FA8] =	sst s0  }
0x9: {  	[smem:$0x3FA9] =	sst s1  }
0xa: {  	[smem:$0x3FAA] =	sst s2  }
0xb: {  	[smem:$0x3FAB] =	sst s3  }
0xc: {  	[smem:$0x3FAC] =	sst s4  }
0xd: {  	[smem:$0x3FAD] =	sst s5  }
0xe: {  	[smem:$0x3FAE] =	sst s6  }
0xf: {  	[smem:$0x3FAF] =	sst s7  }
0x10: {  	[smem:$0x3FB0] =	sst s8  }
0x11: {  	[smem:$0x3FB1] =	sst s9;
	s0 =	simm.s32 @!p0 $0x0  }
0x12: {  	s1 =	sld [smem:$0x3F97];
	s0 =	simm.s32 @p0 $0x1  }
0x13: {  	[smem:$0x3FB2] =	sst s0;
	s0 =	simm.s32 @!p1 $0x0  }
0x14: {  	s2 =	sld [smem:$0x3F96];
	s0 =	simm.s32 @p1 $0x1  }
0x15: {  	[smem:$0x3FB3] =	sst s0;
	s0 =	simm.s32 @!p2 $0x0  }
0x16: {  	s3 =	sld [smem:$0x3FDB];
	s0 =	simm.s32 @p2 $0x1  }
0x17: {  	s4 =	simm.s32 $0x1BF5;
	[smem:$0x3FB5] =	sst s0  }
0x18: {  	s0 =	sld [smem:$0x3F98];
	_ =	swait.ge [sflag:s4], $0x0  }
0x19: {  	s7 =	sld [smem:$0x3F99]  }
0x1a: {  	s8 =	sadd.s32 $0xFFFFE003, lr  }
0x1b: {  	s9 =	sadd.s32 $0xFFFFFEF7, lr;
	s5 =	simm.s32 $0xFFFFFFFF;
	p2 =	slt.u32 s8, $0xFFFFF086  }
0x1c: {  	p1 =	slt.u32 s9, $0xF7A;
	s5 =	simm.s32 @!p2 $0x0  }
0x1d: {  	s5 =	simm.s32 @p1 $0x1;
	p0 =	seq.s32 s7, s2  }
0x1e: {  	s7 =	smul.u32 @!p0 $0xF7A, s2;
	p2 =	seq.s32 @!p0 s5, $0x0  }
0x1f: {  	s9 =	smul.u32 $0xF7A, s1;
	s8 =	simm.s32 @!p0 $0x1BF5;
	p2 =	por !p2, p0  }
0x20: {  	[sflag:s8] =	ssyncset.s32 @!p0 $0xFFFFF086;
	s6 =	sadd.s32 @!p0 s3, s7;
	s7 =	simm.s32 @!p0 $0x108  }
0x21: {  	s3 =	sadd.s32 s3, s9;
	s6 =	sadd.s32 @!p0 $0x88, s6;
	s7 =	simm.s32 @p2 $0x1082  }
0x22: {  	[simem:s7], [sflag:s8] =	dma.local @!p0 [hbm:s6], $0xF7A  }
0x23: {  	s9 =	sor.u32 $0xD0000000, s2;
	s6 =	simm.s32 $0x108;
	_ =	swait.ge @!p0 [sflag:s8], $0x0  }
0x24: {  	s3 =	sadd.s32 $0x88, s3;
	s6 =	simm.s32 @!p1 $0x1082;
	[sflag:s4] =	ssyncset.s32 $0xFFFFF086  }
0x25: {  	[simem:s6], [sflag:s4] =	dma.local [hbm:s3], $0xF7A  }
0x26: {  	[smem:$0x3F99] =	sst s1;
	(tag) =	ssettag s2;
	_ =	strace s9  }
0x27: {  	s1 =	sld [smem:$0x3FA9]  }
0x28: {  	s2 =	sld [smem:$0x3FAA]  }
0x29: {  	s4 =	sld [smem:$0x3FAC]  }
0x2a: {  	p0 =	seq.s32 s5, $0x0;
	s5 =	sld [smem:$0x3FAD]  }
0x2b: {  	s6 =	sld [smem:$0x3FAE]  }
0x2c: {  	s7 =	sld [smem:$0x3FAF]  }
0x2d: {  	s3 =	simm.s32 $0x108;
	s8 =	sld [smem:$0x3FB0]  }
0x2e: {  	s3 =	simm.s32 @!p0 $0x1082;
	s9 =	sld [smem:$0x3FB1]  }
0x2f: {  	lr =	sadd.s32 s0, s3;
	s0 =	sld [smem:$0x3FA8]  }
0x30: {  	s3 =	sld [smem:$0x3FAB]  }
0x31: {  	[smem:$0x3FB4] =	sst s10  }
0x32: {  	s10 =	sld [smem:$0x3FB2];
	_ =	sdelay $0x3  }
0x33: {  	p0 =	seq.s32 s10, $0x1;
	s10 =	sld [smem:$0x3FB4];
	_ =	sdelay $0x3  }
0x34: {  	[smem:$0x3FB4] =	sst s10  }
0x35: {  	s10 =	sld [smem:$0x3FB3];
	_ =	sdelay $0x3  }
0x36: {  	p1 =	seq.s32 s10, $0x1;
	s10 =	sld [smem:$0x3FB4];
	_ =	sdelay $0x3  }
0x37: {  	[smem:$0x3FB4] =	sst s10  }
0x38: {  	s10 =	sld [smem:$0x3FB5]  }
0x39: {  	_ = 	snop;
	(pc) =	sbr.ind lr, $3  }
0x3a: {  	_ = 	snop  }
0x3b: {  	_ = 	snop  }
0x3c: {  	p2 =	seq.s32 s10, $0x1;
	s10 =	sld [smem:$0x3FB4]  }
0x3d: {  	_ =	shalt  }
0x3e: {  	_ =	shalt  }
0x3f: {  	_ =	shalt  }
0x40: {  	_ =	shalt  }
0x41: {  	_ =	shalt  }
0x42: {  	_ =	shalt  }
0x43: {  	_ =	shalt  }
0x44: {  	_ =	shalt  }
0x45: {  	_ =	shalt  }
0x46: {  	_ =	shalt  }
0x47: {  	_ =	shalt  }
0x48: {  	_ =	shalt  }
0x49: {  	_ =	shalt  }
0x4a: {  	_ =	shalt  }
0x4b: {  	_ =	shalt  }
0x4c: {  	_ =	shalt  }
0x4d: {  	_ =	shalt  }
0x4e: {  	_ =	shalt  }
0x4f: {  	_ =	shalt  }
0x50: {  	_ =	shalt  }
0x51: {  	_ =	shalt  }
0x52: {  	_ =	shalt  }
0x53: {  	_ =	shalt  }
0x54: {  	_ =	shalt  }
0x55: {  	_ =	shalt  }
0x56: {  	_ =	shalt  }
0x57: {  	_ =	shalt  }
0x58: {  	_ =	shalt  }
0x59: {  	_ =	shalt  }
0x5a: {  	_ =	shalt  }
0x5b: {  	_ =	shalt  }
0x5c: {  	_ =	shalt  }
0x5d: {  	_ =	shalt  }
0x5e: {  	_ =	shalt  }
0x5f: {  	_ =	shalt  }
0x60: {  	_ =	shalt  }
0x61: {  	_ =	shalt  }
0x62: {  	_ =	shalt  }
0x63: {  	_ =	shalt  }
0x64: {  	_ =	shalt  }
0x65: {  	_ =	shalt  }
0x66: {  	_ =	shalt  }
0x67: {  	_ =	shalt  }
0x68: {  	_ =	shalt  }
0x69: {  	_ =	shalt  }
0x6a: {  	_ =	shalt  }
0x6b: {  	_ =	shalt  }
0x6c: {  	_ =	shalt  }
0x6d: {  	_ =	shalt  }
0x6e: {  	_ =	shalt  }
0x6f: {  	_ =	shalt  }
0x70: {  	_ =	shalt  }
0x71: {  	_ =	shalt  }
0x72: {  	_ =	shalt  }
0x73: {  	_ =	shalt  }
0x74: {  	_ =	shalt  }
0x75: {  	_ =	shalt  }
0x76: {  	_ =	shalt  }
0x77: {  	_ =	shalt  }
0x78: {  	_ =	shalt  }
0x79: {  	_ =	shalt  }
0x7a: {  	_ =	shalt  }
0x7b: {  	_ =	shalt  }
0x7c: {  	_ =	shalt  }
0x7d: {  	_ =	shalt  }
0x7e: {  	_ =	shalt  }
0x7f: {  	_ =	shalt  }
0x80: {  	_ =	shalt  }
0x81: {  	_ =	shalt  }
0x82: {  	_ =	shalt  }
0x83: {  	_ =	shalt  }
0x84: {  	_ =	shalt  }
0x85: {  	_ =	shalt  }
0x86: {  	_ =	shalt  }
0x87: {  	_ =	shalt  }
.Lfunc_end0:
.L_simem_size_0:
called_computation.2_lowered:
.L_overlay_start_0:
0x88: {  	s2 =	sld [smem:$0x3FD9]  }
0x89: {  	s3 =	sld [smem:$0x3FFE];
	_ =	sdelay $0x1  }
0x8a: {  	s1 =	srdreg.scid  }
0x8b: {  	s0 =	sand.u32 $0x1, s1  }
0x8c: {  	s17 =	sshll.u32 s0, $0xA;
	s2 =	sadd.s32 s3, s2  }
0x8d: {  	s2 =	sadd.s32 s2, s17  }
0x8e: {  	[smem:$0x3FC0] =	sst s2  }
0x8f: {  	_ = 	snop  }
0x90: {  	s2 =	sld [smem:$0x3FD0];
	(tm) =	ssettm $0x1  }
0x91: {  	s18 =	sld [smem:$0x3FFB];
	_ =	sdelay $0x3  }
0x92: {  	_ =	strace s18  }
0x93: {  	s3 =	sld [smem:$0x3FFC];
	_ =	sdelay $0x3  }
0x94: {  	_ =	strace s3  }
0x95: {  	s3 =	sld [smem:$0x3FFD];
	_ =	sdelay $0x3  }
0x96: {  	_ =	strace s3  }
0x97: {  	_ =	strace $0x8FFFFFFF  }
0x98: {  	s19 =	sld [smem:$0x3FDB];
	_ =	sdelay $0x1  }
0x99: {  	s4 =	simm.s32 $_scs_section_size  }
0x9a: {  	s5 =	simm.s32 $_size__tile_overlayer_lowered;
	s6 =	simm.s32 $_tile_overlayer_lowered  }
0x9b: {  	s22 =	simm.s32 $0x1BFF;
	s21 =	sshll.u32 s6, $0x1;
	s3 =	sadd.s32 s4, s19  }
0x9c: {  	s7 =	simm.s32 $0x0;
	s20 =	sshll.u32 s5, $0x1;
	s5 =	sadd.s32 s21, s3  }
0x9d: {  	[timem:s7], [sflag:s22] =	dma.local [hbm:s5], s20  }
0x9e: {  	_ =	swait.ge [sflag:s22], s20  }
0x9f: {  	s4 =	ssub.s32 $0x0, s20;
	[sflag:s22] =	ssyncset.done $0x0  }
0xa0: {  	[sflag:s22] =	ssyncadd.s32 s4;
	_ =	sdelay $0x1  }
0xa1: {  	s23 =	simm.s32 $0x1B8B  }
0xa2: {  	_ =	swait.ge [sflag:s23], $0x1  }
0xa3: {  	[sflag:s23] =	ssyncset.done $0x0  }
0xa4: {  	s25 =	simm.s32 $0x1B8E;
	s24 =	sld [smem:$0x3FFE];
	[sflag:s23] =	ssyncadd.s32 $0xFFFFFFFF  }
0xa5: {  	s26 =	simm.s32 $execute0_lowered;
	[smem:$0x3FD2] =	sst s25  }
0xa6: {  	s5 =	sshll.u32 s26, $0x1;
	_ =	strace $0x8000004C;
	[dreg:$0x1] =	wrdreg $0xFFFFFFFF  }
0xa7: {  	s28 =	simm.s32 $_size_execute0_lowered;
	s3 =	sadd.s32 s3, s5;
	[dreg:$0x0] =	wrdreg $0x0  }
0xa8: {  	s5 =	sshll.u32 s28, $0x1;
	[dreg:$0x2] =	wrdreg s3  }
0xa9: {  	[dreg:$0x3] =	wrdreg s5  }
0xaa: {  	[dreg:$0x4] =	wrdreg $0xC0  }
0xab: {  	_ =	task [dreg:s7], $0x5FFFF  }
0xac: {  	[dreg:$0x1] =	wrdreg $0xFFFFFFFF  }
0xad: {  	[dreg:$0x0] =	wrdreg $0x60  }
0xae: {  	[dreg:$0x2] =	wrdreg s24  }
0xaf: {  	[dreg:$0x3] =	wrdreg s2  }
0xb0: {  	[dreg:$0x4] =	wrdreg $0xC3000  }
0xb1: {  	[dreg:$0x5] =	wrdreg $0x9  }
0xb2: {  	_ =	task.clear_ibuf [dreg:s7], $0x6FFFF;
	_ =	strace $0x9000004C  }
0xb3: {  	s29 =	simm.s32 $0x9;
	_ =	strace $0x8000004E  }
0xb4: {  	_ =	swait.ge [sflag:s29], $0x1  }
0xb5: {  	[sflag:s29] =	ssyncadd.s32 $0xFFFFFFFF  }
0xb6: {  	_ =	strace $0x9000004E  }
0xb7: {  	_ =	sfence  }
0xb8: {  	s30 =	sld [smem:$0x0];
	_ =	sdelay $0x2  }
0xb9: {  	s31 =	sshll.u32 s1, $0xD;
	s1 =	sshrl.u32 s1, $0x2  }
0xba: {  	s3 =	sand.u32 $0x4000, s31;
	s1 =	sadd.s32 s1, s30  }
0xbb: {  	s0 =	sor.u32 s3, s0;
	s1 =	sshll.u32 s1, $0x11  }
0xbc: {  	s0 =	sor.u32 s1, s0  }
0xbd: {  	s0 =	sadd.s32 $0x8F2B, s0  }
0xbe: {  	[sflag:s0] =	ssyncadd.remote.s32 $0x1  }
0xbf: {  	_ =	sfence.sel $0xFFFF  }
0xc0: {  	[dreg:$0x0] =	wrdreg $0xFFFFFFFF;
	(pc) =	sbr.abs _section_cstart, $3  }
0xc1: {  	[dreg:$0x1] =	wrdreg $0xFFFFFFFF  }
0xc2: {  	_ =	task.clear_ibuf [dreg:s7], $0x2FFFF;
	_ =	strace $0x9FFFFFFF  }
0xc3: {  	(tm) =	ssettm $0x7FFFFFFF  }
tec
execute0_lowered:
.L_overlay_start_1:
0x0: {  	(tag) =	ssettag $0x1  }
0x1: {  	s0 =	rddreg [dreg:$0x0]  }
0x2: {  	s5 =	rddreg [dreg:$0x1]  }
0x3: {  	s1 =	rddreg [dreg:$0x2];
	s2 =	simm.s32 $0x0  }
0x4: {  	s6 =	stileid.u32;
	s4 =	srdreg.scid;
	s30 =	simm.s32 $0x280  }
0x5: {  	s31 =	simm.s32 $0x3;
	s29 =	simm.s32 $0x6;
	[smem:$0x7FF] =	sst s2  }
0x6: {  	s7 =	smul.u32 $0x13800, s6;
	s3 =	sadd.s32 $0x5A600, s0;
	s8 =	sadd.s32 $0x2400, s0  }
0x7: {  	s9 =	sand.u32 $0x1, s4;
	s11 =	sshll.u32 s6, $0x1;
	s13 =	sadd.s32 $0x81800, s0  }
0x8: {  	s15 =	smul.u32 $0x4E000, s6;
	s23 =	sshll.u32 s6, $0x6;
	s28 =	sadd.s32 $0x138000, s1  }
0x9: {  	p0 =	sne.s32 s6, $0x0;
	_ =	strace $0x8000004D;
	s10 =	ssub.s32 $0x2, s9  }
0xa: {  	s11 =	sor.u32 s9, s11;
	s25 =	smul.u32 $0x138800, s9;
	[dreg:$0xb] =	wrdreg s28  }
0xb: {  	s17 =	sshrl.u32 s7, $0x3;
	s18 =	sshrl.u32 s10, $0x1;
	s14 =	sshll.u32 s11, $0x4  }
0xc: {  	s19 =	ssub.s32 $0x9E3, s11;
	s15 =	sshrl.u32 s15, $0x2;
	s16 =	sadd.s32 s5, s14  }
0xd: {  	s20 =	sor.u32 $0x200, s14;
	s14 =	sadd.s32 s8, s14;
	[dreg:$0x4] =	wrdreg s16  }
0xe: {  	s12 =	sadd.s32 s17, s0;
	s22 =	sadd.s32 s15, s1;
	[dreg:$0x7] =	wrdreg s14  }
0xf: {  	s10 =	ssub.s32 s10, s18;
	s0 =	sadd.s32 $0x33200, s0;
	[dreg:$0x9] =	wrdreg s22  }
0x10: {  	s4 =	sshrl.u32 s19, $0x5;
	s17 =	sadd.s32 s5, s20;
	[dreg:$0xc] =	wrdreg s0  }
0x11: {  	s16 =	sadd.s32 $0x400, s16;
	s21 =	smul.u32 $0x56, s4;
	[dreg:$0x5] =	wrdreg s17  }
0x12: {  	s11 =	sadd.s32 s8, s20;
	s12 =	sadd.s32 $0xC200, s12;
	[dreg:$0x6] =	wrdreg s16  }
0x13: {  	s20 =	sshrl.u32 s25, $0x3;
	s22 =	sshll.u32 s6, $0x5;
	[dreg:$0x8] =	wrdreg s11  }
0x14: {  	[dreg:$0xa] =	wrdreg s12;
	s12 =	sor.u32 $0x1C0D, s23;
	s16 =	sadd.s32 s7, s25  }
0x15: {  	s23 =	sadd.s32 s22, s8;
	s25 =	smax.u32 s10, $0x1;
	s8 =	simm.s32 $0xC  }
0x16: {  	s24 =	sshrl.u32 s21, $0x8;
	s0 =	sshrl.u32 s16, $0x3;
	s21 =	sadd.s32 s13, s20  }
0x17: {  	[dreg:$0xf] =	wrdreg s25;
	s20 =	simm.s32 $0x80;
	s26 =	smul.u32 $0x3, s24  }
0x18: {  	s0 =	sadd.s32 s13, s0;
	s24 =	sshll.u32 s9, $0x4;
	s9 =	simm.s32 $0x0  }
0x19: {  	[dreg:$0xd] =	wrdreg s0;
	s0 =	sadd.s32 $0x27000, s21;
	s18 =	sadd.s32 s24, s23  }
0x1a: {  	s21 =	simm.s32 $0x100;
	s23 =	simm.s32 $0x8;
	s17 =	ssub.s32 s4, s26  }
0x1b: {  	[dreg:$0xe] =	wrdreg s0;
	s26 =	sadd.s32 s22, s5;
	s0 =	simm.s32 $0x8300  }
0x1c: {  	s22 =	simm.s32 $0x7;
	s19 =	sadd.s32 s24, s26;
	s28 =	sand.u32 $0xFF, s17  }
0x1d: {  	s24 =	simm.s32 $0xD;
	s26 =	simm.s32 $0x9;
	p1 =	sne.s32 s28, $0x1  }
.LBB2_1:
0x1e: {  	s5 =	rddreg [dreg:$0x4]  }
0x1f: {  	s28 =	rddreg [dreg:$0x5]  }
0x20: {  	[tilespmem:s2], [sflag:$0x1] =	stream.linear.gather [hbm4b:s5+s2], $0x80, $0x38;
	[tilespmem:$0x1FB80] =	vst v63  }
0x21: {  	s6 =	rddreg [dreg:$0x6]  }
0x22: {  	[tilespmem:s20], [sflag:$0x2] =	stream.linear.gather [hbm4b:s28+s2], $0x80, $0x38;
	[tilespmem:$0x1FB80] =	vst v63  }
0x23: {  	s7 =	rddreg [dreg:$0x7]  }
0x24: {  	[tilespmem:s21], [sflag:$0x3] =	stream.linear.gather [hbm4b:s6+s2], $0x80, $0x38;
	[tilespmem:$0x1FB80] =	vst v63  }
0x25: {  	s10 =	rddreg [dreg:$0x8];
	s6 =	simm.s32 $0x180  }
0x26: {  	[tilespmem:s6], [sflag:$0x4] =	stream.linear.gather [hbm4b:s7+s2], $0x80, $0x38;
	[tilespmem:$0x1FB80] =	vst v63  }
0x27: {  	s11 =	simm.s32 $0x200;
	s13 =	rddreg [dreg:$0x9]  }
0x28: {  	[tilespmem:s11], [sflag:$0x5] =	stream.linear.gather [hbm4b:s10+s2], $0x80, $0x38;
	[tilespmem:$0x1FB80] =	vst v63  }
0x29: {  	s14 =	rddreg [dreg:$0xa];
	s10 =	sshrl.u32 s13, $0x3  }
0x2a: {  	[spmem:s10], [sflag:s12] =	dma.local [hbm:s14], $0x2700  }
0x2b: {  	_ =	swait.ge [sflag:s24], $0x2700  }
0x2c: {  	[sflag:s24] =	ssyncset.done $0x0;
	s5 =	rddreg [dreg:$0xb]  }
0x2d: {  	[sflag:s24] =	ssyncadd.s32 $0xFFFFD900;
	s11 =	sshrl.u32 @!p0 s5, $0x3;
	s5 =	rddreg [dreg:$0xc]  }
0x2e: {  	[spmem:s11], [sflag:s12] =	dma.local @!p0 [hbm:s5], $0x100  }
0x2f: {  	s5 =	simm.s32 @!p0 $0xD  }
0x30: {  	_ =	swait.ge @!p0 [sflag:s5], $0x100  }
0x31: {  	[sflag:s5] =	ssyncset.done @!p0 $0x0  }
0x32: {  	[sflag:s5] =	ssyncadd.s32 @!p0 $0xFFFFFF00  }
0x33: {  	s15 =	simm.s32 $0x1;
	[bflag:$0x0] =	sbarrier.arrive $0xFFFF  }
0x34: {  	_ =	swait.ge [sflag:s15], $0x80  }
0x35: {  	[sflag:s15] =	ssyncset.done $0x0  }
0x36: {  	s16 =	simm.s32 $0x300;
	s17 =	simm.s32 $0x2;
	[sflag:s15] =	ssyncadd.s32 $0xFFFFFF80  }
0x37: {  	[tilespmem:s16], [sflag:$0x7] =	stream.indirect.gather [hbm4b:s3+s20], $0x80, s2, s20, $0xb8;
	[tilespmem:$0x1FB80] =	vst v63  }
0x38: {  	p2 =	por $0x1, $0x1;
	_ =	swait.ge [sflag:s17], $0x80  }
0x39: {  	p2 =	por p2, p2;
	[sflag:s17] =	ssyncset.done $0x0  }
0x3a: {  	s25 =	simm.s32 $0x4300;
	s5 =	simm.s32 @!p2 $0xC;
	[sflag:s17] =	ssyncadd.s32 $0xFFFFFF80  }
0x3b: {  	[tilespmem:s25], [sflag:$0x8] =	stream.indirect.gather [hbm4b:s3+s20], $0x80, s20, s20, $0xb8;
	[tilespmem:$0x1FB80] =	vst v63  }
0x3c: {  	_ =	swait.ge @!p2 [sflag:s5], $0x4000  }
0x3d: {  	s13 =	sadd.s32 $0x0, s18;
	[sflag:s5] =	ssyncset.done @!p2 $0x0  }
0x3e: {  	s28 =	sadd.s32 $0x400, s13;
	[sflag:s5] =	ssyncadd.s32 @!p2 $0xFFFFC000  }
0x3f: {  	[tilespmem:s30], [sflag:$0x6] =	stream.linear.gather [hbm4b:s28+s2], $0x80, $0x38;
	[tilespmem:$0x1FB80] =	vst v63  }
0x40: {  	_ =	swait.ge [sflag:s31], $0x80  }
0x41: {  	[sflag:s31] =	ssyncset.done $0x0  }
0x42: {  	[sflag:s31] =	ssyncadd.s32 $0xFFFFFF80  }
0x43: {  	[tilespmem:s0], [sflag:$0x9] =	stream.indirect.gather [hbm4b:s3+s20], $0x80, s21, s20, $0xb8;
	[tilespmem:$0x1FB80] =	vst v63  }
0x44: {  	_ =	swait.ge [sflag:s22], $0x4000  }
0x45: {  	p2 =	sle.u32 s4, $0x3;
	[sflag:s22] =	ssyncset.done $0x0  }
0x46: {  	s5 =	simm.s32 @p2 $0x4;
	[sflag:s22] =	ssyncadd.s32 $0xFFFFC000  }
0x47: {  	_ =	swait.ge @p2 [sflag:s5], $0x80  }
0x48: {  	s13 =	sadd.s32 @!p2 $0x0, s19;
	s14 =	simm.s32 @p2 $0x300;
	[sflag:s5] =	ssyncset.done @p2 $0x0  }
0x49: {  	s15 =	simm.s32 @p2 $0x180;
	[sflag:s5] =	ssyncadd.s32 @p2 $0xFFFFFF80;
	s5 =	simm.s32 @p2 $0x80  }
0x4a: {  	[spmem:s1] =	stream.indirect.scatter.add.f32 @p2 [tilespmem:s14], [sflag:$0xA], $0x80, s15, s5, $0xb8;
	[tilespmem:$0x1FB80] =	vst v63  }
0x4b: {  	s5 =	sadd.s32 @!p2 $0x600, s13;
	s13 =	simm.s32 @!p2 $0x0;
	s14 =	simm.s32 @!p2 $0x4  }
0x4c: {  	[tilespmem:s13], [sflag:$0x1] =	stream.linear.gather @!p2 [hbm4b:s5+s13], $0x80, $0x38;
	[tilespmem:$0x1FB80] =	vst v63  }
0x4d: {  	_ =	swait.ge @!p2 [sflag:s14], $0x80  }
0x4e: {  	s16 =	simm.s32 @!p2 $0x180;
	s15 =	simm.s32 @!p2 $0xA;
	[sflag:s14] =	ssyncset.done @!p2 $0x0  }
0x4f: {  	s5 =	simm.s32 @!p2 $0x300;
	[sflag:s14] =	ssyncadd.s32 @!p2 $0xFFFFFF80;
	s14 =	simm.s32 @!p2 $0x80  }
0x50: {  	[spmem:s1] =	stream.indirect.scatter.add.f32 @!p2 [tilespmem:s5], [sflag:$0xA], $0x80, s16, s14, $0xb8;
	[tilespmem:$0x1FB80] =	vst v63  }
0x51: {  	_ =	swait.ge @!p2 [sflag:s15], $0x4000  }
0x52: {  	s17 =	sadd.s32 @!p2 $0x0, s18;
	[sflag:s15] =	ssyncset.done @!p2 $0x0  }
0x53: {  	s17 =	sadd.s32 @!p2 $0x600, s17;
	[sflag:s15] =	ssyncadd.s32 @!p2 $0xFFFFC000;
	s15 =	simm.s32 @!p2 $0x1  }
0x54: {  	[tilespmem:s16], [sflag:$0x4] =	stream.linear.gather @!p2 [hbm4b:s17+s13], $0x80, $0x38;
	[tilespmem:$0x1FB80] =	vst v63  }
0x55: {  	_ =	swait.ge @!p2 [sflag:s15], $0x80  }
0x56: {  	[sflag:s15] =	ssyncset.done @!p2 $0x0  }
0x57: {  	[sflag:s15] =	ssyncadd.s32 @!p2 $0xFFFFFF80  }
0x58: {  	[tilespmem:s5], [sflag:$0x7] =	stream.indirect.gather @!p2 [hbm4b:s3+s14], $0x80, s13, s14, $0xb8;
	[tilespmem:$0x1FB80] =	vst v63  }
0x59: {  	_ =	swait.ge [sflag:s23], $0x4000  }
0x5a: {  	p2 =	sle.u32 s4, $0x4;
	[sflag:s23] =	ssyncset.done $0x0  }
0x5b: {  	s5 =	simm.s32 @p2 $0x5;
	[sflag:s23] =	ssyncadd.s32 $0xFFFFC000  }
0x5c: {  	s13 =	sadd.s32 @!p2 $0x0, s19;
	_ =	swait.ge @p2 [sflag:s5], $0x80  }
0x5d: {  	s14 =	simm.s32 @p2 $0x4300;
	s15 =	simm.s32 @p2 $0x200;
	[sflag:s5] =	ssyncset.done @p2 $0x0  }
0x5e: {  	s13 =	sadd.s32 @!p2 $0x800, s13;
	[sflag:s5] =	ssyncadd.s32 @p2 $0xFFFFFF80;
	s5 =	simm.s32 @p2 $0x80  }
0x5f: {  	[spmem:s1] =	stream.indirect.scatter.add.f32 @p2 [tilespmem:s14], [sflag:$0xB], $0x80, s15, s5, $0xb8;
	[tilespmem:$0x1FB80] =	vst v63  }
0x60: {  	s5 =	simm.s32 @!p2 $0x0;
	s14 =	simm.s32 @!p2 $0x80;
	s15 =	simm.s32 @!p2 $0x5  }
0x61: {  	[tilespmem:s14], [sflag:$0x2] =	stream.linear.gather @!p2 [hbm4b:s13+s5], $0x80, $0x38;
	[tilespmem:$0x1FB80] =	vst v63  }
0x62: {  	_ =	swait.ge @!p2 [sflag:s15], $0x80  }
0x63: {  	s16 =	simm.s32 @!p2 $0x4300;
	[sflag:s15] =	ssyncset.done @!p2 $0x0  }
0x64: {  	s13 =	simm.s32 @!p2 $0xB;
	[sflag:s15] =	ssyncadd.s32 @!p2 $0xFFFFFF80;
	s15 =	simm.s32 @!p2 $0x200  }
0x65: {  	[spmem:s1] =	stream.indirect.scatter.add.f32 @!p2 [tilespmem:s16], [sflag:$0xB], $0x80, s15, s14, $0xb8;
	[tilespmem:$0x1FB80] =	vst v63  }
0x66: {  	_ =	swait.ge @!p2 [sflag:s13], $0x4000  }
0x67: {  	s17 =	sadd.s32 @!p2 $0x0, s18;
	[sflag:s13] =	ssyncset.done @!p2 $0x0  }
0x68: {  	[sflag:s13] =	ssyncadd.s32 @!p2 $0xFFFFC000;
	s13 =	sadd.s32 @!p2 $0x800, s17  }
0x69: {  	[tilespmem:s15], [sflag:$0x5] =	stream.linear.gather @!p2 [hbm4b:s13+s5], $0x80, $0x38;
	[tilespmem:$0x1FB80] =	vst v63  }
0x6a: {  	s5 =	simm.s32 @!p2 $0x2  }
0x6b: {  	_ =	swait.ge @!p2 [sflag:s5], $0x80  }
0x6c: {  	[sflag:s5] =	ssyncset.done @!p2 $0x0  }
0x6d: {  	[sflag:s5] =	ssyncadd.s32 @!p2 $0xFFFFFF80  }
0x6e: {  	[tilespmem:s16], [sflag:$0x8] =	stream.indirect.gather @!p2 [hbm4b:s3+s14], $0x80, s14, s14, $0xb8;
	[tilespmem:$0x1FB80] =	vst v63  }
0x6f: {  	p2 =	sle.u32 s4, $0x5;
	_ =	swait.ge [sflag:s26], $0x4000  }
0x70: {  	s5 =	sadd.s32 @!p2 $0x0, s19;
	s13 =	simm.s32 @!p2 $0x100;
	[sflag:s26] =	ssyncset.done $0x0  }
0x71: {  	s14 =	simm.s32 @!p2 $0x0;
	s5 =	sadd.s32 @!p2 $0xA00, s5;
	[sflag:s26] =	ssyncadd.s32 $0xFFFFC000  }
0x72: {  	[tilespmem:s13], [sflag:$0x3] =	stream.linear.gather @!p2 [hbm4b:s5+s14], $0x80, $0x38;
	[tilespmem:$0x1FB80] =	vst v63  }
0x73: {  	p6 =	por $0x0, $0x0;
	_ =	swait.ge [sflag:s29], $0x80  }
0x74: {  	s5 =	simm.s32 $0x600;
	s14 =	simm.s32 $0xC00;
	[sflag:s29] =	ssyncset.done $0x0  }
0x75: {  	p2 =	por p6, p6;
	s13 =	simm.s32 $0x8;
	[sflag:s29] =	ssyncadd.s32 $0xFFFFFF80  }
.LBB2_2:
0x76: {  	[spmem:s1] =	stream.indirect.scatter.add.f32 [tilespmem:s0], [sflag:$0xC], $0x80, s30, s20, $0xb8;
	[tilespmem:$0x1FB80] =	vst v63  }
0x77: {  	s15 =	smov.u32 s14  }
0x78: {  	s14 =	sadd.s32 $0x600, s14;
	s16 =	simm.s32 @!p2 $0xC;
	p4 =	seq.s32 s15, $0x0  }
0x79: {  	p3 =	sne.s32 s14, $0x9C00;
	_ =	swait.ge @!p2 [sflag:s16], $0x4000  }
0x7a: {  	s17 =	sadd.s32 s5, s18;
	[sflag:s16] =	ssyncset.done @!p2 $0x0  }
0x7b: {  	[sflag:s16] =	ssyncadd.s32 @!p2 $0xFFFFC000;
	s16 =	sadd.s32 $0x400, s17;
	p2 =	por p4, p4  }
0x7c: {  	[tilespmem:s30], [sflag:$0x6] =	stream.linear.gather [hbm4b:s16+s2], $0x80, $0x38;
	[tilespmem:$0x1FB80] =	vst v63  }
0x7d: {  	_ =	swait.ge [sflag:s31], $0x80  }
0x7e: {  	[sflag:s31] =	ssyncset.done $0x0  }
0x7f: {  	[sflag:s31] =	ssyncadd.s32 $0xFFFFFF80  }
0x80: {  	[tilespmem:s0], [sflag:$0x9] =	stream.indirect.gather [hbm4b:s3+s20], $0x80, s21, s20, $0xb8;
	[tilespmem:$0x1FB80] =	vst v63  }
0x81: {  	s16 =	sadd.s32 $0xFFFFFFFE, s13;
	_ =	swait.ge [sflag:s22], $0x4000  }
0x82: {  	p4 =	sge.u32 s16, s4;
	[sflag:s22] =	ssyncset.done $0x0  }
0x83: {  	s16 =	simm.s32 @p4 $0x4;
	s17 =	sadd.s32 @!p4 s5, s19;
	[sflag:s22] =	ssyncadd.s32 $0xFFFFC000  }
0x84: {  	s25 =	sadd.s32 @!p4 s5, s18;
	s17 =	sadd.s32 @!p4 $0x600, s17;
	_ =	swait.ge @p4 [sflag:s16], $0x80  }
0x85: {  	s28 =	simm.s32 @p4 $0x300;
	s25 =	sadd.s32 @!p4 $0x600, s25;
	[sflag:s16] =	ssyncset.done @p4 $0x0  }
0x86: {  	s6 =	simm.s32 @p4 $0x180;
	[sflag:s16] =	ssyncadd.s32 @p4 $0xFFFFFF80;
	s16 =	simm.s32 @p4 $0x80  }
0x87: {  	[spmem:s1] =	stream.indirect.scatter.add.f32 @p4 [tilespmem:s28], [sflag:$0xA], $0x80, s6, s16, $0xb8;
	[tilespmem:$0x1FB80] =	vst v63  }
0x88: {  	s6 =	simm.s32 @!p4 $0x0;
	s16 =	simm.s32 @!p4 $0x4  }
0x89: {  	[tilespmem:s6], [sflag:$0x1] =	stream.linear.gather @!p4 [hbm4b:s17+s6], $0x80, $0x38;
	[tilespmem:$0x1FB80] =	vst v63  }
0x8a: {  	_ =	swait.ge @!p4 [sflag:s16], $0x80  }
0x8b: {  	s28 =	simm.s32 @!p4 $0xA;
	s17 =	simm.s32 @!p4 $0x300;
	[sflag:s16] =	ssyncset.done @!p4 $0x0  }
0x8c: {  	s7 =	simm.s32 @!p4 $0x180;
	[sflag:s16] =	ssyncadd.s32 @!p4 $0xFFFFFF80;
	s16 =	simm.s32 @!p4 $0x80  }
0x8d: {  	[spmem:s1] =	stream.indirect.scatter.add.f32 @!p4 [tilespmem:s17], [sflag:$0xA], $0x80, s7, s16, $0xb8;
	[tilespmem:$0x1FB80] =	vst v63  }
0x8e: {  	_ =	swait.ge @!p4 [sflag:s28], $0x4000  }
0x8f: {  	[sflag:s28] =	ssyncset.done @!p4 $0x0  }
0x90: {  	[sflag:s28] =	ssyncadd.s32 @!p4 $0xFFFFC000;
	s28 =	simm.s32 @!p4 $0x1  }
0x91: {  	[tilespmem:s7], [sflag:$0x4] =	stream.linear.gather @!p4 [hbm4b:s25+s6], $0x80, $0x38;
	[tilespmem:$0x1FB80] =	vst v63  }
0x92: {  	_ =	swait.ge @!p4 [sflag:s28], $0x80  }
0x93: {  	[sflag:s28] =	ssyncset.done @!p4 $0x0  }
0x94: {  	[sflag:s28] =	ssyncadd.s32 @!p4 $0xFFFFFF80  }
0x95: {  	[tilespmem:s17], [sflag:$0x7] =	stream.indirect.gather @!p4 [hbm4b:s3+s16], $0x80, s6, s16, $0xb8;
	[tilespmem:$0x1FB80] =	vst v63  }
0x96: {  	s6 =	sadd.s32 $0xFFFFFFFF, s13;
	_ =	swait.ge [sflag:s23], $0x4000  }
0x97: {  	p4 =	sge.u32 s6, s4;
	[sflag:s23] =	ssyncset.done $0x0  }
0x98: {  	s6 =	simm.s32 @p4 $0x5;
	s7 =	sadd.s32 @!p4 s5, s19;
	[sflag:s23] =	ssyncadd.s32 $0xFFFFC000  }
0x99: {  	s16 =	sadd.s32 @!p4 s5, s18;
	s7 =	sadd.s32 @!p4 $0x800, s7;
	_ =	swait.ge @p4 [sflag:s6], $0x80  }
0x9a: {  	s17 =	simm.s32 @p4 $0x4300;
	s16 =	sadd.s32 @!p4 $0x800, s16;
	[sflag:s6] =	ssyncset.done @p4 $0x0  }
0x9b: {  	s25 =	simm.s32 @p4 $0x200;
	[sflag:s6] =	ssyncadd.s32 @p4 $0xFFFFFF80;
	s6 =	simm.s32 @p4 $0x80  }
0x9c: {  	[spmem:s1] =	stream.indirect.scatter.add.f32 @p4 [tilespmem:s17], [sflag:$0xB], $0x80, s25, s6, $0xb8;
	[tilespmem:$0x1FB80] =	vst v63  }
0x9d: {  	s6 =	simm.s32 @!p4 $0x0;
	s17 =	simm.s32 @!p4 $0x80;
	s25 =	simm.s32 @!p4 $0x5  }
0x9e: {  	[tilespmem:s17], [sflag:$0x2] =	stream.linear.gather @!p4 [hbm4b:s7+s6], $0x80, $0x38;
	[tilespmem:$0x1FB80] =	vst v63  }
0x9f: {  	_ =	swait.ge @!p4 [sflag:s25], $0x80  }
0xa0: {  	s7 =	simm.s32 @!p4 $0xB;
	[sflag:s25] =	ssyncset.done @!p4 $0x0  }
0xa1: {  	s28 =	simm.s32 @!p4 $0x4300;
	[sflag:s25] =	ssyncadd.s32 @!p4 $0xFFFFFF80;
	s25 =	simm.s32 @!p4 $0x200  }
0xa2: {  	[spmem:s1] =	stream.indirect.scatter.add.f32 @!p4 [tilespmem:s28], [sflag:$0xB], $0x80, s25, s17, $0xb8;
	[tilespmem:$0x1FB80] =	vst v63  }
0xa3: {  	_ =	swait.ge @!p4 [sflag:s7], $0x4000  }
0xa4: {  	[sflag:s7] =	ssyncset.done @!p4 $0x0  }
0xa5: {  	[sflag:s7] =	ssyncadd.s32 @!p4 $0xFFFFC000;
	s7 =	simm.s32 @!p4 $0x2  }
0xa6: {  	[tilespmem:s25], [sflag:$0x5] =	stream.linear.gather @!p4 [hbm4b:s16+s6], $0x80, $0x38;
	[tilespmem:$0x1FB80] =	vst v63  }
0xa7: {  	_ =	swait.ge @!p4 [sflag:s7], $0x80  }
0xa8: {  	[sflag:s7] =	ssyncset.done @!p4 $0x0  }
0xa9: {  	[sflag:s7] =	ssyncadd.s32 @!p4 $0xFFFFFF80  }
0xaa: {  	[tilespmem:s28], [sflag:$0x8] =	stream.indirect.gather @!p4 [hbm4b:s3+s17], $0x80, s17, s17, $0xb8;
	[tilespmem:$0x1FB80] =	vst v63  }
0xab: {  	p4 =	sge.u32 s13, s4  }
0xac: {  	_ =	swait.ge [sflag:s26], $0x4000;
	s5 =	sadd.s32 @!p4 s5, s19  }
0xad: {  	s6 =	simm.s32 @!p4 $0x100;
	s7 =	simm.s32 @!p4 $0x0;
	[sflag:s26] =	ssyncset.done $0x0  }
.Ltmp0:
0xae: {  	s5 =	sadd.s32 @!p4 $0xA00, s5;
	[sflag:s26] =	ssyncadd.s32 $0xFFFFC000;
	(pc) =	sbr.rel @p3 .LBB2_2-.Ltmp0, $4  }
0xaf: {  	[tilespmem:s6], [sflag:$0x3] =	stream.linear.gather @!p4 [hbm4b:s5+s7], $0x80, $0x38;
	[tilespmem:$0x1FB80] =	vst v63  }
0xb0: {  	s5 =	smov.u32 s15;
	_ =	swait.ge [sflag:s29], $0x80  }
0xb1: {  	[sflag:s29] =	ssyncset.done $0x0  }
0xb2: {  	s13 =	sadd.s32 $0x3, s13;
	[sflag:s29] =	ssyncadd.s32 $0xFFFFFF80  }
0xb3: {  	[spmem:s1] =	stream.indirect.scatter.add.f32 [tilespmem:s0], [sflag:$0xC], $0x80, s30, s20, $0xb8;
	[tilespmem:$0x1FB80] =	vst v63  }
0xb4: {  	s6 =	simm.s32 @!p2 $0xC  }
0xb5: {  	_ =	swait.ge @!p2 [sflag:s6], $0x4000  }
0xb6: {  	s7 =	sadd.s32 s5, s18;
	[sflag:s6] =	ssyncset.done @!p2 $0x0  }
0xb7: {  	s7 =	sadd.s32 $0x400, s7;
	[sflag:s6] =	ssyncadd.s32 @!p2 $0xFFFFC000  }
0xb8: {  	[tilespmem:s30], [sflag:$0x6] =	stream.linear.gather [hbm4b:s7+s2], $0x80, $0x38;
	[tilespmem:$0x1FB80] =	vst v63  }
0xb9: {  	_ =	swait.ge [sflag:s31], $0x80  }
0xba: {  	[sflag:s31] =	ssyncset.done $0x0  }
0xbb: {  	[sflag:s31] =	ssyncadd.s32 $0xFFFFFF80  }
0xbc: {  	[tilespmem:s0], [sflag:$0x9] =	stream.indirect.gather [hbm4b:s3+s20], $0x80, s21, s20, $0xb8;
	[tilespmem:$0x1FB80] =	vst v63  }
0xbd: {  	s14 =	sadd.s32 $0xFFFFFFFE, s13;
	_ =	swait.ge [sflag:s22], $0x4000  }
0xbe: {  	p2 =	sge.u32 s14, s4;
	[sflag:s22] =	ssyncset.done $0x0  }
0xbf: {  	s6 =	simm.s32 @p2 $0x4;
	[sflag:s22] =	ssyncadd.s32 $0xFFFFC000  }
0xc0: {  	_ =	swait.ge @p2 [sflag:s6], $0x80  }
0xc1: {  	s7 =	sadd.s32 @!p2 s5, s19;
	s14 =	simm.s32 @p2 $0x300;
	[sflag:s6] =	ssyncset.done @p2 $0x0  }
0xc2: {  	s15 =	simm.s32 @p2 $0x180;
	[sflag:s6] =	ssyncadd.s32 @p2 $0xFFFFFF80;
	s6 =	simm.s32 @p2 $0x80  }
0xc3: {  	[spmem:s1] =	stream.indirect.scatter.add.f32 @p2 [tilespmem:s14], [sflag:$0xA], $0x80, s15, s6, $0xb8;
	[tilespmem:$0x1FB80] =	vst v63  }
0xc4: {  	s6 =	sadd.s32 @!p2 $0x600, s7;
	s7 =	simm.s32 @!p2 $0x0;
	s14 =	simm.s32 @!p2 $0x4  }
0xc5: {  	[tilespmem:s7], [sflag:$0x1] =	stream.linear.gather @!p2 [hbm4b:s6+s7], $0x80, $0x38;
	[tilespmem:$0x1FB80] =	vst v63  }
0xc6: {  	_ =	swait.ge @!p2 [sflag:s14], $0x80  }
0xc7: {  	s16 =	simm.s32 @!p2 $0x180;
	s15 =	simm.s32 @!p2 $0xA;
	[sflag:s14] =	ssyncset.done @!p2 $0x0  }
0xc8: {  	s6 =	simm.s32 @!p2 $0x300;
	[sflag:s14] =	ssyncadd.s32 @!p2 $0xFFFFFF80;
	s14 =	simm.s32 @!p2 $0x80  }
0xc9: {  	[spmem:s1] =	stream.indirect.scatter.add.f32 @!p2 [tilespmem:s6], [sflag:$0xA], $0x80, s16, s14, $0xb8;
	[tilespmem:$0x1FB80] =	vst v63  }
0xca: {  	_ =	swait.ge @!p2 [sflag:s15], $0x4000  }
0xcb: {  	s17 =	sadd.s32 @!p2 s5, s18;
	[sflag:s15] =	ssyncset.done @!p2 $0x0  }
0xcc: {  	s17 =	sadd.s32 @!p2 $0x600, s17;
	[sflag:s15] =	ssyncadd.s32 @!p2 $0xFFFFC000;
	s15 =	simm.s32 @!p2 $0x1  }
0xcd: {  	[tilespmem:s16], [sflag:$0x4] =	stream.linear.gather @!p2 [hbm4b:s17+s7], $0x80, $0x38;
	[tilespmem:$0x1FB80] =	vst v63  }
0xce: {  	_ =	swait.ge @!p2 [sflag:s15], $0x80  }
0xcf: {  	[sflag:s15] =	ssyncset.done @!p2 $0x0  }
0xd0: {  	[sflag:s15] =	ssyncadd.s32 @!p2 $0xFFFFFF80  }
0xd1: {  	[tilespmem:s6], [sflag:$0x7] =	stream.indirect.gather @!p2 [hbm4b:s3+s14], $0x80, s7, s14, $0xb8;
	[tilespmem:$0x1FB80] =	vst v63  }
0xd2: {  	s15 =	sadd.s32 $0xFFFFFFFF, s13;
	_ =	swait.ge [sflag:s23], $0x4000  }
0xd3: {  	p2 =	sge.u32 s15, s4;
	[sflag:s23] =	ssyncset.done $0x0  }
0xd4: {  	s6 =	simm.s32 @p2 $0x5;
	[sflag:s23] =	ssyncadd.s32 $0xFFFFC000  }
0xd5: {  	s7 =	sadd.s32 @!p2 s5, s19;
	_ =	swait.ge @p2 [sflag:s6], $0x80  }
0xd6: {  	s14 =	simm.s32 @p2 $0x4300;
	s15 =	simm.s32 @p2 $0x200;
	[sflag:s6] =	ssyncset.done @p2 $0x0  }
0xd7: {  	s7 =	sadd.s32 @!p2 $0x800, s7;
	[sflag:s6] =	ssyncadd.s32 @p2 $0xFFFFFF80;
	s6 =	simm.s32 @p2 $0x80  }
0xd8: {  	[spmem:s1] =	stream.indirect.scatter.add.f32 @p2 [tilespmem:s14], [sflag:$0xB], $0x80, s15, s6, $0xb8;
	[tilespmem:$0x1FB80] =	vst v63  }
0xd9: {  	s6 =	simm.s32 @!p2 $0x0;
	s14 =	simm.s32 @!p2 $0x80;
	s15 =	simm.s32 @!p2 $0x5  }
0xda: {  	[tilespmem:s14], [sflag:$0x2] =	stream.linear.gather @!p2 [hbm4b:s7+s6], $0x80, $0x38;
	[tilespmem:$0x1FB80] =	vst v63  }
0xdb: {  	_ =	swait.ge @!p2 [sflag:s15], $0x80  }
0xdc: {  	s16 =	simm.s32 @!p2 $0x4300;
	[sflag:s15] =	ssyncset.done @!p2 $0x0  }
0xdd: {  	s7 =	simm.s32 @!p2 $0xB;
	[sflag:s15] =	ssyncadd.s32 @!p2 $0xFFFFFF80;
	s15 =	simm.s32 @!p2 $0x200  }
0xde: {  	[spmem:s1] =	stream.indirect.scatter.add.f32 @!p2 [tilespmem:s16], [sflag:$0xB], $0x80, s15, s14, $0xb8;
	[tilespmem:$0x1FB80] =	vst v63  }
0xdf: {  	_ =	swait.ge @!p2 [sflag:s7], $0x4000  }
0xe0: {  	s17 =	sadd.s32 @!p2 s5, s18;
	[sflag:s7] =	ssyncset.done @!p2 $0x0  }
0xe1: {  	[sflag:s7] =	ssyncadd.s32 @!p2 $0xFFFFC000;
	s7 =	sadd.s32 @!p2 $0x800, s17  }
0xe2: {  	[tilespmem:s15], [sflag:$0x5] =	stream.linear.gather @!p2 [hbm4b:s7+s6], $0x80, $0x38;
	[tilespmem:$0x1FB80] =	vst v63  }
0xe3: {  	s6 =	simm.s32 @!p2 $0x2  }
0xe4: {  	_ =	swait.ge @!p2 [sflag:s6], $0x80  }
0xe5: {  	[sflag:s6] =	ssyncset.done @!p2 $0x0  }
0xe6: {  	[sflag:s6] =	ssyncadd.s32 @!p2 $0xFFFFFF80  }
0xe7: {  	[tilespmem:s16], [sflag:$0x8] =	stream.indirect.gather @!p2 [hbm4b:s3+s14], $0x80, s14, s14, $0xb8;
	[tilespmem:$0x1FB80] =	vst v63  }
0xe8: {  	p2 =	sge.u32 s13, s4;
	_ =	swait.ge [sflag:s26], $0x4000  }
0xe9: {  	s5 =	sadd.s32 @!p2 s5, s19;
	s6 =	simm.s32 @!p2 $0x100;
	[sflag:s26] =	ssyncset.done $0x0  }
0xea: {  	s7 =	simm.s32 @!p2 $0x0;
	s5 =	sadd.s32 @!p2 $0xA00, s5;
	[sflag:s26] =	ssyncadd.s32 $0xFFFFC000  }
0xeb: {  	[tilespmem:s6], [sflag:$0x3] =	stream.linear.gather @!p2 [hbm4b:s5+s7], $0x80, $0x38;
	[tilespmem:$0x1FB80] =	vst v63  }
0xec: {  	_ =	swait.ge [sflag:s29], $0x80  }
0xed: {  	[sflag:s29] =	ssyncset.done $0x0  }
0xee: {  	s5 =	simm.s32 @!p1 $0x7;
	[sflag:s29] =	ssyncadd.s32 $0xFFFFFF80  }
0xef: {  	[spmem:s1] =	stream.indirect.scatter.add.f32 [tilespmem:s0], [sflag:$0xC], $0x80, s30, s20, $0xb8;
	[tilespmem:$0x1FB80] =	vst v63  }
0xf0: {  	_ =	swait.ge @!p1 [sflag:s5], $0x4000  }
0xf1: {  	[sflag:s5] =	ssyncset.done @!p1 $0x0  }
0xf2: {  	[sflag:s5] =	ssyncadd.s32 @!p1 $0xFFFFC000;
	s5 =	simm.s32 @!p1 $0x4  }
0xf3: {  	_ =	swait.ge @!p1 [sflag:s5], $0x80  }
0xf4: {  	s16 =	simm.s32 $0xA;
	s6 =	simm.s32 @!p1 $0x180;
	[sflag:s5] =	ssyncset.done @!p1 $0x0  }
0xf5: {  	s7 =	simm.s32 @!p1 $0x300;
	[sflag:s5] =	ssyncadd.s32 @!p1 $0xFFFFFF80;
	s5 =	simm.s32 @!p1 $0x80  }
0xf6: {  	[spmem:s1] =	stream.indirect.scatter.add.f32 @!p1 [tilespmem:s7], [sflag:$0xA], $0x80, s6, s5, $0xb8;
	[tilespmem:$0x1FB80] =	vst v63  }
0xf7: {  	_ =	swait.ge [sflag:s16], $0x4000  }
0xf8: {  	[sflag:s16] =	ssyncset.done $0x0  }
0xf9: {  	s17 =	simm.s32 $0xB;
	[sflag:s16] =	ssyncadd.s32 $0xFFFFC000  }
0xfa: {  	_ =	swait.ge [sflag:s17], $0x4000  }
0xfb: {  	[sflag:s17] =	ssyncset.done $0x0  }
0xfc: {  	[sflag:s17] =	ssyncadd.s32 $0xFFFFC000  }
0xfd: {  	_ =	swait.ge [sflag:s8], $0x4000  }
0xfe: {  	[sflag:s8] =	ssyncset.done $0x0  }
0xff: {  	[sflag:s8] =	ssyncadd.s32 $0xFFFFC000  }
0x100: {  	[bflag:$0x0] =	sbarrier.arrive $0xFFFF  }
0x101: {  	s25 =	rddreg [dreg:$0xd]  }
0x102: {  	[hbm:s25], [sflag:s12] =	dma.local [spmem:s10], $0x2700  }
0x103: {  	_ =	swait.ge [sflag:s24], $0x2700  }
0x104: {  	[sflag:s24] =	ssyncset.done $0x0  }
0x105: {  	s5 =	rddreg [dreg:$0xe];
	[sflag:s24] =	ssyncadd.s32 $0xFFFFD900  }
0x106: {  	[hbm:s5], [sflag:s12] =	dma.local @!p0 [spmem:s11], $0x100  }
0x107: {  	s5 =	simm.s32 @!p0 $0xD  }
0x108: {  	_ =	swait.ge @!p0 [sflag:s5], $0x100  }
0x109: {  	s9 =	sadd.s32 $0x1, s9;
	s28 =	rddreg [dreg:$0xf]  }
0x10a: {  	p2 =	sne.s32 s9, s28  }
.Ltmp1:
0x10b: {  	_ = 	snop;
	(pc) =	sbr.rel @p2 .LBB2_1-.Ltmp1, $3  }
0x10c: {  	_ =	sdelay $0x1  }
0x10d: {  	[sflag:s5] =	ssyncset.done @!p0 $0x0  }
0x10e: {  	[sflag:s5] =	ssyncadd.s32 @!p0 $0xFFFFFF00  }
0x10f: {  	_ =	sfence.sel $0x180000  }
0x110: {  	[bflag:$0x0] =	sbarrier.arrive $0xFFFF  }
0x111: {  	_ =	strace $0x9000004D  }
0x112: {  	[bflag:$0x2] =	sbarrier.arrive $0xFFFF  }
0x113: {  	s0 =	rddreg [dreg:$0x3]  }
0x114: {  	s0 =	sadd.s32 @!p0 $0x100000, s0  }
0x115: {  	[sflag:s0] =	ssyncadd.tile.s32 @!p0 $0x1;
	_ =	shalt  }
.Lfunc_end2:
_tile_overlayer_lowered:
.L_overlay_start_2:
0x116: {  	(tag) =	ssettag $0x2  }
0x117: {  	s0 =	rddreg [dreg:$0x0];
	s2 =	stileid.u32  }
0x118: {  	s1 =	rddreg [dreg:$0x1];
	p0 =	sne.s32 s2, $0x0  }
0x119: {  	s3 =	rddreg [dreg:$0x2];
	[bflag:$0x3] =	sbarrier.arrive $0xFFFF;
	s2 =	simm.s32 @!p0 $0x1C0D  }
0x11a: {  	[timem:s3], [sflag:s2] =	dma.local @!p0 [hbm:s0], s1  }
0x11b: {  	s0 =	simm.s32 @!p0 $0xD  }
0x11c: {  	_ =	swait.ge @!p0 [sflag:s0], s1  }
0x11d: {  	s1 =	ssub.s32 @!p0 $0x0, s1;
	[sflag:s0] =	ssyncset.done @!p0 $0x0  }
0x11e: {  	[sflag:s0] =	ssyncadd.s32 @!p0 s1  }
0x11f: {  	[bflag:$0x3] =	sbarrier.arrive $0xFFFF  }
0x120: {  	_ =	shalt  }

// kernel: kernel.8.cloned.1.call-start
scs
__scs_entry_jumppad:
0x0: {  	(pc) =	sbr.rel $0x88, $3  }
0x1: {  	(tag) =	ssettag $0x0;
	lr =	simm.s32 $0x1  }
0x2: {  	[smem:$0x3F99] =	sst lr;
	_ =	strace $0xD0000000  }
0x3: {  	_ = 	snop  }
0x4: {  	_ = 	snop  }
0x5: {  	_ = 	snop  }
0x6: {  	_ = 	snop  }
0x7: {  	_ = 	snop  }
__scs_overlays_trampoline_lowered:
0x8: {  	[smem:$0x3FA8] =	sst s0  }
0x9: {  	[smem:$0x3FA9] =	sst s1  }
0xa: {  	[smem:$0x3FAA] =	sst s2  }
0xb: {  	[smem:$0x3FAB] =	sst s3  }
0xc: {  	[smem:$0x3FAC] =	sst s4  }
0xd: {  	[smem:$0x3FAD] =	sst s5  }
0xe: {  	[smem:$0x3FAE] =	sst s6  }
0xf: {  	[smem:$0x3FAF] =	sst s7  }
0x10: {  	[smem:$0x3FB0] =	sst s8  }
0x11: {  	[smem:$0x3FB1] =	sst s9;
	s0 =	simm.s32 @!p0 $0x0  }
0x12: {  	s1 =	sld [smem:$0x3F97];
	s0 =	simm.s32 @p0 $0x1  }
0x13: {  	[smem:$0x3FB2] =	sst s0;
	s0 =	simm.s32 @!p1 $0x0  }
0x14: {  	s2 =	sld [smem:$0x3F96];
	s0 =	simm.s32 @p1 $0x1  }
0x15: {  	[smem:$0x3FB3] =	sst s0;
	s0 =	simm.s32 @!p2 $0x0  }
0x16: {  	s3 =	sld [smem:$0x3FDB];
	s0 =	simm.s32 @p2 $0x1  }
0x17: {  	s4 =	simm.s32 $0x1BF5;
	[smem:$0x3FB5] =	sst s0  }
0x18: {  	s0 =	sld [smem:$0x3F98];
	_ =	swait.ge [sflag:s4], $0x0  }
0x19: {  	s7 =	sld [smem:$0x3F99]  }
0x1a: {  	s8 =	sadd.s32 $0xFFFFE003, lr  }
0x1b: {  	s9 =	sadd.s32 $0xFFFFFEF7, lr;
	s5 =	simm.s32 $0xFFFFFFFF;
	p2 =	slt.u32 s8, $0xFFFFF086  }
0x1c: {  	p1 =	slt.u32 s9, $0xF7A;
	s5 =	simm.s32 @!p2 $0x0  }
0x1d: {  	s5 =	simm.s32 @p1 $0x1;
	p0 =	seq.s32 s7, s2  }
0x1e: {  	s7 =	smul.u32 @!p0 $0xF7A, s2;
	p2 =	seq.s32 @!p0 s5, $0x0  }
0x1f: {  	s9 =	smul.u32 $0xF7A, s1;
	s8 =	simm.s32 @!p0 $0x1BF5;
	p2 =	por !p2, p0  }
0x20: {  	[sflag:s8] =	ssyncset.s32 @!p0 $0xFFFFF086;
	s6 =	sadd.s32 @!p0 s3, s7;
	s7 =	simm.s32 @!p0 $0x108  }
0x21: {  	s3 =	sadd.s32 s3, s9;
	s6 =	sadd.s32 @!p0 $0x88, s6;
	s7 =	simm.s32 @p2 $0x1082  }
0x22: {  	[simem:s7], [sflag:s8] =	dma.local @!p0 [hbm:s6], $0xF7A  }
0x23: {  	s9 =	sor.u32 $0xD0000000, s2;
	s6 =	simm.s32 $0x108;
	_ =	swait.ge @!p0 [sflag:s8], $0x0  }
0x24: {  	s3 =	sadd.s32 $0x88, s3;
	s6 =	simm.s32 @!p1 $0x1082;
	[sflag:s4] =	ssyncset.s32 $0xFFFFF086  }
0x25: {  	[simem:s6], [sflag:s4] =	dma.local [hbm:s3], $0xF7A  }
0x26: {  	[smem:$0x3F99] =	sst s1;
	(tag) =	ssettag s2;
	_ =	strace s9  }
0x27: {  	s1 =	sld [smem:$0x3FA9]  }
0x28: {  	s2 =	sld [smem:$0x3FAA]  }
0x29: {  	s4 =	sld [smem:$0x3FAC]  }
0x2a: {  	p0 =	seq.s32 s5, $0x0;
	s5 =	sld [smem:$0x3FAD]  }
0x2b: {  	s6 =	sld [smem:$0x3FAE]  }
0x2c: {  	s7 =	sld [smem:$0x3FAF]  }
0x2d: {  	s3 =	simm.s32 $0x108;
	s8 =	sld [smem:$0x3FB0]  }
0x2e: {  	s3 =	simm.s32 @!p0 $0x1082;
	s9 =	sld [smem:$0x3FB1]  }
0x2f: {  	lr =	sadd.s32 s0, s3;
	s0 =	sld [smem:$0x3FA8]  }
0x30: {  	s3 =	sld [smem:$0x3FAB]  }
0x31: {  	[smem:$0x3FB4] =	sst s10  }
0x32: {  	s10 =	sld [smem:$0x3FB2];
	_ =	sdelay $0x3  }
0x33: {  	p0 =	seq.s32 s10, $0x1;
	s10 =	sld [smem:$0x3FB4];
	_ =	sdelay $0x3  }
0x34: {  	[smem:$0x3FB4] =	sst s10  }
0x35: {  	s10 =	sld [smem:$0x3FB3];
	_ =	sdelay $0x3  }
0x36: {  	p1 =	seq.s32 s10, $0x1;
	s10 =	sld [smem:$0x3FB4];
	_ =	sdelay $0x3  }
0x37: {  	[smem:$0x3FB4] =	sst s10  }
0x38: {  	s10 =	sld [smem:$0x3FB5]  }
0x39: {  	_ = 	snop;
	(pc) =	sbr.ind lr, $3  }
0x3a: {  	_ = 	snop  }
0x3b: {  	_ = 	snop  }
0x3c: {  	p2 =	seq.s32 s10, $0x1;
	s10 =	sld [smem:$0x3FB4]  }
0x3d: {  	_ =	shalt  }
0x3e: {  	_ =	shalt  }
0x3f: {  	_ =	shalt  }
0x40: {  	_ =	shalt  }
0x41: {  	_ =	shalt  }
0x42: {  	_ =	shalt  }
0x43: {  	_ =	shalt  }
0x44: {  	_ =	shalt  }
0x45: {  	_ =	shalt  }
0x46: {  	_ =	shalt  }
0x47: {  	_ =	shalt  }
0x48: {  	_ =	shalt  }
0x49: {  	_ =	shalt  }
0x4a: {  	_ =	shalt  }
0x4b: {  	_ =	shalt  }
0x4c: {  	_ =	shalt  }
0x4d: {  	_ =	shalt  }
0x4e: {  	_ =	shalt  }
0x4f: {  	_ =	shalt  }
0x50: {  	_ =	shalt  }
0x51: {  	_ =	shalt  }
0x52: {  	_ =	shalt  }
0x53: {  	_ =	shalt  }
0x54: {  	_ =	shalt  }
0x55: {  	_ =	shalt  }
0x56: {  	_ =	shalt  }
0x57: {  	_ =	shalt  }
0x58: {  	_ =	shalt  }
0x59: {  	_ =	shalt  }
0x5a: {  	_ =	shalt  }
0x5b: {  	_ =	shalt  }
0x5c: {  	_ =	shalt  }
0x5d: {  	_ =	shalt  }
0x5e: {  	_ =	shalt  }
0x5f: {  	_ =	shalt  }
0x60: {  	_ =	shalt  }
0x61: {  	_ =	shalt  }
0x62: {  	_ =	shalt  }
0x63: {  	_ =	shalt  }
0x64: {  	_ =	shalt  }
0x65: {  	_ =	shalt  }
0x66: {  	_ =	shalt  }
0x67: {  	_ =	shalt  }
0x68: {  	_ =	shalt  }
0x69: {  	_ =	shalt  }
0x6a: {  	_ =	shalt  }
0x6b: {  	_ =	shalt  }
0x6c: {  	_ =	shalt  }
0x6d: {  	_ =	shalt  }
0x6e: {  	_ =	shalt  }
0x6f: {  	_ =	shalt  }
0x70: {  	_ =	shalt  }
0x71: {  	_ =	shalt  }
0x72: {  	_ =	shalt  }
0x73: {  	_ =	shalt  }
0x74: {  	_ =	shalt  }
0x75: {  	_ =	shalt  }
0x76: {  	_ =	shalt  }
0x77: {  	_ =	shalt  }
0x78: {  	_ =	shalt  }
0x79: {  	_ =	shalt  }
0x7a: {  	_ =	shalt  }
0x7b: {  	_ =	shalt  }
0x7c: {  	_ =	shalt  }
0x7d: {  	_ =	shalt  }
0x7e: {  	_ =	shalt  }
0x7f: {  	_ =	shalt  }
0x80: {  	_ =	shalt  }
0x81: {  	_ =	shalt  }
0x82: {  	_ =	shalt  }
0x83: {  	_ =	shalt  }
0x84: {  	_ =	shalt  }
0x85: {  	_ =	shalt  }
0x86: {  	_ =	shalt  }
0x87: {  	_ =	shalt  }
.Lfunc_end0:
.L_simem_size_0:
called_computation_lowered:
.L_overlay_start_0:
0x88: {  	s2 =	sld [smem:$0x3FD9]  }
0x89: {  	s3 =	sld [smem:$0x3FFE];
	_ =	sdelay $0x1  }
0x8a: {  	s1 =	srdreg.scid  }
0x8b: {  	s0 =	sand.u32 $0x1, s1  }
0x8c: {  	s16 =	sshll.u32 s0, $0xA;
	s2 =	sadd.s32 s3, s2  }
0x8d: {  	s2 =	sadd.s32 s2, s16  }
0x8e: {  	[smem:$0x3FC0] =	sst s2  }
0x8f: {  	_ = 	snop  }
0x90: {  	(tm) =	ssettm $0x1  }
0x91: {  	s17 =	sld [smem:$0x3FFB];
	_ =	sdelay $0x3  }
0x92: {  	_ =	strace s17  }
0x93: {  	s2 =	sld [smem:$0x3FFC];
	_ =	sdelay $0x3  }
0x94: {  	_ =	strace s2  }
0x95: {  	s2 =	sld [smem:$0x3FFD];
	_ =	sdelay $0x3  }
0x96: {  	_ =	strace s2  }
0x97: {  	_ =	strace $0x8FFFFFFF  }
0x98: {  	s18 =	sld [smem:$0x3FDB];
	_ =	sdelay $0x1  }
0x99: {  	s19 =	simm.s32 $_scs_section_size  }
0x9a: {  	s4 =	simm.s32 $_size__tile_overlayer_lowered;
	s5 =	simm.s32 $_tile_overlayer_lowered  }
0x9b: {  	s22 =	simm.s32 $0x1BFF;
	s21 =	sshll.u32 s5, $0x1;
	s2 =	sadd.s32 s19, s18  }
0x9c: {  	s6 =	simm.s32 $0x0;
	s20 =	sshll.u32 s4, $0x1;
	s4 =	sadd.s32 s21, s2  }
0x9d: {  	[timem:s6], [sflag:s22] =	dma.local [hbm:s4], s20  }
0x9e: {  	_ =	swait.ge [sflag:s22], s20  }
0x9f: {  	s3 =	ssub.s32 $0x0, s20;
	[sflag:s22] =	ssyncset.done $0x0  }
0xa0: {  	[sflag:s22] =	ssyncadd.s32 s3;
	_ =	sdelay $0x1  }
0xa1: {  	s23 =	simm.s32 $0x1B8B  }
0xa2: {  	_ =	swait.ge [sflag:s23], $0x1  }
0xa3: {  	[sflag:s23] =	ssyncset.done $0x0  }
0xa4: {  	s25 =	simm.s32 $0x1B8E;
	s24 =	sld [smem:$0x3FFE];
	[sflag:s23] =	ssyncadd.s32 $0xFFFFFFFF  }
0xa5: {  	s26 =	simm.s32 $execute0_lowered;
	[smem:$0x3FD2] =	sst s25  }
0xa6: {  	s4 =	sshll.u32 s26, $0x1;
	_ =	strace $0x80000046;
	[dreg:$0x1] =	wrdreg $0xFFFFFFFF  }
0xa7: {  	s28 =	simm.s32 $_size_execute0_lowered;
	s2 =	sadd.s32 s2, s4;
	[dreg:$0x0] =	wrdreg $0x0  }
0xa8: {  	s4 =	sshll.u32 s28, $0x1;
	[dreg:$0x2] =	wrdreg s2  }
0xa9: {  	[dreg:$0x3] =	wrdreg s4  }
0xaa: {  	[dreg:$0x4] =	wrdreg $0xC0  }
0xab: {  	_ =	task [dreg:s6], $0x5FFFF  }
0xac: {  	[dreg:$0x1] =	wrdreg $0xFFFFFFFF  }
0xad: {  	[dreg:$0x0] =	wrdreg $0x60  }
0xae: {  	[dreg:$0x2] =	wrdreg s24  }
0xaf: {  	[dreg:$0x3] =	wrdreg $0x68000  }
0xb0: {  	[dreg:$0x4] =	wrdreg $0x9  }
0xb1: {  	_ =	task.clear_ibuf [dreg:s6], $0x5FFFF;
	_ =	strace $0x90000046  }
0xb2: {  	s29 =	simm.s32 $0x9;
	_ =	strace $0x80000048  }
0xb3: {  	_ =	swait.ge [sflag:s29], $0x1  }
0xb4: {  	[sflag:s29] =	ssyncadd.s32 $0xFFFFFFFF  }
0xb5: {  	_ =	strace $0x90000048  }
0xb6: {  	_ =	sfence  }
0xb7: {  	s30 =	sld [smem:$0x0];
	_ =	sdelay $0x2  }
0xb8: {  	s31 =	sshll.u32 s1, $0xD;
	s1 =	sshrl.u32 s1, $0x2  }
0xb9: {  	s3 =	sand.u32 $0x4000, s31;
	s1 =	sadd.s32 s1, s30  }
0xba: {  	s0 =	sor.u32 s3, s0;
	s1 =	sshll.u32 s1, $0x11  }
0xbb: {  	s0 =	sor.u32 s1, s0  }
0xbc: {  	s0 =	sadd.s32 $0x8F2B, s0  }
0xbd: {  	[sflag:s0] =	ssyncadd.remote.s32 $0x1  }
0xbe: {  	_ =	sfence.sel $0xFFFF  }
0xbf: {  	[dreg:$0x0] =	wrdreg $0xFFFFFFFF;
	(pc) =	sbr.abs _section_cstart, $3  }
0xc0: {  	[dreg:$0x1] =	wrdreg $0xFFFFFFFF  }
0xc1: {  	_ =	task.clear_ibuf [dreg:s6], $0x2FFFF;
	_ =	strace $0x9FFFFFFF  }
0xc2: {  	(tm) =	ssettm $0x7FFFFFFF  }
0xc3: {  	_ =	shalt  }
tec
execute0_lowered:
.L_overlay_start_1:
0x0: {  	(tag) =	ssettag $0x1  }
0x1: {  	s9 =	rddreg [dreg:$0x0]  }
0x2: {  	s1 =	rddreg [dreg:$0x1]  }
0x3: {  	s0 =	rddreg [dreg:$0x2];
	s2 =	simm.s32 $0x0  }
0x4: {  	s3 =	stileid.u32;
	s4 =	srdreg.scid;
	s17 =	simm.s32 $0x3  }
0x5: {  	s18 =	simm.s32 $0x1;
	s19 =	simm.s32 $0x80;
	s20 =	simm.s32 $0x100  }
0x6: {  	s21 =	simm.s32 $0x180;
	s22 =	simm.s32 $0x2;
	s23 =	simm.s32 $0x0  }
0x7: {  	[smem:$0x7FF] =	sst s2;
	s10 =	smul.u32 $0x13800, s3;
	s13 =	sand.u32 $0x1, s4  }
0x8: {  	s4 =	sadd.s32 $0x2400, s9;
	s5 =	sadd.s32 $0x33400, s9;
	s11 =	smul.u32 $0x4E000, s3  }
0x9: {  	s12 =	sadd.s32 $0x33C00, s9;
	s15 =	sshll.u32 s3, $0x1;
	s31 =	sshll.u32 s3, $0x8  }
0xa: {  	p0 =	sne.s32 s3, $0x0;
	_ =	strace $0x80000047;
	s6 =	ssub.s32 $0x2, s13  }
0xb: {  	s29 =	smul.u32 $0x138800, s13;
	s15 =	sor.u32 s15, s13;
	s16 =	sshll.u32 s13, $0x7  }
0xc: {  	s7 =	sshrl.u32 s10, $0x3;
	s8 =	sshrl.u32 s6, $0x1;
	s28 =	sshrl.u32 s11, $0x2  }
0xd: {  	s30 =	ssub.s32 $0x9E3, s15;
	s7 =	sadd.s32 s7, s9;
	s14 =	ssub.s32 s6, s8  }
0xe: {  	s6 =	sadd.s32 s28, s1;
	s8 =	sadd.s32 $0x138000, s1;
	s9 =	sadd.s32 $0x33200, s9  }
0xf: {  	s10 =	sadd.s32 s10, s29;
	s11 =	sshrl.u32 s29, $0x3;
	s7 =	sadd.s32 $0xC200, s7  }
0x10: {  	s10 =	sshrl.u32 s10, $0x3;
	s11 =	sadd.s32 s12, s11;
	s13 =	smax.u32 s14, $0x1  }
0x11: {  	s14 =	sor.u32 s16, s31;
	s10 =	sadd.s32 s12, s10;
	s12 =	sshrl.u32 s30, $0x5  }
0x12: {  	s16 =	simm.s32 $0x2800;
	s11 =	sadd.s32 $0x27000, s11;
	s15 =	ssub.s32 $0x4, s12  }
.LBB2_1:
0x13: {  	p2 =	sne.s32 s12, $0x1  }
.Ltmp0:
0x14: {  	_ = 	snop;
	(pc) =	sbr.rel @!p2 .LBB2_3-.Ltmp0, $4  }
0x15: {  	s24 =	sshrl.u32 s14, $0x3;
	p1 =	por $0x1, $0x1  }
0x16: {  	s25 =	simm.s32 $0x80;
	s24 =	sadd.s32 s4, s24;
	s28 =	simm.s32 @!p1 $0x1  }
0x17: {  	[tilespmem:s2], [sflag:$0x1] =	stream.linear.gather [hbm4b:s24+s2], $0x80, $0x38;
	[tilespmem:$0x1A080] =	vst v63  }
0x18: {  	s26 =	smov.u32 s14;
	s24 =	simm.s32 $0x1;
	_ =	swait.ge @!p1 [sflag:s28], $0x80  }
.LBB2_2:
0x19: {  	s29 =	smov.u32 s24;
	s24 =	sadd.s32 $0x1, s24  }
0x1a: {  	[sflag:s28] =	ssyncset.done @!p1 $0x0;
	s26 =	sadd.s32 $0x1000, s26;
	p2 =	sne.s32 s12, s24  }
.Ltmp1:
0x1b: {  	s30 =	sshrl.u32 s26, $0x3;
	[sflag:s28] =	ssyncadd.s32 @!p1 $0xFFFFFF80;
	(pc) =	sbr.rel @p2 .LBB2_2-.Ltmp1, $4  }
0x1c: {  	p1 =	slt.u32 s29, $0x8;
	s28 =	sadd.s32 s4, s30  }
0x1d: {  	[tilespmem:s25], [sflag:$0x1] =	stream.linear.gather [hbm4b:s28+s2], $0x80, $0x38;
	[tilespmem:$0x1A080] =	vst v63  }
0x1e: {  	s28 =	simm.s32 @!p1 $0x1  }
0x1f: {  	s25 =	sadd.s32 $0x80, s25;
	_ =	swait.ge @!p1 [sflag:s28], $0x80  }
.LBB2_3:
0x20: {  	[sflag:s28] =	ssyncset.done @!p1 $0x0  }
0x21: {  	[sflag:s28] =	ssyncadd.s32 @!p1 $0xFFFFFF80  }
0x22: {  	[tilespmem:s16], [sflag:$0x3] =	stream.linear.gather [hbm4b:s5+s2], $0x4000, $0x38;
	[tilespmem:$0x1A080] =	vst v63  }
0x23: {  	_ =	swait.ge [sflag:s17], $0x4000  }
0x24: {  	s24 =	sshll.u32 s3, $0x6;
	[sflag:s17] =	ssyncset.done $0x0  }
0x25: {  	s26 =	sshrl.u32 s6, $0x3;
	s24 =	sor.u32 $0x1C03, s24;
	[sflag:s17] =	ssyncadd.s32 $0xFFFFC000  }
0x26: {  	[spmem:s26], [sflag:s24] =	dma.local [hbm:s7], $0x2700  }
0x27: {  	_ =	swait.ge [sflag:s17], $0x2700  }
0x28: {  	[sflag:s17] =	ssyncset.done $0x0  }
0x29: {  	s25 =	simm.s32 @!p0 $0x3;
	s28 =	sshrl.u32 @!p0 s8, $0x3;
	[sflag:s17] =	ssyncadd.s32 $0xFFFFD900  }
0x2a: {  	[spmem:s28], [sflag:s24] =	dma.local @!p0 [hbm:s9], $0x100  }
0x2b: {  	_ =	swait.ge @!p0 [sflag:s25], $0x100  }
0x2c: {  	[sflag:s25] =	ssyncset.done @!p0 $0x0  }
0x2d: {  	[sflag:s25] =	ssyncadd.s32 @!p0 $0xFFFFFF00  }
0x2e: {  	_ =	swait.ge [sflag:s18], $0x80  }
0x2f: {  	[sflag:s18] =	ssyncset.done $0x0  }
0x30: {  	[sflag:s18] =	ssyncadd.s32 $0xFFFFFF80  }
0x31: {  	_ =	swait.ge [sflag:s18], $0x80  }
0x32: {  	[sflag:s18] =	ssyncset.done $0x0  }
0x33: {  	[sflag:s18] =	ssyncadd.s32 $0xFFFFFF80  }
0x34: {  	_ =	swait.ge [sflag:s18], $0x80  }
0x35: {  	[sflag:s18] =	ssyncset.done $0x0  }
0x36: {  	[sflag:s18] =	ssyncadd.s32 $0xFFFFFF80  }
0x37: {  	_ =	swait.ge [sflag:s18], $0x80  }
0x38: {  	[sflag:s18] =	ssyncset.done $0x0  }
0x39: {  	[sflag:s18] =	ssyncadd.s32 $0xFFFFFF80  }
0x3a: {  	_ =	swait.ge [sflag:s18], $0x80  }
0x3b: {  	[sflag:s18] =	ssyncset.done $0x0  }
0x3c: {  	[sflag:s18] =	ssyncadd.s32 $0xFFFFFF80  }
0x3d: {  	_ =	swait.ge [sflag:s18], $0x80  }
0x3e: {  	[sflag:s18] =	ssyncset.done $0x0  }
0x3f: {  	[sflag:s18] =	ssyncadd.s32 $0xFFFFFF80  }
0x40: {  	_ =	swait.ge [sflag:s18], $0x80  }
0x41: {  	[sflag:s18] =	ssyncset.done $0x0  }
0x42: {  	[sflag:s18] =	ssyncadd.s32 $0xFFFFFF80  }
0x43: {  	_ =	swait.ge [sflag:s18], $0x80  }
0x44: {  	[sflag:s18] =	ssyncset.done $0x0  }
0x45: {  	[sflag:s18] =	ssyncadd.s32 $0xFFFFFF80  }
0x46: {  	[bflag:$0x0] =	sbarrier.arrive $0xFFFF  }
0x47: {  	[spmem:s1] =	stream.indirect.scatter.add.f32 [tilespmem:s16], [sflag:$0x2], $0x80, s2, s19, $0xb8;
	[tilespmem:$0x1A080] =	vst v63  }
0x48: {  	_ = 	snop  }
0x49: {  	[spmem:s1] =	stream.indirect.scatter.add.f32 [tilespmem:s16], [sflag:$0x2], $0x80, s19, s19, $0xb8;
	[tilespmem:$0x1A080] =	vst v63  }
0x4a: {  	s30 =	sadd.s32 $0x1, s15  }
0x4b: {  	[spmem:s1] =	stream.indirect.scatter.add.f32 [tilespmem:s16], [sflag:$0x2], $0x80, s20, s19, $0xb8;
	[tilespmem:$0x1A080] =	vst v63  }
0x4c: {  	p1 =	seq.s32 s30, $0x0  }
0x4d: {  	[spmem:s1] =	stream.indirect.scatter.add.f32 [tilespmem:s16], [sflag:$0x2], $0x80, s21, s19, $0xb8;
	[tilespmem:$0x1A080] =	vst v63  }
.Ltmp2:
0x4e: {  	_ = 	snop;
	(pc) =	sbr.rel @p1 .LBB2_5-.Ltmp2, $4  }
0x4f: {  	s29 =	simm.s32 $0x200  }
0x50: {  	[spmem:s1] =	stream.indirect.scatter.add.f32 [tilespmem:s16], [sflag:$0x2], $0x80, s29, s19, $0xb8;
	[tilespmem:$0x1A080] =	vst v63  }
0x51: {  	_ =	swait.ge [sflag:s22], $0x4000  }
0x52: {  	[sflag:s22] =	ssyncset.done $0x0  }
.LBB2_4:
0x53: {  	s30 =	sadd.s32 $0x1, s30  }
0x54: {  	[sflag:s22] =	ssyncadd.s32 $0xFFFFC000;
	s29 =	sadd.s32 $0x80, s29;
	p1 =	seq.s32 s30, $0x0  }
.Ltmp3:
0x55: {  	(pc) =	sbr.rel @!p1 .LBB2_4-.Ltmp3, $4  }
0x56: {  	_ = 	snop  }
0x57: {  	[spmem:s1] =	stream.indirect.scatter.add.f32 [tilespmem:s16], [sflag:$0x2], $0x80, s29, s19, $0xb8;
	[tilespmem:$0x1A080] =	vst v63  }
0x58: {  	_ =	swait.ge [sflag:s22], $0x4000  }
0x59: {  	[sflag:s22] =	ssyncset.done $0x0  }
.LBB2_5:
0x5a: {  	[sflag:s22] =	ssyncadd.s32 $0xFFFFC000  }
0x5b: {  	_ =	swait.ge [sflag:s22], $0x4000  }
0x5c: {  	[sflag:s22] =	ssyncset.done $0x0  }
0x5d: {  	[sflag:s22] =	ssyncadd.s32 $0xFFFFC000  }
0x5e: {  	_ =	swait.ge [sflag:s22], $0x4000  }
0x5f: {  	[sflag:s22] =	ssyncset.done $0x0  }
0x60: {  	[sflag:s22] =	ssyncadd.s32 $0xFFFFC000  }
0x61: {  	_ =	swait.ge [sflag:s22], $0x4000  }
0x62: {  	[sflag:s22] =	ssyncset.done $0x0  }
0x63: {  	[sflag:s22] =	ssyncadd.s32 $0xFFFFC000  }
0x64: {  	_ =	swait.ge [sflag:s22], $0x4000  }
0x65: {  	[sflag:s22] =	ssyncset.done $0x0  }
0x66: {  	[sflag:s22] =	ssyncadd.s32 $0xFFFFC000  }
0x67: {  	[bflag:$0x0] =	sbarrier.arrive $0xFFFF  }
0x68: {  	[hbm:s10], [sflag:s24] =	dma.local [spmem:s26], $0x2700  }
0x69: {  	s23 =	sadd.s32 $0x1, s23;
	_ =	swait.ge [sflag:s17], $0x2700  }
0x6a: {  	p1 =	sne.s32 s23, s13;
	[sflag:s17] =	ssyncset.done $0x0  }
.Ltmp4:
0x6b: {  	[sflag:s17] =	ssyncadd.s32 $0xFFFFD900;
	(pc) =	sbr.rel @p1 .LBB2_1-.Ltmp4, $4  }
0x6c: {  	[hbm:s11], [sflag:s24] =	dma.local @!p0 [spmem:s28], $0x100  }
0x6d: {  	_ =	swait.ge @!p0 [sflag:s25], $0x100  }
0x6e: {  	[sflag:s25] =	ssyncset.done @!p0 $0x0  }
0x6f: {  	[sflag:s25] =	ssyncadd.s32 @!p0 $0xFFFFFF00  }
0x70: {  	_ =	sfence.sel $0x180000  }
0x71: {  	[bflag:$0x0] =	sbarrier.arrive $0xFFFF  }
0x72: {  	_ =	strace $0x90000047  }
0x73: {  	s0 =	sadd.s32 @!p0 $0x100000, s0;
	[bflag:$0x2] =	sbarrier.arrive $0xFFFF  }
0x74: {  	[sflag:s0] =	ssyncadd.tile.s32 @!p0 $0x1;
	_ =	shalt  }
.Lfunc_end2:
_tile_overlayer_lowered:
.L_overlay_start_2:
0x75: {  	(tag) =	ssettag $0x2  }
0x76: {  	s0 =	rddreg [dreg:$0x0];
	s2 =	stileid.u32  }
0x77: {  	s1 =	rddreg [dreg:$0x1];
	p0 =	sne.s32 s2, $0x0  }
0x78: {  	s3 =	rddreg [dreg:$0x2];
	[bflag:$0x3] =	sbarrier.arrive $0xFFFF;
	s2 =	simm.s32 @!p0 $0x1C03  }
0x79: {  	[timem:s3], [sflag:s2] =	dma.local @!p0 [hbm:s0], s1  }
0x7a: {  	s0 =	simm.s32 @!p0 $0x3  }
0x7b: {  	_ =	swait.ge @!p0 [sflag:s0], s1  }
0x7c: {  	s1 =	ssub.s32 @!p0 $0x0, s1;
	[sflag:s0] =	ssyncset.done @!p0 $0x0  }
0x7d: {  	[sflag:s0] =	ssyncadd.s32 @!p0 s1  }
0x7e: {  	[bflag:$0x3] =	sbarrier.arrive $0xFFFF  }
0x7f: {  	_ =	shalt  }

</sc_bundles>
